<compile_context>
chip_gen: v7x
topology: tpu7x:2x2x1
jax: 0.10.2.dev20260603
libtpu: 0.0.44.dev20260713+nightly
codegen_flags: <defaults>
</compile_context>

<pallas_src>
import functools

import jax
import jax.numpy as jnp
from jax import lax
from jax.experimental import pallas as pl
from jax.experimental.pallas import tpu as pltpu
from jax.experimental.pallas import tpu_sc as plsc

N = 10000
E = 320000
P = 50000
H = 128
D_PAIR = 16

NC = 2
NS = 16
NW = NC * NS
CH = 128
WH = 16

NPAD = 10240
ROWS_PER_TILE = NPAD // NS
TRASH = 10112
ECH = 80
EPAD = NW * ECH * CH
PCH = 32
PHALF = (NW * PCH * CH) // 2
GROWS = 2 * PHALF
MROWS = 53248

_mesh = plsc.VectorSubcoreMesh(core_axis_name="c", subcore_axis_name="s")


@functools.partial(
    pl.kernel,
    out_type=jax.ShapeDtypeStruct((NC * NPAD, WH), jnp.float32),
    mesh=_mesh,
    scratch_types=[
        pltpu.VMEM((ECH, CH), jnp.int32),
        pltpu.VMEM((CH, WH), jnp.float32),
        pltpu.VMEM((CH, WH), jnp.float32),
        pltpu.VMEM_SHARED((NPAD, WH), jnp.float32),
    ],
)
def _sc_hist(dst_hbm, ones_hbm, z_hbm, out_hbm, dst_v, ones_v, z_v, acc):
    cid = lax.axis_index("c")
    sid = lax.axis_index("s")
    wid = cid * NS + sid
    pltpu.sync_copy(dst_hbm.at[pl.ds(wid * ECH, ECH)], dst_v)
    pltpu.sync_copy(ones_hbm, ones_v)
    pltpu.sync_copy(z_hbm, z_v)
    for z in range(ROWS_PER_TILE // CH):
        pltpu.sync_copy(z_v, acc.at[pl.ds(sid * ROWS_PER_TILE + z * CH, CH)])
    plsc.subcore_barrier()

    def body(j, carry):
        pltpu.sync_copy(ones_v, acc.at[dst_v.at[j]], add=True)
        return carry

    lax.fori_loop(0, ECH, body, 0)
    plsc.subcore_barrier()
    pltpu.sync_copy(
        acc.at[pl.ds(sid * ROWS_PER_TILE, ROWS_PER_TILE)],
        out_hbm.at[pl.ds(cid * NPAD + sid * ROWS_PER_TILE, ROWS_PER_TILE)],
    )


QCH = 16


@functools.partial(
    pl.kernel,
    out_type=jax.ShapeDtypeStruct((NC * NPAD, H), jnp.float32),
    mesh=_mesh,
    scratch_types=[
        pltpu.VMEM((QCH, CH), jnp.int32),
        pltpu.VMEM((QCH, CH), jnp.int32),
        pltpu.VMEM((CH, H), jnp.float32),
        pltpu.VMEM((CH, H), jnp.float32),
        pltpu.VMEM_SHARED((NPAD, H), jnp.float32),
        pltpu.SemaphoreType.DMA,
        pltpu.SemaphoreType.DMA,
    ],
)
def _sc_scatter(g_hbm, src_hbm, dst_hbm, z_hbm, out_hbm,
                src_v, dst_v, buf0, buf1, acc, sem0, sem1):
    cid = lax.axis_index("c")
    sid = lax.axis_index("s")
    wid = cid * NS + sid
    pltpu.sync_copy(z_hbm, buf0)
    for z in range(ROWS_PER_TILE // CH):
        pltpu.sync_copy(buf0, acc.at[pl.ds(sid * ROWS_PER_TILE + z * CH, CH)])
    plsc.subcore_barrier()

    def quarter(q, carry):
        qbase = wid * ECH + q * QCH
        pltpu.sync_copy(src_hbm.at[pl.ds(qbase, QCH)], src_v)
        pltpu.sync_copy(dst_hbm.at[pl.ds(qbase, QCH)], dst_v)

        def body(j, c):
            pltpu.async_copy(g_hbm.at[src_v.at[j]], buf1, sem1).wait()
            pltpu.sync_copy(buf1, acc.at[dst_v.at[j]], add=True)
            return c

        return lax.fori_loop(0, QCH, body, carry)

    lax.fori_loop(0, ECH // QCH, quarter, 0)
    plsc.subcore_barrier()
    pltpu.sync_copy(
        acc.at[pl.ds(sid * ROWS_PER_TILE, ROWS_PER_TILE)],
        out_hbm.at[pl.ds(cid * NPAD + sid * ROWS_PER_TILE, ROWS_PER_TILE)],
    )


@functools.partial(
    pl.kernel,
    out_type=jax.ShapeDtypeStruct((GROWS, H), jnp.float32),
    mesh=_mesh,
    scratch_types=[
        pltpu.VMEM((PCH, CH), jnp.int32),
        pltpu.VMEM((CH, H), jnp.float32),
        pltpu.SemaphoreType.DMA,
    ],
)
def _sc_gather(x_hbm, idx_hbm, out_hbm, idx_v, buf0, sem0):
    cid = lax.axis_index("c")
    sid = lax.axis_index("s")
    wid = cid * NS + sid
    base = wid * PCH
    pltpu.sync_copy(idx_hbm.at[pl.ds(base, PCH)], idx_v)

    def body(j, carry):
        pltpu.async_copy(x_hbm.at[idx_v.at[j]], buf0, sem0).wait()
        pltpu.sync_copy(buf0, out_hbm.at[pl.ds((base + j) * CH, CH)])
        return carry

    lax.fori_loop(0, PCH, body, 0)


def _tc_emb_body(atom_ref, wemb_ref, bemb_ref, hist_ref, w0_ref, g0_ref, dis_ref):
    x = jnp.dot(atom_ref[...], wemb_ref[...],
                preferred_element_type=jnp.float32) + bemb_ref[...]
    hs = hist_ref[:NPAD, 0:1] + hist_ref[NPAD:, 0:1]
    dis = lax.rsqrt(1.0 + hs)
    dis_ref[...] = dis
    g0_ref[...] = dis * jnp.dot(x, w0_ref[...], preferred_element_type=jnp.float32)


def _tc_emb(atom_p, w_emb, b_emb, hist, w0):
    return pl.pallas_call(
        _tc_emb_body,
        out_shape=(
            jax.ShapeDtypeStruct((NPAD, H), jnp.float32),
            jax.ShapeDtypeStruct((NPAD, 1), jnp.float32),
        ),
    )(atom_p, w_emb, b_emb, hist, w0)


def _tc_layer_body(parts_ref, g_ref, dis_ref, b_ref, gam_ref, bet_ref, w_ref,
                   out_ref, *, last):
    dis = dis_ref[...]
    pre = dis * (parts_ref[:NPAD] + parts_ref[NPAD:] + g_ref[...]) + b_ref[...]
    real = pre[:N]
    mu = jnp.mean(real, axis=0, keepdims=True)
    var = jnp.mean((real - mu) ** 2, axis=0, keepdims=True)
    xn = (pre - mu) * lax.rsqrt(var + 1e-5) * gam_ref[...] + bet_ref[...]
    xn = jnp.maximum(xn, 0.0)
    if last:
        out_ref[...] = xn
    else:
        out_ref[...] = dis * jnp.dot(xn, w_ref[...],
                                     preferred_element_type=jnp.float32)


def _tc_layer(parts, g, dis, b, gam, bet, w, last):
    return pl.pallas_call(
        functools.partial(_tc_layer_body, last=last),
        out_shape=jax.ShapeDtypeStruct((NPAD, H), jnp.float32),
    )(parts, g, dis, b, gam, bet, w)


def _tc_mlp_body(a0_ref, a1_ref, pf_ref, w1a_ref, w1b_ref, w1c_ref, b1_ref,
                 w2_ref, b2_ref, w3_ref, b3_ref, out_ref):
    h1 = (jnp.dot(a0_ref[...], w1a_ref[...], preferred_element_type=jnp.float32)
          + jnp.dot(a1_ref[...], w1b_ref[...], preferred_element_type=jnp.float32)
          + jnp.dot(pf_ref[...], w1c_ref[...], preferred_element_type=jnp.float32)
          + b1_ref[...])
    h1 = jnp.maximum(h1, 0.0)
    h2 = jnp.maximum(jnp.dot(h1, w2_ref[...],
                             preferred_element_type=jnp.float32) + b2_ref[...], 0.0)
    out_ref[...] = jnp.dot(h2, w3_ref[...],
                           preferred_element_type=jnp.float32) + b3_ref[...]


def _tc_mlp(arows, pf_p, w1a, w1b, w1c, b1, w2, b2, w3, b3):
    blk = 4096
    nblk = MROWS // blk
    half = PHALF // blk
    wspec = lambda shape: pl.BlockSpec(shape, lambda i: (0, 0))
    return pl.pallas_call(
        _tc_mlp_body,
        grid=(nblk,),
        in_specs=[
            pl.BlockSpec((blk, H), lambda i: (i, 0)),
            pl.BlockSpec((blk, H), lambda i: (i + half, 0)),
            pl.BlockSpec((blk, D_PAIR), lambda i: (i, 0)),
            wspec((H, H)), wspec((H, H)), wspec((D_PAIR, H)), wspec((1, H)),
            wspec((H, H // 2)), wspec((1, H // 2)),
            wspec((H // 2, 1)), wspec((1, 1)),
        ],
        out_specs=pl.BlockSpec((blk, 1), lambda i: (i, 0)),
        out_shape=jax.ShapeDtypeStruct((MROWS, 1), jnp.float32),
    )(arows, arows, pf_p, w1a, w1b, w1c, b1, w2, b2, w3, b3)


def kernel(atom_features, edge_index, pair_indices, pair_features, W_emb, b_emb,
           conv_W, conv_b, bn_gamma, bn_beta, mlp_W1, mlp_b1, mlp_W2, mlp_b2,
           mlp_W3, mlp_b3):
    f32 = jnp.float32
    epad = jnp.full((EPAD - E,), TRASH, jnp.int32)
    srcp = jnp.concatenate([edge_index[0], epad]).reshape(NW * ECH, CH)
    dstp = jnp.concatenate([edge_index[1], epad]).reshape(NW * ECH, CH)

    ones16 = jnp.ones((CH, WH), f32)
    z16 = jnp.zeros((CH, WH), f32)
    z128 = jnp.zeros((CH, H), f32)

    hist = _sc_hist(dstp, ones16, z16)

    atom_p = jnp.pad(atom_features, ((0, NPAD - N), (0, 0)))
    g, dis = _tc_emb(atom_p, W_emb, b_emb.reshape(1, H), hist, conv_W[0])

    for i in range(3):
        parts = _sc_scatter(g, srcp, dstp, z128)
        last = i == 2
        g = _tc_layer(parts, g, dis, conv_b[i].reshape(1, H),
                      bn_gamma[i].reshape(1, H), bn_beta[i].reshape(1, H),
                      conv_W[i + 1] if not last else conv_W[0], last)

    ppad = jnp.zeros((PHALF - P,), jnp.int32)
    gidx = jnp.concatenate(
        [pair_indices[:, 0], ppad, pair_indices[:, 1], ppad]
    ).reshape(NW * PCH, CH)
    arows = _sc_gather(g, gidx)

    pf_p = jnp.pad(pair_features, ((0, MROWS - P), (0, 0)))
    out = _tc_mlp(arows, pf_p,
                  mlp_W1[:H], mlp_W1[H:2 * H], mlp_W1[2 * H:],
                  mlp_b1.reshape(1, H), mlp_W2, mlp_b2.reshape(1, H // 2),
                  mlp_W3, mlp_b3.reshape(1, 1))
    return out[:P]

# --- scband reference (transcript-rebuilt; emitter-appended) ---
"""Pipeline reference for scband-coupling-gcn-16329465660189 (READ-ONLY COPY).

The authoritative reference and input builder live on the scoring server;
editing this copy changes nothing except your own understanding.
"""

import jax, jax.numpy as jnp
import numpy as np

N = 10000
E = 320000
P = 50000
D_ATOM = 128
D_PAIR = 16
H = 128
L = 3


def setup_inputs(seed: int = 0) -> dict:
    key = jax.random.key(seed)
    ks = jax.random.split(key, 20)
    inp = {}
    inp["atom_features"] = jax.random.normal(ks[0], (N, D_ATOM), dtype=jnp.float32)
    inp["edge_index"] = jax.random.randint(ks[1], (2, E), 0, N, dtype=jnp.int32)
    inp["pair_indices"] = jax.random.randint(ks[2], (P, 2), 0, N, dtype=jnp.int32)
    inp["pair_features"] = jax.random.normal(ks[3], (P, D_PAIR), dtype=jnp.float32)
    # parameters
    inp["W_emb"] = jax.random.normal(ks[4], (D_ATOM, H), dtype=jnp.float32) * (1.0 / np.sqrt(D_ATOM))
    inp["b_emb"] = jnp.zeros((H,), dtype=jnp.float32)
    inp["conv_W"] = jax.random.normal(ks[5], (L, H, H), dtype=jnp.float32) * (1.0 / np.sqrt(H))
    inp["conv_b"] = jnp.zeros((L, H), dtype=jnp.float32)
    inp["bn_gamma"] = jnp.ones((L, H), dtype=jnp.float32)
    inp["bn_beta"] = jnp.zeros((L, H), dtype=jnp.float32)
    inp["mlp_W1"] = jax.random.normal(ks[6], (2 * H + D_PAIR, H), dtype=jnp.float32) * (1.0 / np.sqrt(2 * H + D_PAIR))
    inp["mlp_b1"] = jnp.zeros((H,), dtype=jnp.float32)
    inp["mlp_W2"] = jax.random.normal(ks[7], (H, H // 2), dtype=jnp.float32) * (1.0 / np.sqrt(H))
    inp["mlp_b2"] = jnp.zeros((H // 2,), dtype=jnp.float32)
    inp["mlp_W3"] = jax.random.normal(ks[8], (H // 2, 1), dtype=jnp.float32) * (1.0 / np.sqrt(H // 2))
    inp["mlp_b3"] = jnp.zeros((1,), dtype=jnp.float32)
    return inp


def reference(atom_features, edge_index, pair_indices, pair_features, W_emb, b_emb, conv_W, conv_b, bn_gamma, bn_beta, mlp_W1, mlp_b1, mlp_W2, mlp_b2, mlp_W3, mlp_b3):
    num_nodes = atom_features.shape[0]
    x = atom_features @ W_emb + b_emb
    # GCN normalization with self loops (PyG gcn_norm, source_to_target flow)
    src0, dst0 = edge_index[0], edge_index[1]
    loop = jnp.arange(num_nodes, dtype=src0.dtype)
    src = jnp.concatenate([src0, loop])
    dst = jnp.concatenate([dst0, loop])
    deg = jnp.zeros((num_nodes,), dtype=x.dtype).at[dst].add(1.0)
    deg_inv_sqrt = jnp.where(deg > 0, deg ** -0.5, 0.0)
    norm = deg_inv_sqrt[src] * deg_inv_sqrt[dst]
    for i in range(L):
        h = x @ conv_W[i]
        msg = h[src] * norm[:, None]
        out = jnp.zeros_like(h).at[dst].add(msg) + conv_b[i]
        # BatchNorm over nodes (training-mode batch statistics)
        mean = out.mean(axis=0)
        var = out.var(axis=0)
        out = (out - mean) / jnp.sqrt(var + 1e-5) * bn_gamma[i] + bn_beta[i]
        x = jax.nn.relu(out)
        # dropout is identity in eval mode
    a0 = x[pair_indices[:, 0]]
    a1 = x[pair_indices[:, 1]]
    comb = jnp.concatenate([a0, a1, pair_features], axis=1)
    h1 = jax.nn.relu(comb @ mlp_W1 + mlp_b1)
    h2 = jax.nn.relu(h1 @ mlp_W2 + mlp_b2)
    return h2 @ mlp_W3 + mlp_b3

if __name__ == "__main__":
    import jax
    _d = setup_inputs()
    print(jax.jit(kernel)(*tuple(_d.values())))

</pallas_src>

<mosaic_0001>
#map = affine_map<(d0, d1) -> (0, 0)>
module attributes {stable_mosaic.version = 14 : i64} {
  func.func @_sc_scatter(%arg0: i32, %arg1: i32, %arg2: memref<10240x128xf32, #tpu.memory_space<hbm>>, %arg3: memref<2560x128xi32, #tpu.memory_space<hbm>>, %arg4: memref<2560x128xi32, #tpu.memory_space<hbm>>, %arg5: memref<128x128xf32, #tpu.memory_space<hbm>>, %arg6: memref<20480x128xf32, #tpu.memory_space<hbm>>, %arg7: memref<16x128xi32, #tpu.memory_space<vmem>>, %arg8: memref<16x128xi32, #tpu.memory_space<vmem>>, %arg9: memref<128x128xf32, #tpu.memory_space<vmem>>, %arg10: memref<128x128xf32, #tpu.memory_space<vmem>>, %arg11: memref<10240x128xf32, #tpu.memory_space<vmem_shared>>, %arg12: memref<!tpu.dma_semaphore, #tpu.memory_space<semaphore_mem>>, %arg13: memref<!tpu.dma_semaphore, #tpu.memory_space<semaphore_mem>>) attributes {dimension_semantics = [#tpu.dimension_semantics<core_parallel>, #tpu.dimension_semantics<subcore_parallel>], iteration_bounds = array<i64: 2, 16>, scalar_prefetch = 0 : i64, scratch_operands = 7 : i64, tpu.core_type = #tpu.core_type<sc_vector_subcore>, window_params = [{transform_indices = #map}, {transform_indices = #map}, {transform_indices = #map}, {transform_indices = #map}, {transform_indices = #map}]} {
    %mul3A = arith.constant 16 : i32
    %mul3A_0 = arith.muli %arg0, %mul3A : i32
    %add3A = arith.addi %mul3A_0, %arg1 : i32
    "tpu.region"() ({
      %run_scoped3A = tpu.sem_alloc : memref<!tpu.dma_semaphore, #tpu.memory_space<semaphore_mem>>
      tpu.enqueue_dma source(%arg5 : memref<128x128xf32, #tpu.memory_space<hbm>>) target(%arg9 : memref<128x128xf32, #tpu.memory_space<vmem>>) target_semaphore(%run_scoped3A : memref<!tpu.dma_semaphore, #tpu.memory_space<semaphore_mem>>)
      tpu.wait_dma2 semaphore(%run_scoped3A : memref<!tpu.dma_semaphore, #tpu.memory_space<semaphore_mem>>) src(%arg5 : memref<128x128xf32, #tpu.memory_space<hbm>>) dst(%arg9 : memref<128x128xf32, #tpu.memory_space<vmem>>)
      tpu.yield
    }) : () -> ()
    %mul3A_1 = arith.constant 640 : i32
    %mul3A_2 = arith.muli %arg1, %mul3A_1 : i32
    %add3A_3 = arith.constant 0 : i32
    %add3A_4 = arith.addi %mul3A_2, %add3A_3 : i32
    "tpu.region"() ({
      %run_scoped3A = tpu.sem_alloc : memref<!tpu.dma_semaphore, #tpu.memory_space<semaphore_mem>>
      %dma_start3A = arith.constant 0 : i32
      %dma_start3A_34 = tpu.memref_slice %arg11[%add3A_4, %dma_start3A] : memref<10240x128xf32, #tpu.memory_space<vmem_shared>> -> memref<128x128xf32, #tpu.memory_space<vmem_shared>>
      %dma_start3A_35 = arith.constant 0 : i32
      %dma_start3A_36 = tpu.memref_slice %arg11[%add3A_4, %dma_start3A_35] : memref<10240x128xf32, #tpu.memory_space<vmem_shared>> -> memref<128x128xf32, #tpu.memory_space<vmem_shared>>
      tpu.enqueue_dma source(%arg9 : memref<128x128xf32, #tpu.memory_space<vmem>>) target(%dma_start3A_36 : memref<128x128xf32, #tpu.memory_space<vmem_shared>>) target_semaphore(%run_scoped3A : memref<!tpu.dma_semaphore, #tpu.memory_space<semaphore_mem>>)
      %dma_wait3A = arith.constant 0 : i32
      %dma_wait3A_37 = tpu.memref_slice %arg11[%add3A_4, %dma_wait3A] : memref<10240x128xf32, #tpu.memory_space<vmem_shared>> -> memref<128x128xf32, #tpu.memory_space<vmem_shared>>
      %dma_wait3A_38 = arith.constant 0 : i32
      %dma_wait3A_39 = tpu.memref_slice %arg11[%add3A_4, %dma_wait3A_38] : memref<10240x128xf32, #tpu.memory_space<vmem_shared>> -> memref<128x128xf32, #tpu.memory_space<vmem_shared>>
      tpu.wait_dma2 semaphore(%run_scoped3A : memref<!tpu.dma_semaphore, #tpu.memory_space<semaphore_mem>>) src(%arg9 : memref<128x128xf32, #tpu.memory_space<vmem>>) dst(%dma_wait3A_39 : memref<128x128xf32, #tpu.memory_space<vmem_shared>>)
      tpu.yield
    }) : () -> ()
    %mul3A_5 = arith.constant 640 : i32
    %mul3A_6 = arith.muli %arg1, %mul3A_5 : i32
    %add3A_7 = arith.constant 128 : i32
    %add3A_8 = arith.addi %mul3A_6, %add3A_7 : i32
    "tpu.region"() ({
      %run_scoped3A = tpu.sem_alloc : memref<!tpu.dma_semaphore, #tpu.memory_space<semaphore_mem>>
      %dma_start3A = arith.constant 0 : i32
      %dma_start3A_34 = tpu.memref_slice %arg11[%add3A_8, %dma_start3A] : memref<10240x128xf32, #tpu.memory_space<vmem_shared>> -> memref<128x128xf32, #tpu.memory_space<vmem_shared>>
      %dma_start3A_35 = arith.constant 0 : i32
      %dma_start3A_36 = tpu.memref_slice %arg11[%add3A_8, %dma_start3A_35] : memref<10240x128xf32, #tpu.memory_space<vmem_shared>> -> memref<128x128xf32, #tpu.memory_space<vmem_shared>>
      tpu.enqueue_dma source(%arg9 : memref<128x128xf32, #tpu.memory_space<vmem>>) target(%dma_start3A_36 : memref<128x128xf32, #tpu.memory_space<vmem_shared>>) target_semaphore(%run_scoped3A : memref<!tpu.dma_semaphore, #tpu.memory_space<semaphore_mem>>)
      %dma_wait3A = arith.constant 0 : i32
      %dma_wait3A_37 = tpu.memref_slice %arg11[%add3A_8, %dma_wait3A] : memref<10240x128xf32, #tpu.memory_space<vmem_shared>> -> memref<128x128xf32, #tpu.memory_space<vmem_shared>>
      %dma_wait3A_38 = arith.constant 0 : i32
      %dma_wait3A_39 = tpu.memref_slice %arg11[%add3A_8, %dma_wait3A_38] : memref<10240x128xf32, #tpu.memory_space<vmem_shared>> -> memref<128x128xf32, #tpu.memory_space<vmem_shared>>
      tpu.wait_dma2 semaphore(%run_scoped3A : memref<!tpu.dma_semaphore, #tpu.memory_space<semaphore_mem>>) src(%arg9 : memref<128x128xf32, #tpu.memory_space<vmem>>) dst(%dma_wait3A_39 : memref<128x128xf32, #tpu.memory_space<vmem_shared>>)
      tpu.yield
    }) : () -> ()
    %mul3A_9 = arith.constant 640 : i32
    %mul3A_10 = arith.muli %arg1, %mul3A_9 : i32
    %add3A_11 = arith.constant 256 : i32
    %add3A_12 = arith.addi %mul3A_10, %add3A_11 : i32
    "tpu.region"() ({
      %run_scoped3A = tpu.sem_alloc : memref<!tpu.dma_semaphore, #tpu.memory_space<semaphore_mem>>
      %dma_start3A = arith.constant 0 : i32
      %dma_start3A_34 = tpu.memref_slice %arg11[%add3A_12, %dma_start3A] : memref<10240x128xf32, #tpu.memory_space<vmem_shared>> -> memref<128x128xf32, #tpu.memory_space<vmem_shared>>
      %dma_start3A_35 = arith.constant 0 : i32
      %dma_start3A_36 = tpu.memref_slice %arg11[%add3A_12, %dma_start3A_35] : memref<10240x128xf32, #tpu.memory_space<vmem_shared>> -> memref<128x128xf32, #tpu.memory_space<vmem_shared>>
      tpu.enqueue_dma source(%arg9 : memref<128x128xf32, #tpu.memory_space<vmem>>) target(%dma_start3A_36 : memref<128x128xf32, #tpu.memory_space<vmem_shared>>) target_semaphore(%run_scoped3A : memref<!tpu.dma_semaphore, #tpu.memory_space<semaphore_mem>>)
      %dma_wait3A = arith.constant 0 : i32
      %dma_wait3A_37 = tpu.memref_slice %arg11[%add3A_12, %dma_wait3A] : memref<10240x128xf32, #tpu.memory_space<vmem_shared>> -> memref<128x128xf32, #tpu.memory_space<vmem_shared>>
      %dma_wait3A_38 = arith.constant 0 : i32
      %dma_wait3A_39 = tpu.memref_slice %arg11[%add3A_12, %dma_wait3A_38] : memref<10240x128xf32, #tpu.memory_space<vmem_shared>> -> memref<128x128xf32, #tpu.memory_space<vmem_shared>>
      tpu.wait_dma2 semaphore(%run_scoped3A : memref<!tpu.dma_semaphore, #tpu.memory_space<semaphore_mem>>) src(%arg9 : memref<128x128xf32, #tpu.memory_space<vmem>>) dst(%dma_wait3A_39 : memref<128x128xf32, #tpu.memory_space<vmem_shared>>)
      tpu.yield
    }) : () -> ()
    %mul3A_13 = arith.constant 640 : i32
    %mul3A_14 = arith.muli %arg1, %mul3A_13 : i32
    %add3A_15 = arith.constant 384 : i32
    %add3A_16 = arith.addi %mul3A_14, %add3A_15 : i32
    "tpu.region"() ({
      %run_scoped3A = tpu.sem_alloc : memref<!tpu.dma_semaphore, #tpu.memory_space<semaphore_mem>>
      %dma_start3A = arith.constant 0 : i32
      %dma_start3A_34 = tpu.memref_slice %arg11[%add3A_16, %dma_start3A] : memref<10240x128xf32, #tpu.memory_space<vmem_shared>> -> memref<128x128xf32, #tpu.memory_space<vmem_shared>>
      %dma_start3A_35 = arith.constant 0 : i32
      %dma_start3A_36 = tpu.memref_slice %arg11[%add3A_16, %dma_start3A_35] : memref<10240x128xf32, #tpu.memory_space<vmem_shared>> -> memref<128x128xf32, #tpu.memory_space<vmem_shared>>
      tpu.enqueue_dma source(%arg9 : memref<128x128xf32, #tpu.memory_space<vmem>>) target(%dma_start3A_36 : memref<128x128xf32, #tpu.memory_space<vmem_shared>>) target_semaphore(%run_scoped3A : memref<!tpu.dma_semaphore, #tpu.memory_space<semaphore_mem>>)
      %dma_wait3A = arith.constant 0 : i32
      %dma_wait3A_37 = tpu.memref_slice %arg11[%add3A_16, %dma_wait3A] : memref<10240x128xf32, #tpu.memory_space<vmem_shared>> -> memref<128x128xf32, #tpu.memory_space<vmem_shared>>
      %dma_wait3A_38 = arith.constant 0 : i32
      %dma_wait3A_39 = tpu.memref_slice %arg11[%add3A_16, %dma_wait3A_38] : memref<10240x128xf32, #tpu.memory_space<vmem_shared>> -> memref<128x128xf32, #tpu.memory_space<vmem_shared>>
      tpu.wait_dma2 semaphore(%run_scoped3A : memref<!tpu.dma_semaphore, #tpu.memory_space<semaphore_mem>>) src(%arg9 : memref<128x128xf32, #tpu.memory_space<vmem>>) dst(%dma_wait3A_39 : memref<128x128xf32, #tpu.memory_space<vmem_shared>>)
      tpu.yield
    }) : () -> ()
    %mul3A_17 = arith.constant 640 : i32
    %mul3A_18 = arith.muli %arg1, %mul3A_17 : i32
    %add3A_19 = arith.constant 512 : i32
    %add3A_20 = arith.addi %mul3A_18, %add3A_19 : i32
    "tpu.region"() ({
      %run_scoped3A = tpu.sem_alloc : memref<!tpu.dma_semaphore, #tpu.memory_space<semaphore_mem>>
      %dma_start3A = arith.constant 0 : i32
      %dma_start3A_34 = tpu.memref_slice %arg11[%add3A_20, %dma_start3A] : memref<10240x128xf32, #tpu.memory_space<vmem_shared>> -> memref<128x128xf32, #tpu.memory_space<vmem_shared>>
      %dma_start3A_35 = arith.constant 0 : i32
      %dma_start3A_36 = tpu.memref_slice %arg11[%add3A_20, %dma_start3A_35] : memref<10240x128xf32, #tpu.memory_space<vmem_shared>> -> memref<128x128xf32, #tpu.memory_space<vmem_shared>>
      tpu.enqueue_dma source(%arg9 : memref<128x128xf32, #tpu.memory_space<vmem>>) target(%dma_start3A_36 : memref<128x128xf32, #tpu.memory_space<vmem_shared>>) target_semaphore(%run_scoped3A : memref<!tpu.dma_semaphore, #tpu.memory_space<semaphore_mem>>)
      %dma_wait3A = arith.constant 0 : i32
      %dma_wait3A_37 = tpu.memref_slice %arg11[%add3A_20, %dma_wait3A] : memref<10240x128xf32, #tpu.memory_space<vmem_shared>> -> memref<128x128xf32, #tpu.memory_space<vmem_shared>>
      %dma_wait3A_38 = arith.constant 0 : i32
      %dma_wait3A_39 = tpu.memref_slice %arg11[%add3A_20, %dma_wait3A_38] : memref<10240x128xf32, #tpu.memory_space<vmem_shared>> -> memref<128x128xf32, #tpu.memory_space<vmem_shared>>
      tpu.wait_dma2 semaphore(%run_scoped3A : memref<!tpu.dma_semaphore, #tpu.memory_space<semaphore_mem>>) src(%arg9 : memref<128x128xf32, #tpu.memory_space<vmem>>) dst(%dma_wait3A_39 : memref<128x128xf32, #tpu.memory_space<vmem_shared>>)
      tpu.yield
    }) : () -> ()
    %barrier3A = arith.constant 0 : index
    tpu.barrier barrier_id(%barrier3A)
    %scan3A = arith.constant 0 : i32
    %scan3A_21 = arith.constant 0 : i32
    %scan3A_22 = arith.constant 5 : i32
    %scan3A_23 = arith.addi %scan3A_21, %scan3A_22 : i32
    %scan3A_24 = arith.constant 1 : i32
    scf.for %scan3A_34 = %scan3A_21 to %scan3A_23 step %scan3A_24  : i32 {
      %mul3A_35 = arith.constant 80 : i32
      %mul3A_36 = arith.muli %add3A, %mul3A_35 : i32
      %mul3A_37 = arith.constant 16 : i32
      %mul3A_38 = arith.muli %scan3A_34, %mul3A_37 : i32
      %add3A_39 = arith.addi %mul3A_36, %mul3A_38 : i32
      "tpu.region"() ({
        %run_scoped3A = tpu.sem_alloc : memref<!tpu.dma_semaphore, #tpu.memory_space<semaphore_mem>>
        %dma_start3A = arith.constant 0 : i32
        %dma_start3A_45 = tpu.memref_slice %arg3[%add3A_39, %dma_start3A] : memref<2560x128xi32, #tpu.memory_space<hbm>> -> memref<16x128xi32, #tpu.memory_space<hbm>>
        %dma_start3A_46 = arith.constant 0 : i32
        %dma_start3A_47 = tpu.memref_slice %arg3[%add3A_39, %dma_start3A_46] : memref<2560x128xi32, #tpu.memory_space<hbm>> -> memref<16x128xi32, #tpu.memory_space<hbm>>
        tpu.enqueue_dma source(%dma_start3A_47 : memref<16x128xi32, #tpu.memory_space<hbm>>) target(%arg7 : memref<16x128xi32, #tpu.memory_space<vmem>>) target_semaphore(%run_scoped3A : memref<!tpu.dma_semaphore, #tpu.memory_space<semaphore_mem>>)
        %dma_wait3A = arith.constant 0 : i32
        %dma_wait3A_48 = tpu.memref_slice %arg3[%add3A_39, %dma_wait3A] : memref<2560x128xi32, #tpu.memory_space<hbm>> -> memref<16x128xi32, #tpu.memory_space<hbm>>
        %dma_wait3A_49 = arith.constant 0 : i32
        %dma_wait3A_50 = tpu.memref_slice %arg3[%add3A_39, %dma_wait3A_49] : memref<2560x128xi32, #tpu.memory_space<hbm>> -> memref<16x128xi32, #tpu.memory_space<hbm>>
        tpu.wait_dma2 semaphore(%run_scoped3A : memref<!tpu.dma_semaphore, #tpu.memory_space<semaphore_mem>>) src(%dma_wait3A_50 : memref<16x128xi32, #tpu.memory_space<hbm>>) dst(%arg7 : memref<16x128xi32, #tpu.memory_space<vmem>>)
        tpu.yield
      }) : () -> ()
      "tpu.region"() ({
        %run_scoped3A = tpu.sem_alloc : memref<!tpu.dma_semaphore, #tpu.memory_space<semaphore_mem>>
        %dma_start3A = arith.constant 0 : i32
        %dma_start3A_45 = tpu.memref_slice %arg4[%add3A_39, %dma_start3A] : memref<2560x128xi32, #tpu.memory_space<hbm>> -> memref<16x128xi32, #tpu.memory_space<hbm>>
        %dma_start3A_46 = arith.constant 0 : i32
        %dma_start3A_47 = tpu.memref_slice %arg4[%add3A_39, %dma_start3A_46] : memref<2560x128xi32, #tpu.memory_space<hbm>> -> memref<16x128xi32, #tpu.memory_space<hbm>>
        tpu.enqueue_dma source(%dma_start3A_47 : memref<16x128xi32, #tpu.memory_space<hbm>>) target(%arg8 : memref<16x128xi32, #tpu.memory_space<vmem>>) target_semaphore(%run_scoped3A : memref<!tpu.dma_semaphore, #tpu.memory_space<semaphore_mem>>)
        %dma_wait3A = arith.constant 0 : i32
        %dma_wait3A_48 = tpu.memref_slice %arg4[%add3A_39, %dma_wait3A] : memref<2560x128xi32, #tpu.memory_space<hbm>> -> memref<16x128xi32, #tpu.memory_space<hbm>>
        %dma_wait3A_49 = arith.constant 0 : i32
        %dma_wait3A_50 = tpu.memref_slice %arg4[%add3A_39, %dma_wait3A_49] : memref<2560x128xi32, #tpu.memory_space<hbm>> -> memref<16x128xi32, #tpu.memory_space<hbm>>
        tpu.wait_dma2 semaphore(%run_scoped3A : memref<!tpu.dma_semaphore, #tpu.memory_space<semaphore_mem>>) src(%dma_wait3A_50 : memref<16x128xi32, #tpu.memory_space<hbm>>) dst(%arg8 : memref<16x128xi32, #tpu.memory_space<vmem>>)
        tpu.yield
      }) : () -> ()
      %scan3A_40 = arith.constant 0 : i32
      %scan3A_41 = arith.constant 16 : i32
      %scan3A_42 = arith.addi %scan3A_40, %scan3A_41 : i32
      %scan3A_43 = arith.constant 1 : i32
      scf.for %scan3A_45 = %scan3A_40 to %scan3A_42 step %scan3A_43  : i32 {
        %dma_start3A = arith.constant 0 : i32
        %dma_start3A_46 = tpu.memref_slice %arg7[%scan3A_45, %dma_start3A] : memref<16x128xi32, #tpu.memory_space<vmem>> -> memref<1x128xi32, #tpu.memory_space<vmem>>
        %dma_start3A_47 = tpu.memref_squeeze %dma_start3A_46 : memref<1x128xi32, #tpu.memory_space<vmem>> -> memref<128xi32, #tpu.memory_space<vmem>>
        %dma_start3A_48 = arith.constant 0 : i32
        %dma_start3A_49 = arith.constant 0 : i32
        %dma_start3A_50 = tpu.memref_slice %arg2[%dma_start3A_48, %dma_start3A_49] : memref<10240x128xf32, #tpu.memory_space<hbm>> -> memref<10240x128xf32, #tpu.memory_space<hbm>>
        tpu.enqueue_indirect_dma source(%dma_start3A_50 : memref<10240x128xf32, #tpu.memory_space<hbm>>) target(%arg10 : memref<128x128xf32, #tpu.memory_space<vmem>>) offsets(%dma_start3A_47 : memref<128xi32, #tpu.memory_space<vmem>>) semaphore(%arg13 : memref<!tpu.dma_semaphore, #tpu.memory_space<semaphore_mem>>)
        %dma_wait3A = arith.constant 0 : i32
        %dma_wait3A_51 = tpu.memref_slice %arg7[%scan3A_45, %dma_wait3A] : memref<16x128xi32, #tpu.memory_space<vmem>> -> memref<1x128xi32, #tpu.memory_space<vmem>>
        %dma_wait3A_52 = tpu.memref_squeeze %dma_wait3A_51 : memref<1x128xi32, #tpu.memory_space<vmem>> -> memref<128xi32, #tpu.memory_space<vmem>>
        %dma_wait3A_53 = arith.constant 0 : i32
        %dma_wait3A_54 = arith.constant 0 : i32
        %dma_wait3A_55 = tpu.memref_slice %arg2[%dma_wait3A_53, %dma_wait3A_54] : memref<10240x128xf32, #tpu.memory_space<hbm>> -> memref<10240x128xf32, #tpu.memory_space<hbm>>
        tpu.wait_indirect_dma semaphore(%arg13 : memref<!tpu.dma_semaphore, #tpu.memory_space<semaphore_mem>>) src(%dma_wait3A_55 : memref<10240x128xf32, #tpu.memory_space<hbm>>) dst(%arg10 : memref<128x128xf32, #tpu.memory_space<vmem>>)
        "tpu.region"() ({
          %run_scoped3A = tpu.sem_alloc : memref<!tpu.dma_semaphore, #tpu.memory_space<semaphore_mem>>
          %dma_start3A_56 = arith.constant 0 : i32
          %dma_start3A_57 = tpu.memref_slice %arg8[%scan3A_45, %dma_start3A_56] : memref<16x128xi32, #tpu.memory_space<vmem>> -> memref<1x128xi32, #tpu.memory_space<vmem>>
          %dma_start3A_58 = tpu.memref_squeeze %dma_start3A_57 : memref<1x128xi32, #tpu.memory_space<vmem>> -> memref<128xi32, #tpu.memory_space<vmem>>
          %dma_start3A_59 = arith.constant 0 : i32
          %dma_start3A_60 = arith.constant 0 : i32
          %dma_start3A_61 = tpu.memref_slice %arg11[%dma_start3A_59, %dma_start3A_60] : memref<10240x128xf32, #tpu.memory_space<vmem_shared>> -> memref<10240x128xf32, #tpu.memory_space<vmem_shared>>
          tpu.enqueue_indirect_dma source(%arg10 : memref<128x128xf32, #tpu.memory_space<vmem>>) target(%dma_start3A_61 : memref<10240x128xf32, #tpu.memory_space<vmem_shared>>) offsets(%dma_start3A_58 : memref<128xi32, #tpu.memory_space<vmem>>) semaphore(%run_scoped3A : memref<!tpu.dma_semaphore, #tpu.memory_space<semaphore_mem>>) {add = true}
          %dma_wait3A_62 = arith.constant 0 : i32
          %dma_wait3A_63 = tpu.memref_slice %arg8[%scan3A_45, %dma_wait3A_62] : memref<16x128xi32, #tpu.memory_space<vmem>> -> memref<1x128xi32, #tpu.memory_space<vmem>>
          %dma_wait3A_64 = tpu.memref_squeeze %dma_wait3A_63 : memref<1x128xi32, #tpu.memory_space<vmem>> -> memref<128xi32, #tpu.memory_space<vmem>>
          %dma_wait3A_65 = arith.constant 0 : i32
          %dma_wait3A_66 = arith.constant 0 : i32
          %dma_wait3A_67 = tpu.memref_slice %arg11[%dma_wait3A_65, %dma_wait3A_66] : memref<10240x128xf32, #tpu.memory_space<vmem_shared>> -> memref<10240x128xf32, #tpu.memory_space<vmem_shared>>
          tpu.wait_indirect_dma semaphore(%run_scoped3A : memref<!tpu.dma_semaphore, #tpu.memory_space<semaphore_mem>>) src(%arg10 : memref<128x128xf32, #tpu.memory_space<vmem>>) dst(%dma_wait3A_67 : memref<10240x128xf32, #tpu.memory_space<vmem_shared>>)
          tpu.yield
        }) : () -> ()
      }
      %scan3A_44 = arith.constant 16 : i32
    }
    %scan3A_25 = arith.constant 5 : i32
    %barrier3A_26 = arith.constant 0 : index
    tpu.barrier barrier_id(%barrier3A_26)
    %mul3A_27 = arith.constant 640 : i32
    %mul3A_28 = arith.muli %arg1, %mul3A_27 : i32
    %mul3A_29 = arith.constant 10240 : i32
    %mul3A_30 = arith.muli %arg0, %mul3A_29 : i32
    %mul3A_31 = arith.constant 640 : i32
    %mul3A_32 = arith.muli %arg1, %mul3A_31 : i32
    %add3A_33 = arith.addi %mul3A_30, %mul3A_32 : i32
    "tpu.region"() ({
      %run_scoped3A = tpu.sem_alloc : memref<!tpu.dma_semaphore, #tpu.memory_space<semaphore_mem>>
      %dma_start3A = arith.constant 0 : i32
      %dma_start3A_34 = tpu.memref_slice %arg6[%add3A_33, %dma_start3A] : memref<20480x128xf32, #tpu.memory_space<hbm>> -> memref<640x128xf32, #tpu.memory_space<hbm>>
      %dma_start3A_35 = arith.constant 0 : i32
      %dma_start3A_36 = tpu.memref_slice %arg11[%mul3A_28, %dma_start3A_35] : memref<10240x128xf32, #tpu.memory_space<vmem_shared>> -> memref<640x128xf32, #tpu.memory_space<vmem_shared>>
      tpu.enqueue_dma source(%dma_start3A_36 : memref<640x128xf32, #tpu.memory_space<vmem_shared>>) target(%dma_start3A_34 : memref<640x128xf32, #tpu.memory_space<hbm>>) target_semaphore(%run_scoped3A : memref<!tpu.dma_semaphore, #tpu.memory_space<semaphore_mem>>)
      %dma_wait3A = arith.constant 0 : i32
      %dma_wait3A_37 = tpu.memref_slice %arg6[%add3A_33, %dma_wait3A] : memref<20480x128xf32, #tpu.memory_space<hbm>> -> memref<640x128xf32, #tpu.memory_space<hbm>>
      %dma_wait3A_38 = arith.constant 0 : i32
      %dma_wait3A_39 = tpu.memref_slice %arg11[%mul3A_28, %dma_wait3A_38] : memref<10240x128xf32, #tpu.memory_space<vmem_shared>> -> memref<640x128xf32, #tpu.memory_space<vmem_shared>>
      tpu.wait_dma2 semaphore(%run_scoped3A : memref<!tpu.dma_semaphore, #tpu.memory_space<semaphore_mem>>) src(%dma_wait3A_39 : memref<640x128xf32, #tpu.memory_space<vmem_shared>>) dst(%dma_wait3A_37 : memref<640x128xf32, #tpu.memory_space<hbm>>)
      tpu.yield
    }) : () -> ()
    return
  }
}

#map = affine_map<(d0, d1) -> (0, 0)>
module attributes {stable_mosaic.version = 14 : i64} {
  func.func @_sc_hist(%arg0: i32, %arg1: i32, %arg2: memref<2560x128xi32, #tpu.memory_space<hbm>>, %arg3: memref<128x16xf32, #tpu.memory_space<hbm>>, %arg4: memref<128x16xf32, #tpu.memory_space<hbm>>, %arg5: memref<20480x16xf32, #tpu.memory_space<hbm>>, %arg6: memref<80x128xi32, #tpu.memory_space<vmem>>, %arg7: memref<128x16xf32, #tpu.memory_space<vmem>>, %arg8: memref<128x16xf32, #tpu.memory_space<vmem>>, %arg9: memref<10240x16xf32, #tpu.memory_space<vmem_shared>>) attributes {dimension_semantics = [#tpu.dimension_semantics<core_parallel>, #tpu.dimension_semantics<subcore_parallel>], iteration_bounds = array<i64: 2, 16>, scalar_prefetch = 0 : i64, scratch_operands = 4 : i64, tpu.core_type = #tpu.core_type<sc_vector_subcore>, window_params = [{transform_indices = #map}, {transform_indices = #map}, {transform_indices = #map}, {transform_indices = #map}]} {
    %mul3A = arith.constant 16 : i32
    %mul3A_0 = arith.muli %arg0, %mul3A : i32
    %add3A = arith.addi %mul3A_0, %arg1 : i32
    %mul3A_1 = arith.constant 80 : i32
    %mul3A_2 = arith.muli %add3A, %mul3A_1 : i32
    "tpu.region"() ({
      %run_scoped3A = tpu.sem_alloc : memref<!tpu.dma_semaphore, #tpu.memory_space<semaphore_mem>>
      %dma_start3A = arith.constant 0 : i32
      %dma_start3A_36 = tpu.memref_slice %arg2[%mul3A_2, %dma_start3A] : memref<2560x128xi32, #tpu.memory_space<hbm>> -> memref<80x128xi32, #tpu.memory_space<hbm>>
      %dma_start3A_37 = arith.constant 0 : i32
      %dma_start3A_38 = tpu.memref_slice %arg2[%mul3A_2, %dma_start3A_37] : memref<2560x128xi32, #tpu.memory_space<hbm>> -> memref<80x128xi32, #tpu.memory_space<hbm>>
      tpu.enqueue_dma source(%dma_start3A_38 : memref<80x128xi32, #tpu.memory_space<hbm>>) target(%arg6 : memref<80x128xi32, #tpu.memory_space<vmem>>) target_semaphore(%run_scoped3A : memref<!tpu.dma_semaphore, #tpu.memory_space<semaphore_mem>>)
      %dma_wait3A = arith.constant 0 : i32
      %dma_wait3A_39 = tpu.memref_slice %arg2[%mul3A_2, %dma_wait3A] : memref<2560x128xi32, #tpu.memory_space<hbm>> -> memref<80x128xi32, #tpu.memory_space<hbm>>
      %dma_wait3A_40 = arith.constant 0 : i32
      %dma_wait3A_41 = tpu.memref_slice %arg2[%mul3A_2, %dma_wait3A_40] : memref<2560x128xi32, #tpu.memory_space<hbm>> -> memref<80x128xi32, #tpu.memory_space<hbm>>
      tpu.wait_dma2 semaphore(%run_scoped3A : memref<!tpu.dma_semaphore, #tpu.memory_space<semaphore_mem>>) src(%dma_wait3A_41 : memref<80x128xi32, #tpu.memory_space<hbm>>) dst(%arg6 : memref<80x128xi32, #tpu.memory_space<vmem>>)
      tpu.yield
    }) : () -> ()
    "tpu.region"() ({
      %run_scoped3A = tpu.sem_alloc : memref<!tpu.dma_semaphore, #tpu.memory_space<semaphore_mem>>
      tpu.enqueue_dma source(%arg3 : memref<128x16xf32, #tpu.memory_space<hbm>>) target(%arg7 : memref<128x16xf32, #tpu.memory_space<vmem>>) target_semaphore(%run_scoped3A : memref<!tpu.dma_semaphore, #tpu.memory_space<semaphore_mem>>)
      tpu.wait_dma2 semaphore(%run_scoped3A : memref<!tpu.dma_semaphore, #tpu.memory_space<semaphore_mem>>) src(%arg3 : memref<128x16xf32, #tpu.memory_space<hbm>>) dst(%arg7 : memref<128x16xf32, #tpu.memory_space<vmem>>)
      tpu.yield
    }) : () -> ()
    "tpu.region"() ({
      %run_scoped3A = tpu.sem_alloc : memref<!tpu.dma_semaphore, #tpu.memory_space<semaphore_mem>>
      tpu.enqueue_dma source(%arg4 : memref<128x16xf32, #tpu.memory_space<hbm>>) target(%arg8 : memref<128x16xf32, #tpu.memory_space<vmem>>) target_semaphore(%run_scoped3A : memref<!tpu.dma_semaphore, #tpu.memory_space<semaphore_mem>>)
      tpu.wait_dma2 semaphore(%run_scoped3A : memref<!tpu.dma_semaphore, #tpu.memory_space<semaphore_mem>>) src(%arg4 : memref<128x16xf32, #tpu.memory_space<hbm>>) dst(%arg8 : memref<128x16xf32, #tpu.memory_space<vmem>>)
      tpu.yield
    }) : () -> ()
    %mul3A_3 = arith.constant 640 : i32
    %mul3A_4 = arith.muli %arg1, %mul3A_3 : i32
    %add3A_5 = arith.constant 0 : i32
    %add3A_6 = arith.addi %mul3A_4, %add3A_5 : i32
    "tpu.region"() ({
      %run_scoped3A = tpu.sem_alloc : memref<!tpu.dma_semaphore, #tpu.memory_space<semaphore_mem>>
      %dma_start3A = arith.constant 0 : i32
      %dma_start3A_36 = tpu.memref_slice %arg9[%add3A_6, %dma_start3A] : memref<10240x16xf32, #tpu.memory_space<vmem_shared>> -> memref<128x16xf32, #tpu.memory_space<vmem_shared>>
      %dma_start3A_37 = arith.constant 0 : i32
      %dma_start3A_38 = tpu.memref_slice %arg9[%add3A_6, %dma_start3A_37] : memref<10240x16xf32, #tpu.memory_space<vmem_shared>> -> memref<128x16xf32, #tpu.memory_space<vmem_shared>>
      tpu.enqueue_dma source(%arg8 : memref<128x16xf32, #tpu.memory_space<vmem>>) target(%dma_start3A_38 : memref<128x16xf32, #tpu.memory_space<vmem_shared>>) target_semaphore(%run_scoped3A : memref<!tpu.dma_semaphore, #tpu.memory_space<semaphore_mem>>)
      %dma_wait3A = arith.constant 0 : i32
      %dma_wait3A_39 = tpu.memref_slice %arg9[%add3A_6, %dma_wait3A] : memref<10240x16xf32, #tpu.memory_space<vmem_shared>> -> memref<128x16xf32, #tpu.memory_space<vmem_shared>>
      %dma_wait3A_40 = arith.constant 0 : i32
      %dma_wait3A_41 = tpu.memref_slice %arg9[%add3A_6, %dma_wait3A_40] : memref<10240x16xf32, #tpu.memory_space<vmem_shared>> -> memref<128x16xf32, #tpu.memory_space<vmem_shared>>
      tpu.wait_dma2 semaphore(%run_scoped3A : memref<!tpu.dma_semaphore, #tpu.memory_space<semaphore_mem>>) src(%arg8 : memref<128x16xf32, #tpu.memory_space<vmem>>) dst(%dma_wait3A_41 : memref<128x16xf32, #tpu.memory_space<vmem_shared>>)
      tpu.yield
    }) : () -> ()
    %mul3A_7 = arith.constant 640 : i32
    %mul3A_8 = arith.muli %arg1, %mul3A_7 : i32
    %add3A_9 = arith.constant 128 : i32
    %add3A_10 = arith.addi %mul3A_8, %add3A_9 : i32
    "tpu.region"() ({
      %run_scoped3A = tpu.sem_alloc : memref<!tpu.dma_semaphore, #tpu.memory_space<semaphore_mem>>
      %dma_start3A = arith.constant 0 : i32
      %dma_start3A_36 = tpu.memref_slice %arg9[%add3A_10, %dma_start3A] : memref<10240x16xf32, #tpu.memory_space<vmem_shared>> -> memref<128x16xf32, #tpu.memory_space<vmem_shared>>
      %dma_start3A_37 = arith.constant 0 : i32
      %dma_start3A_38 = tpu.memref_slice %arg9[%add3A_10, %dma_start3A_37] : memref<10240x16xf32, #tpu.memory_space<vmem_shared>> -> memref<128x16xf32, #tpu.memory_space<vmem_shared>>
      tpu.enqueue_dma source(%arg8 : memref<128x16xf32, #tpu.memory_space<vmem>>) target(%dma_start3A_38 : memref<128x16xf32, #tpu.memory_space<vmem_shared>>) target_semaphore(%run_scoped3A : memref<!tpu.dma_semaphore, #tpu.memory_space<semaphore_mem>>)
      %dma_wait3A = arith.constant 0 : i32
      %dma_wait3A_39 = tpu.memref_slice %arg9[%add3A_10, %dma_wait3A] : memref<10240x16xf32, #tpu.memory_space<vmem_shared>> -> memref<128x16xf32, #tpu.memory_space<vmem_shared>>
      %dma_wait3A_40 = arith.constant 0 : i32
      %dma_wait3A_41 = tpu.memref_slice %arg9[%add3A_10, %dma_wait3A_40] : memref<10240x16xf32, #tpu.memory_space<vmem_shared>> -> memref<128x16xf32, #tpu.memory_space<vmem_shared>>
      tpu.wait_dma2 semaphore(%run_scoped3A : memref<!tpu.dma_semaphore, #tpu.memory_space<semaphore_mem>>) src(%arg8 : memref<128x16xf32, #tpu.memory_space<vmem>>) dst(%dma_wait3A_41 : memref<128x16xf32, #tpu.memory_space<vmem_shared>>)
      tpu.yield
    }) : () -> ()
    %mul3A_11 = arith.constant 640 : i32
    %mul3A_12 = arith.muli %arg1, %mul3A_11 : i32
    %add3A_13 = arith.constant 256 : i32
    %add3A_14 = arith.addi %mul3A_12, %add3A_13 : i32
    "tpu.region"() ({
      %run_scoped3A = tpu.sem_alloc : memref<!tpu.dma_semaphore, #tpu.memory_space<semaphore_mem>>
      %dma_start3A = arith.constant 0 : i32
      %dma_start3A_36 = tpu.memref_slice %arg9[%add3A_14, %dma_start3A] : memref<10240x16xf32, #tpu.memory_space<vmem_shared>> -> memref<128x16xf32, #tpu.memory_space<vmem_shared>>
      %dma_start3A_37 = arith.constant 0 : i32
      %dma_start3A_38 = tpu.memref_slice %arg9[%add3A_14, %dma_start3A_37] : memref<10240x16xf32, #tpu.memory_space<vmem_shared>> -> memref<128x16xf32, #tpu.memory_space<vmem_shared>>
      tpu.enqueue_dma source(%arg8 : memref<128x16xf32, #tpu.memory_space<vmem>>) target(%dma_start3A_38 : memref<128x16xf32, #tpu.memory_space<vmem_shared>>) target_semaphore(%run_scoped3A : memref<!tpu.dma_semaphore, #tpu.memory_space<semaphore_mem>>)
      %dma_wait3A = arith.constant 0 : i32
      %dma_wait3A_39 = tpu.memref_slice %arg9[%add3A_14, %dma_wait3A] : memref<10240x16xf32, #tpu.memory_space<vmem_shared>> -> memref<128x16xf32, #tpu.memory_space<vmem_shared>>
      %dma_wait3A_40 = arith.constant 0 : i32
      %dma_wait3A_41 = tpu.memref_slice %arg9[%add3A_14, %dma_wait3A_40] : memref<10240x16xf32, #tpu.memory_space<vmem_shared>> -> memref<128x16xf32, #tpu.memory_space<vmem_shared>>
      tpu.wait_dma2 semaphore(%run_scoped3A : memref<!tpu.dma_semaphore, #tpu.memory_space<semaphore_mem>>) src(%arg8 : memref<128x16xf32, #tpu.memory_space<vmem>>) dst(%dma_wait3A_41 : memref<128x16xf32, #tpu.memory_space<vmem_shared>>)
      tpu.yield
    }) : () -> ()
    %mul3A_15 = arith.constant 640 : i32
    %mul3A_16 = arith.muli %arg1, %mul3A_15 : i32
    %add3A_17 = arith.constant 384 : i32
    %add3A_18 = arith.addi %mul3A_16, %add3A_17 : i32
    "tpu.region"() ({
      %run_scoped3A = tpu.sem_alloc : memref<!tpu.dma_semaphore, #tpu.memory_space<semaphore_mem>>
      %dma_start3A = arith.constant 0 : i32
      %dma_start3A_36 = tpu.memref_slice %arg9[%add3A_18, %dma_start3A] : memref<10240x16xf32, #tpu.memory_space<vmem_shared>> -> memref<128x16xf32, #tpu.memory_space<vmem_shared>>
      %dma_start3A_37 = arith.constant 0 : i32
      %dma_start3A_38 = tpu.memref_slice %arg9[%add3A_18, %dma_start3A_37] : memref<10240x16xf32, #tpu.memory_space<vmem_shared>> -> memref<128x16xf32, #tpu.memory_space<vmem_shared>>
      tpu.enqueue_dma source(%arg8 : memref<128x16xf32, #tpu.memory_space<vmem>>) target(%dma_start3A_38 : memref<128x16xf32, #tpu.memory_space<vmem_shared>>) target_semaphore(%run_scoped3A : memref<!tpu.dma_semaphore, #tpu.memory_space<semaphore_mem>>)
      %dma_wait3A = arith.constant 0 : i32
      %dma_wait3A_39 = tpu.memref_slice %arg9[%add3A_18, %dma_wait3A] : memref<10240x16xf32, #tpu.memory_space<vmem_shared>> -> memref<128x16xf32, #tpu.memory_space<vmem_shared>>
      %dma_wait3A_40 = arith.constant 0 : i32
      %dma_wait3A_41 = tpu.memref_slice %arg9[%add3A_18, %dma_wait3A_40] : memref<10240x16xf32, #tpu.memory_space<vmem_shared>> -> memref<128x16xf32, #tpu.memory_space<vmem_shared>>
      tpu.wait_dma2 semaphore(%run_scoped3A : memref<!tpu.dma_semaphore, #tpu.memory_space<semaphore_mem>>) src(%arg8 : memref<128x16xf32, #tpu.memory_space<vmem>>) dst(%dma_wait3A_41 : memref<128x16xf32, #tpu.memory_space<vmem_shared>>)
      tpu.yield
    }) : () -> ()
    %mul3A_19 = arith.constant 640 : i32
    %mul3A_20 = arith.muli %arg1, %mul3A_19 : i32
    %add3A_21 = arith.constant 512 : i32
    %add3A_22 = arith.addi %mul3A_20, %add3A_21 : i32
    "tpu.region"() ({
      %run_scoped3A = tpu.sem_alloc : memref<!tpu.dma_semaphore, #tpu.memory_space<semaphore_mem>>
      %dma_start3A = arith.constant 0 : i32
      %dma_start3A_36 = tpu.memref_slice %arg9[%add3A_22, %dma_start3A] : memref<10240x16xf32, #tpu.memory_space<vmem_shared>> -> memref<128x16xf32, #tpu.memory_space<vmem_shared>>
      %dma_start3A_37 = arith.constant 0 : i32
      %dma_start3A_38 = tpu.memref_slice %arg9[%add3A_22, %dma_start3A_37] : memref<10240x16xf32, #tpu.memory_space<vmem_shared>> -> memref<128x16xf32, #tpu.memory_space<vmem_shared>>
      tpu.enqueue_dma source(%arg8 : memref<128x16xf32, #tpu.memory_space<vmem>>) target(%dma_start3A_38 : memref<128x16xf32, #tpu.memory_space<vmem_shared>>) target_semaphore(%run_scoped3A : memref<!tpu.dma_semaphore, #tpu.memory_space<semaphore_mem>>)
      %dma_wait3A = arith.constant 0 : i32
      %dma_wait3A_39 = tpu.memref_slice %arg9[%add3A_22, %dma_wait3A] : memref<10240x16xf32, #tpu.memory_space<vmem_shared>> -> memref<128x16xf32, #tpu.memory_space<vmem_shared>>
      %dma_wait3A_40 = arith.constant 0 : i32
      %dma_wait3A_41 = tpu.memref_slice %arg9[%add3A_22, %dma_wait3A_40] : memref<10240x16xf32, #tpu.memory_space<vmem_shared>> -> memref<128x16xf32, #tpu.memory_space<vmem_shared>>
      tpu.wait_dma2 semaphore(%run_scoped3A : memref<!tpu.dma_semaphore, #tpu.memory_space<semaphore_mem>>) src(%arg8 : memref<128x16xf32, #tpu.memory_space<vmem>>) dst(%dma_wait3A_41 : memref<128x16xf32, #tpu.memory_space<vmem_shared>>)
      tpu.yield
    }) : () -> ()
    %barrier3A = arith.constant 0 : index
    tpu.barrier barrier_id(%barrier3A)
    %scan3A = arith.constant 0 : i32
    %scan3A_23 = arith.constant 0 : i32
    %scan3A_24 = arith.constant 80 : i32
    %scan3A_25 = arith.addi %scan3A_23, %scan3A_24 : i32
    %scan3A_26 = arith.constant 1 : i32
    scf.for %scan3A_36 = %scan3A_23 to %scan3A_25 step %scan3A_26  : i32 {
      "tpu.region"() ({
        %run_scoped3A = tpu.sem_alloc : memref<!tpu.dma_semaphore, #tpu.memory_space<semaphore_mem>>
        %dma_start3A = arith.constant 0 : i32
        %dma_start3A_37 = tpu.memref_slice %arg6[%scan3A_36, %dma_start3A] : memref<80x128xi32, #tpu.memory_space<vmem>> -> memref<1x128xi32, #tpu.memory_space<vmem>>
        %dma_start3A_38 = tpu.memref_squeeze %dma_start3A_37 : memref<1x128xi32, #tpu.memory_space<vmem>> -> memref<128xi32, #tpu.memory_space<vmem>>
        %dma_start3A_39 = arith.constant 0 : i32
        %dma_start3A_40 = arith.constant 0 : i32
        %dma_start3A_41 = tpu.memref_slice %arg9[%dma_start3A_39, %dma_start3A_40] : memref<10240x16xf32, #tpu.memory_space<vmem_shared>> -> memref<10240x16xf32, #tpu.memory_space<vmem_shared>>
        tpu.enqueue_indirect_dma source(%arg7 : memref<128x16xf32, #tpu.memory_space<vmem>>) target(%dma_start3A_41 : memref<10240x16xf32, #tpu.memory_space<vmem_shared>>) offsets(%dma_start3A_38 : memref<128xi32, #tpu.memory_space<vmem>>) semaphore(%run_scoped3A : memref<!tpu.dma_semaphore, #tpu.memory_space<semaphore_mem>>) {add = true}
        %dma_wait3A = arith.constant 0 : i32
        %dma_wait3A_42 = tpu.memref_slice %arg6[%scan3A_36, %dma_wait3A] : memref<80x128xi32, #tpu.memory_space<vmem>> -> memref<1x128xi32, #tpu.memory_space<vmem>>
        %dma_wait3A_43 = tpu.memref_squeeze %dma_wait3A_42 : memref<1x128xi32, #tpu.memory_space<vmem>> -> memref<128xi32, #tpu.memory_space<vmem>>
        %dma_wait3A_44 = arith.constant 0 : i32
        %dma_wait3A_45 = arith.constant 0 : i32
        %dma_wait3A_46 = tpu.memref_slice %arg9[%dma_wait3A_44, %dma_wait3A_45] : memref<10240x16xf32, #tpu.memory_space<vmem_shared>> -> memref<10240x16xf32, #tpu.memory_space<vmem_shared>>
        tpu.wait_indirect_dma semaphore(%run_scoped3A : memref<!tpu.dma_semaphore, #tpu.memory_space<semaphore_mem>>) src(%arg7 : memref<128x16xf32, #tpu.memory_space<vmem>>) dst(%dma_wait3A_46 : memref<10240x16xf32, #tpu.memory_space<vmem_shared>>)
        tpu.yield
      }) : () -> ()
    }
    %scan3A_27 = arith.constant 80 : i32
    %barrier3A_28 = arith.constant 0 : index
    tpu.barrier barrier_id(%barrier3A_28)
    %mul3A_29 = arith.constant 640 : i32
    %mul3A_30 = arith.muli %arg1, %mul3A_29 : i32
    %mul3A_31 = arith.constant 10240 : i32
    %mul3A_32 = arith.muli %arg0, %mul3A_31 : i32
    %mul3A_33 = arith.constant 640 : i32
    %mul3A_34 = arith.muli %arg1, %mul3A_33 : i32
    %add3A_35 = arith.addi %mul3A_32, %mul3A_34 : i32
    "tpu.region"() ({
      %run_scoped3A = tpu.sem_alloc : memref<!tpu.dma_semaphore, #tpu.memory_space<semaphore_mem>>
      %dma_start3A = arith.constant 0 : i32
      %dma_start3A_36 = tpu.memref_slice %arg5[%add3A_35, %dma_start3A] : memref<20480x16xf32, #tpu.memory_space<hbm>> -> memref<640x16xf32, #tpu.memory_space<hbm>>
      %dma_start3A_37 = arith.constant 0 : i32
      %dma_start3A_38 = tpu.memref_slice %arg9[%mul3A_30, %dma_start3A_37] : memref<10240x16xf32, #tpu.memory_space<vmem_shared>> -> memref<640x16xf32, #tpu.memory_space<vmem_shared>>
      tpu.enqueue_dma source(%dma_start3A_38 : memref<640x16xf32, #tpu.memory_space<vmem_shared>>) target(%dma_start3A_36 : memref<640x16xf32, #tpu.memory_space<hbm>>) target_semaphore(%run_scoped3A : memref<!tpu.dma_semaphore, #tpu.memory_space<semaphore_mem>>)
      %dma_wait3A = arith.constant 0 : i32
      %dma_wait3A_39 = tpu.memref_slice %arg5[%add3A_35, %dma_wait3A] : memref<20480x16xf32, #tpu.memory_space<hbm>> -> memref<640x16xf32, #tpu.memory_space<hbm>>
      %dma_wait3A_40 = arith.constant 0 : i32
      %dma_wait3A_41 = tpu.memref_slice %arg9[%mul3A_30, %dma_wait3A_40] : memref<10240x16xf32, #tpu.memory_space<vmem_shared>> -> memref<640x16xf32, #tpu.memory_space<vmem_shared>>
      tpu.wait_dma2 semaphore(%run_scoped3A : memref<!tpu.dma_semaphore, #tpu.memory_space<semaphore_mem>>) src(%dma_wait3A_41 : memref<640x16xf32, #tpu.memory_space<vmem_shared>>) dst(%dma_wait3A_39 : memref<640x16xf32, #tpu.memory_space<hbm>>)
      tpu.yield
    }) : () -> ()
    return
  }
}

#map = affine_map<(d0, d1) -> (0, 0)>
module attributes {stable_mosaic.version = 14 : i64} {
  func.func @_sc_scatter(%arg0: i32, %arg1: i32, %arg2: memref<10240x128xf32, #tpu.memory_space<hbm>>, %arg3: memref<2560x128xi32, #tpu.memory_space<hbm>>, %arg4: memref<2560x128xi32, #tpu.memory_space<hbm>>, %arg5: memref<128x128xf32, #tpu.memory_space<hbm>>, %arg6: memref<20480x128xf32, #tpu.memory_space<hbm>>, %arg7: memref<16x128xi32, #tpu.memory_space<vmem>>, %arg8: memref<16x128xi32, #tpu.memory_space<vmem>>, %arg9: memref<128x128xf32, #tpu.memory_space<vmem>>, %arg10: memref<128x128xf32, #tpu.memory_space<vmem>>, %arg11: memref<10240x128xf32, #tpu.memory_space<vmem_shared>>, %arg12: memref<!tpu.dma_semaphore, #tpu.memory_space<semaphore_mem>>, %arg13: memref<!tpu.dma_semaphore, #tpu.memory_space<semaphore_mem>>) attributes {dimension_semantics = [#tpu.dimension_semantics<core_parallel>, #tpu.dimension_semantics<subcore_parallel>], iteration_bounds = array<i64: 2, 16>, scalar_prefetch = 0 : i64, scratch_operands = 7 : i64, tpu.core_type = #tpu.core_type<sc_vector_subcore>, window_params = [{transform_indices = #map}, {transform_indices = #map}, {transform_indices = #map}, {transform_indices = #map}, {transform_indices = #map}]} {
    %mul3A = arith.constant 16 : i32
    %mul3A_0 = arith.muli %arg0, %mul3A : i32
    %add3A = arith.addi %mul3A_0, %arg1 : i32
    "tpu.region"() ({
      %run_scoped3A = tpu.sem_alloc : memref<!tpu.dma_semaphore, #tpu.memory_space<semaphore_mem>>
      tpu.enqueue_dma source(%arg5 : memref<128x128xf32, #tpu.memory_space<hbm>>) target(%arg9 : memref<128x128xf32, #tpu.memory_space<vmem>>) target_semaphore(%run_scoped3A : memref<!tpu.dma_semaphore, #tpu.memory_space<semaphore_mem>>)
      tpu.wait_dma2 semaphore(%run_scoped3A : memref<!tpu.dma_semaphore, #tpu.memory_space<semaphore_mem>>) src(%arg5 : memref<128x128xf32, #tpu.memory_space<hbm>>) dst(%arg9 : memref<128x128xf32, #tpu.memory_space<vmem>>)
      tpu.yield
    }) : () -> ()
    %mul3A_1 = arith.constant 640 : i32
    %mul3A_2 = arith.muli %arg1, %mul3A_1 : i32
    %add3A_3 = arith.constant 0 : i32
    %add3A_4 = arith.addi %mul3A_2, %add3A_3 : i32
    "tpu.region"() ({
      %run_scoped3A = tpu.sem_alloc : memref<!tpu.dma_semaphore, #tpu.memory_space<semaphore_mem>>
      %dma_start3A = arith.constant 0 : i32
      %dma_start3A_34 = tpu.memref_slice %arg11[%add3A_4, %dma_start3A] : memref<10240x128xf32, #tpu.memory_space<vmem_shared>> -> memref<128x128xf32, #tpu.memory_space<vmem_shared>>
      %dma_start3A_35 = arith.constant 0 : i32
      %dma_start3A_36 = tpu.memref_slice %arg11[%add3A_4, %dma_start3A_35] : memref<10240x128xf32, #tpu.memory_space<vmem_shared>> -> memref<128x128xf32, #tpu.memory_space<vmem_shared>>
      tpu.enqueue_dma source(%arg9 : memref<128x128xf32, #tpu.memory_space<vmem>>) target(%dma_start3A_36 : memref<128x128xf32, #tpu.memory_space<vmem_shared>>) target_semaphore(%run_scoped3A : memref<!tpu.dma_semaphore, #tpu.memory_space<semaphore_mem>>)
      %dma_wait3A = arith.constant 0 : i32
      %dma_wait3A_37 = tpu.memref_slice %arg11[%add3A_4, %dma_wait3A] : memref<10240x128xf32, #tpu.memory_space<vmem_shared>> -> memref<128x128xf32, #tpu.memory_space<vmem_shared>>
      %dma_wait3A_38 = arith.constant 0 : i32
      %dma_wait3A_39 = tpu.memref_slice %arg11[%add3A_4, %dma_wait3A_38] : memref<10240x128xf32, #tpu.memory_space<vmem_shared>> -> memref<128x128xf32, #tpu.memory_space<vmem_shared>>
      tpu.wait_dma2 semaphore(%run_scoped3A : memref<!tpu.dma_semaphore, #tpu.memory_space<semaphore_mem>>) src(%arg9 : memref<128x128xf32, #tpu.memory_space<vmem>>) dst(%dma_wait3A_39 : memref<128x128xf32, #tpu.memory_space<vmem_shared>>)
      tpu.yield
    }) : () -> ()
    %mul3A_5 = arith.constant 640 : i32
    %mul3A_6 = arith.muli %arg1, %mul3A_5 : i32
    %add3A_7 = arith.constant 128 : i32
    %add3A_8 = arith.addi %mul3A_6, %add3A_7 : i32
    "tpu.region"() ({
      %run_scoped3A = tpu.sem_alloc : memref<!tpu.dma_semaphore, #tpu.memory_space<semaphore_mem>>
      %dma_start3A = arith.constant 0 : i32
      %dma_start3A_34 = tpu.memref_slice %arg11[%add3A_8, %dma_start3A] : memref<10240x128xf32, #tpu.memory_space<vmem_shared>> -> memref<128x128xf32, #tpu.memory_space<vmem_shared>>
      %dma_start3A_35 = arith.constant 0 : i32
      %dma_start3A_36 = tpu.memref_slice %arg11[%add3A_8, %dma_start3A_35] : memref<10240x128xf32, #tpu.memory_space<vmem_shared>> -> memref<128x128xf32, #tpu.memory_space<vmem_shared>>
      tpu.enqueue_dma source(%arg9 : memref<128x128xf32, #tpu.memory_space<vmem>>) target(%dma_start3A_36 : memref<128x128xf32, #tpu.memory_space<vmem_shared>>) target_semaphore(%run_scoped3A : memref<!tpu.dma_semaphore, #tpu.memory_space<semaphore_mem>>)
      %dma_wait3A = arith.constant 0 : i32
      %dma_wait3A_37 = tpu.memref_slice %arg11[%add3A_8, %dma_wait3A] : memref<10240x128xf32, #tpu.memory_space<vmem_shared>> -> memref<128x128xf32, #tpu.memory_space<vmem_shared>>
      %dma_wait3A_38 = arith.constant 0 : i32
      %dma_wait3A_39 = tpu.memref_slice %arg11[%add3A_8, %dma_wait3A_38] : memref<10240x128xf32, #tpu.memory_space<vmem_shared>> -> memref<128x128xf32, #tpu.memory_space<vmem_shared>>
      tpu.wait_dma2 semaphore(%run_scoped3A : memref<!tpu.dma_semaphore, #tpu.memory_space<semaphore_mem>>) src(%arg9 : memref<128x128xf32, #tpu.memory_space<vmem>>) dst(%dma_wait3A_39 : memref<128x128xf32, #tpu.memory_space<vmem_shared>>)
      tpu.yield
    }) : () -> ()
    %mul3A_9 = arith.constant 640 : i32
    %mul3A_10 = arith.muli %arg1, %mul3A_9 : i32
    %add3A_11 = arith.constant 256 : i32
    %add3A_12 = arith.addi %mul3A_10, %add3A_11 : i32
    "tpu.region"() ({
      %run_scoped3A = tpu.sem_alloc : memref<!tpu.dma_semaphore, #tpu.memory_space<semaphore_mem>>
      %dma_start3A = arith.constant 0 : i32
      %dma_start3A_34 = tpu.memref_slice %arg11[%add3A_12, %dma_start3A] : memref<10240x128xf32, #tpu.memory_space<vmem_shared>> -> memref<128x128xf32, #tpu.memory_space<vmem_shared>>
      %dma_start3A_35 = arith.constant 0 : i32
      %dma_start3A_36 = tpu.memref_slice %arg11[%add3A_12, %dma_start3A_35] : memref<10240x128xf32, #tpu.memory_space<vmem_shared>> -> memref<128x128xf32, #tpu.memory_space<vmem_shared>>
      tpu.enqueue_dma source(%arg9 : memref<128x128xf32, #tpu.memory_space<vmem>>) target(%dma_start3A_36 : memref<128x128xf32, #tpu.memory_space<vmem_shared>>) target_semaphore(%run_scoped3A : memref<!tpu.dma_semaphore, #tpu.memory_space<semaphore_mem>>)
      %dma_wait3A = arith.constant 0 : i32
      %dma_wait3A_37 = tpu.memref_slice %arg11[%add3A_12, %dma_wait3A] : memref<10240x128xf32, #tpu.memory_space<vmem_shared>> -> memref<128x128xf32, #tpu.memory_space<vmem_shared>>
      %dma_wait3A_38 = arith.constant 0 : i32
      %dma_wait3A_39 = tpu.memref_slice %arg11[%add3A_12, %dma_wait3A_38] : memref<10240x128xf32, #tpu.memory_space<vmem_shared>> -> memref<128x128xf32, #tpu.memory_space<vmem_shared>>
      tpu.wait_dma2 semaphore(%run_scoped3A : memref<!tpu.dma_semaphore, #tpu.memory_space<semaphore_mem>>) src(%arg9 : memref<128x128xf32, #tpu.memory_space<vmem>>) dst(%dma_wait3A_39 : memref<128x128xf32, #tpu.memory_space<vmem_shared>>)
      tpu.yield
    }) : () -> ()
    %mul3A_13 = arith.constant 640 : i32
    %mul3A_14 = arith.muli %arg1, %mul3A_13 : i32
    %add3A_15 = arith.constant 384 : i32
    %add3A_16 = arith.addi %mul3A_14, %add3A_15 : i32
    "tpu.region"() ({
      %run_scoped3A = tpu.sem_alloc : memref<!tpu.dma_semaphore, #tpu.memory_space<semaphore_mem>>
      %dma_start3A = arith.constant 0 : i32
      %dma_start3A_34 = tpu.memref_slice %arg11[%add3A_16, %dma_start3A] : memref<10240x128xf32, #tpu.memory_space<vmem_shared>> -> memref<128x128xf32, #tpu.memory_space<vmem_shared>>
      %dma_start3A_35 = arith.constant 0 : i32
      %dma_start3A_36 = tpu.memref_slice %arg11[%add3A_16, %dma_start3A_35] : memref<10240x128xf32, #tpu.memory_space<vmem_shared>> -> memref<128x128xf32, #tpu.memory_space<vmem_shared>>
      tpu.enqueue_dma source(%arg9 : memref<128x128xf32, #tpu.memory_space<vmem>>) target(%dma_start3A_36 : memref<128x128xf32, #tpu.memory_space<vmem_shared>>) target_semaphore(%run_scoped3A : memref<!tpu.dma_semaphore, #tpu.memory_space<semaphore_mem>>)
      %dma_wait3A = arith.constant 0 : i32
      %dma_wait3A_37 = tpu.memref_slice %arg11[%add3A_16, %dma_wait3A] : memref<10240x128xf32, #tpu.memory_space<vmem_shared>> -> memref<128x128xf32, #tpu.memory_space<vmem_shared>>
      %dma_wait3A_38 = arith.constant 0 : i32
      %dma_wait3A_39 = tpu.memref_slice %arg11[%add3A_16, %dma_wait3A_38] : memref<10240x128xf32, #tpu.memory_space<vmem_shared>> -> memref<128x128xf32, #tpu.memory_space<vmem_shared>>
      tpu.wait_dma2 semaphore(%run_scoped3A : memref<!tpu.dma_semaphore, #tpu.memory_space<semaphore_mem>>) src(%arg9 : memref<128x128xf32, #tpu.memory_space<vmem>>) dst(%dma_wait3A_39 : memref<128x128xf32, #tpu.memory_space<vmem_shared>>)
      tpu.yield
    }) : () -> ()
    %mul3A_17 = arith.constant 640 : i32
    %mul3A_18 = arith.muli %arg1, %mul3A_17 : i32
    %add3A_19 = arith.constant 512 : i32
    %add3A_20 = arith.addi %mul3A_18, %add3A_19 : i32
    "tpu.region"() ({
      %run_scoped3A = tpu.sem_alloc : memref<!tpu.dma_semaphore, #tpu.memory_space<semaphore_mem>>
      %dma_start3A = arith.constant 0 : i32
      %dma_start3A_34 = tpu.memref_slice %arg11[%add3A_20, %dma_start3A] : memref<10240x128xf32, #tpu.memory_space<vmem_shared>> -> memref<128x128xf32, #tpu.memory_space<vmem_shared>>
      %dma_start3A_35 = arith.constant 0 : i32
      %dma_start3A_36 = tpu.memref_slice %arg11[%add3A_20, %dma_start3A_35] : memref<10240x128xf32, #tpu.memory_space<vmem_shared>> -> memref<128x128xf32, #tpu.memory_space<vmem_shared>>
      tpu.enqueue_dma source(%arg9 : memref<128x128xf32, #tpu.memory_space<vmem>>) target(%dma_start3A_36 : memref<128x128xf32, #tpu.memory_space<vmem_shared>>) target_semaphore(%run_scoped3A : memref<!tpu.dma_semaphore, #tpu.memory_space<semaphore_mem>>)
      %dma_wait3A = arith.constant 0 : i32
      %dma_wait3A_37 = tpu.memref_slice %arg11[%add3A_20, %dma_wait3A] : memref<10240x128xf32, #tpu.memory_space<vmem_shared>> -> memref<128x128xf32, #tpu.memory_space<vmem_shared>>
      %dma_wait3A_38 = arith.constant 0 : i32
      %dma_wait3A_39 = tpu.memref_slice %arg11[%add3A_20, %dma_wait3A_38] : memref<10240x128xf32, #tpu.memory_space<vmem_shared>> -> memref<128x128xf32, #tpu.memory_space<vmem_shared>>
      tpu.wait_dma2 semaphore(%run_scoped3A : memref<!tpu.dma_semaphore, #tpu.memory_space<semaphore_mem>>) src(%arg9 : memref<128x128xf32, #tpu.memory_space<vmem>>) dst(%dma_wait3A_39 : memref<128x128xf32, #tpu.memory_space<vmem_shared>>)
      tpu.yield
    }) : () -> ()
    %barrier3A = arith.constant 0 : index
    tpu.barrier barrier_id(%barrier3A)
    %scan3A = arith.constant 0 : i32
    %scan3A_21 = arith.constant 0 : i32
    %scan3A_22 = arith.constant 5 : i32
    %scan3A_23 = arith.addi %scan3A_21, %scan3A_22 : i32
    %scan3A_24 = arith.constant 1 : i32
    scf.for %scan3A_34 = %scan3A_21 to %scan3A_23 step %scan3A_24  : i32 {
      %mul3A_35 = arith.constant 80 : i32
      %mul3A_36 = arith.muli %add3A, %mul3A_35 : i32
      %mul3A_37 = arith.constant 16 : i32
      %mul3A_38 = arith.muli %scan3A_34, %mul3A_37 : i32
      %add3A_39 = arith.addi %mul3A_36, %mul3A_38 : i32
      "tpu.region"() ({
        %run_scoped3A = tpu.sem_alloc : memref<!tpu.dma_semaphore, #tpu.memory_space<semaphore_mem>>
        %dma_start3A = arith.constant 0 : i32
        %dma_start3A_45 = tpu.memref_slice %arg3[%add3A_39, %dma_start3A] : memref<2560x128xi32, #tpu.memory_space<hbm>> -> memref<16x128xi32, #tpu.memory_space<hbm>>
        %dma_start3A_46 = arith.constant 0 : i32
        %dma_start3A_47 = tpu.memref_slice %arg3[%add3A_39, %dma_start3A_46] : memref<2560x128xi32, #tpu.memory_space<hbm>> -> memref<16x128xi32, #tpu.memory_space<hbm>>
        tpu.enqueue_dma source(%dma_start3A_47 : memref<16x128xi32, #tpu.memory_space<hbm>>) target(%arg7 : memref<16x128xi32, #tpu.memory_space<vmem>>) target_semaphore(%run_scoped3A : memref<!tpu.dma_semaphore, #tpu.memory_space<semaphore_mem>>)
        %dma_wait3A = arith.constant 0 : i32
        %dma_wait3A_48 = tpu.memref_slice %arg3[%add3A_39, %dma_wait3A] : memref<2560x128xi32, #tpu.memory_space<hbm>> -> memref<16x128xi32, #tpu.memory_space<hbm>>
        %dma_wait3A_49 = arith.constant 0 : i32
        %dma_wait3A_50 = tpu.memref_slice %arg3[%add3A_39, %dma_wait3A_49] : memref<2560x128xi32, #tpu.memory_space<hbm>> -> memref<16x128xi32, #tpu.memory_space<hbm>>
        tpu.wait_dma2 semaphore(%run_scoped3A : memref<!tpu.dma_semaphore, #tpu.memory_space<semaphore_mem>>) src(%dma_wait3A_50 : memref<16x128xi32, #tpu.memory_space<hbm>>) dst(%arg7 : memref<16x128xi32, #tpu.memory_space<vmem>>)
        tpu.yield
      }) : () -> ()
      "tpu.region"() ({
        %run_scoped3A = tpu.sem_alloc : memref<!tpu.dma_semaphore, #tpu.memory_space<semaphore_mem>>
        %dma_start3A = arith.constant 0 : i32
        %dma_start3A_45 = tpu.memref_slice %arg4[%add3A_39, %dma_start3A] : memref<2560x128xi32, #tpu.memory_space<hbm>> -> memref<16x128xi32, #tpu.memory_space<hbm>>
        %dma_start3A_46 = arith.constant 0 : i32
        %dma_start3A_47 = tpu.memref_slice %arg4[%add3A_39, %dma_start3A_46] : memref<2560x128xi32, #tpu.memory_space<hbm>> -> memref<16x128xi32, #tpu.memory_space<hbm>>
        tpu.enqueue_dma source(%dma_start3A_47 : memref<16x128xi32, #tpu.memory_space<hbm>>) target(%arg8 : memref<16x128xi32, #tpu.memory_space<vmem>>) target_semaphore(%run_scoped3A : memref<!tpu.dma_semaphore, #tpu.memory_space<semaphore_mem>>)
        %dma_wait3A = arith.constant 0 : i32
        %dma_wait3A_48 = tpu.memref_slice %arg4[%add3A_39, %dma_wait3A] : memref<2560x128xi32, #tpu.memory_space<hbm>> -> memref<16x128xi32, #tpu.memory_space<hbm>>
        %dma_wait3A_49 = arith.constant 0 : i32
        %dma_wait3A_50 = tpu.memref_slice %arg4[%add3A_39, %dma_wait3A_49] : memref<2560x128xi32, #tpu.memory_space<hbm>> -> memref<16x128xi32, #tpu.memory_space<hbm>>
        tpu.wait_dma2 semaphore(%run_scoped3A : memref<!tpu.dma_semaphore, #tpu.memory_space<semaphore_mem>>) src(%dma_wait3A_50 : memref<16x128xi32, #tpu.memory_space<hbm>>) dst(%arg8 : memref<16x128xi32, #tpu.memory_space<vmem>>)
        tpu.yield
      }) : () -> ()
      %scan3A_40 = arith.constant 0 : i32
      %scan3A_41 = arith.constant 16 : i32
      %scan3A_42 = arith.addi %scan3A_40, %scan3A_41 : i32
      %scan3A_43 = arith.constant 1 : i32
      scf.for %scan3A_45 = %scan3A_40 to %scan3A_42 step %scan3A_43  : i32 {
        %dma_start3A = arith.constant 0 : i32
        %dma_start3A_46 = tpu.memref_slice %arg7[%scan3A_45, %dma_start3A] : memref<16x128xi32, #tpu.memory_space<vmem>> -> memref<1x128xi32, #tpu.memory_space<vmem>>
        %dma_start3A_47 = tpu.memref_squeeze %dma_start3A_46 : memref<1x128xi32, #tpu.memory_space<vmem>> -> memref<128xi32, #tpu.memory_space<vmem>>
        %dma_start3A_48 = arith.constant 0 : i32
        %dma_start3A_49 = arith.constant 0 : i32
        %dma_start3A_50 = tpu.memref_slice %arg2[%dma_start3A_48, %dma_start3A_49] : memref<10240x128xf32, #tpu.memory_space<hbm>> -> memref<10240x128xf32, #tpu.memory_space<hbm>>
        tpu.enqueue_indirect_dma source(%dma_start3A_50 : memref<10240x128xf32, #tpu.memory_space<hbm>>) target(%arg10 : memref<128x128xf32, #tpu.memory_space<vmem>>) offsets(%dma_start3A_47 : memref<128xi32, #tpu.memory_space<vmem>>) semaphore(%arg13 : memref<!tpu.dma_semaphore, #tpu.memory_space<semaphore_mem>>)
        %dma_wait3A = arith.constant 0 : i32
        %dma_wait3A_51 = tpu.memref_slice %arg7[%scan3A_45, %dma_wait3A] : memref<16x128xi32, #tpu.memory_space<vmem>> -> memref<1x128xi32, #tpu.memory_space<vmem>>
        %dma_wait3A_52 = tpu.memref_squeeze %dma_wait3A_51 : memref<1x128xi32, #tpu.memory_space<vmem>> -> memref<128xi32, #tpu.memory_space<vmem>>
        %dma_wait3A_53 = arith.constant 0 : i32
        %dma_wait3A_54 = arith.constant 0 : i32
        %dma_wait3A_55 = tpu.memref_slice %arg2[%dma_wait3A_53, %dma_wait3A_54] : memref<10240x128xf32, #tpu.memory_space<hbm>> -> memref<10240x128xf32, #tpu.memory_space<hbm>>
        tpu.wait_indirect_dma semaphore(%arg13 : memref<!tpu.dma_semaphore, #tpu.memory_space<semaphore_mem>>) src(%dma_wait3A_55 : memref<10240x128xf32, #tpu.memory_space<hbm>>) dst(%arg10 : memref<128x128xf32, #tpu.memory_space<vmem>>)
        "tpu.region"() ({
          %run_scoped3A = tpu.sem_alloc : memref<!tpu.dma_semaphore, #tpu.memory_space<semaphore_mem>>
          %dma_start3A_56 = arith.constant 0 : i32
          %dma_start3A_57 = tpu.memref_slice %arg8[%scan3A_45, %dma_start3A_56] : memref<16x128xi32, #tpu.memory_space<vmem>> -> memref<1x128xi32, #tpu.memory_space<vmem>>
          %dma_start3A_58 = tpu.memref_squeeze %dma_start3A_57 : memref<1x128xi32, #tpu.memory_space<vmem>> -> memref<128xi32, #tpu.memory_space<vmem>>
          %dma_start3A_59 = arith.constant 0 : i32
          %dma_start3A_60 = arith.constant 0 : i32
          %dma_start3A_61 = tpu.memref_slice %arg11[%dma_start3A_59, %dma_start3A_60] : memref<10240x128xf32, #tpu.memory_space<vmem_shared>> -> memref<10240x128xf32, #tpu.memory_space<vmem_shared>>
          tpu.enqueue_indirect_dma source(%arg10 : memref<128x128xf32, #tpu.memory_space<vmem>>) target(%dma_start3A_61 : memref<10240x128xf32, #tpu.memory_space<vmem_shared>>) offsets(%dma_start3A_58 : memref<128xi32, #tpu.memory_space<vmem>>) semaphore(%run_scoped3A : memref<!tpu.dma_semaphore, #tpu.memory_space<semaphore_mem>>) {add = true}
          %dma_wait3A_62 = arith.constant 0 : i32
          %dma_wait3A_63 = tpu.memref_slice %arg8[%scan3A_45, %dma_wait3A_62] : memref<16x128xi32, #tpu.memory_space<vmem>> -> memref<1x128xi32, #tpu.memory_space<vmem>>
          %dma_wait3A_64 = tpu.memref_squeeze %dma_wait3A_63 : memref<1x128xi32, #tpu.memory_space<vmem>> -> memref<128xi32, #tpu.memory_space<vmem>>
          %dma_wait3A_65 = arith.constant 0 : i32
          %dma_wait3A_66 = arith.constant 0 : i32
          %dma_wait3A_67 = tpu.memref_slice %arg11[%dma_wait3A_65, %dma_wait3A_66] : memref<10240x128xf32, #tpu.memory_space<vmem_shared>> -> memref<10240x128xf32, #tpu.memory_space<vmem_shared>>
          tpu.wait_indirect_dma semaphore(%run_scoped3A : memref<!tpu.dma_semaphore, #tpu.memory_space<semaphore_mem>>) src(%arg10 : memref<128x128xf32, #tpu.memory_space<vmem>>) dst(%dma_wait3A_67 : memref<10240x128xf32, #tpu.memory_space<vmem_shared>>)
          tpu.yield
        }) : () -> ()
      }
      %scan3A_44 = arith.constant 16 : i32
    }
    %scan3A_25 = arith.constant 5 : i32
    %barrier3A_26 = arith.constant 0 : index
    tpu.barrier barrier_id(%barrier3A_26)
    %mul3A_27 = arith.constant 640 : i32
    %mul3A_28 = arith.muli %arg1, %mul3A_27 : i32
    %mul3A_29 = arith.constant 10240 : i32
    %mul3A_30 = arith.muli %arg0, %mul3A_29 : i32
    %mul3A_31 = arith.constant 640 : i32
    %mul3A_32 = arith.muli %arg1, %mul3A_31 : i32
    %add3A_33 = arith.addi %mul3A_30, %mul3A_32 : i32
    "tpu.region"() ({
      %run_scoped3A = tpu.sem_alloc : memref<!tpu.dma_semaphore, #tpu.memory_space<semaphore_mem>>
      %dma_start3A = arith.constant 0 : i32
      %dma_start3A_34 = tpu.memref_slice %arg6[%add3A_33, %dma_start3A] : memref<20480x128xf32, #tpu.memory_space<hbm>> -> memref<640x128xf32, #tpu.memory_space<hbm>>
      %dma_start3A_35 = arith.constant 0 : i32
      %dma_start3A_36 = tpu.memref_slice %arg11[%mul3A_28, %dma_start3A_35] : memref<10240x128xf32, #tpu.memory_space<vmem_shared>> -> memref<640x128xf32, #tpu.memory_space<vmem_shared>>
      tpu.enqueue_dma source(%dma_start3A_36 : memref<640x128xf32, #tpu.memory_space<vmem_shared>>) target(%dma_start3A_34 : memref<640x128xf32, #tpu.memory_space<hbm>>) target_semaphore(%run_scoped3A : memref<!tpu.dma_semaphore, #tpu.memory_space<semaphore_mem>>)
      %dma_wait3A = arith.constant 0 : i32
      %dma_wait3A_37 = tpu.memref_slice %arg6[%add3A_33, %dma_wait3A] : memref<20480x128xf32, #tpu.memory_space<hbm>> -> memref<640x128xf32, #tpu.memory_space<hbm>>
      %dma_wait3A_38 = arith.constant 0 : i32
      %dma_wait3A_39 = tpu.memref_slice %arg11[%mul3A_28, %dma_wait3A_38] : memref<10240x128xf32, #tpu.memory_space<vmem_shared>> -> memref<640x128xf32, #tpu.memory_space<vmem_shared>>
      tpu.wait_dma2 semaphore(%run_scoped3A : memref<!tpu.dma_semaphore, #tpu.memory_space<semaphore_mem>>) src(%dma_wait3A_39 : memref<640x128xf32, #tpu.memory_space<vmem_shared>>) dst(%dma_wait3A_37 : memref<640x128xf32, #tpu.memory_space<hbm>>)
      tpu.yield
    }) : () -> ()
    return
  }
}

#map = affine_map<(d0, d1) -> (0, 0)>
module attributes {stable_mosaic.version = 14 : i64} {
  func.func @_sc_scatter(%arg0: i32, %arg1: i32, %arg2: memref<10240x128xf32, #tpu.memory_space<hbm>>, %arg3: memref<2560x128xi32, #tpu.memory_space<hbm>>, %arg4: memref<2560x128xi32, #tpu.memory_space<hbm>>, %arg5: memref<128x128xf32, #tpu.memory_space<hbm>>, %arg6: memref<20480x128xf32, #tpu.memory_space<hbm>>, %arg7: memref<16x128xi32, #tpu.memory_space<vmem>>, %arg8: memref<16x128xi32, #tpu.memory_space<vmem>>, %arg9: memref<128x128xf32, #tpu.memory_space<vmem>>, %arg10: memref<128x128xf32, #tpu.memory_space<vmem>>, %arg11: memref<10240x128xf32, #tpu.memory_space<vmem_shared>>, %arg12: memref<!tpu.dma_semaphore, #tpu.memory_space<semaphore_mem>>, %arg13: memref<!tpu.dma_semaphore, #tpu.memory_space<semaphore_mem>>) attributes {dimension_semantics = [#tpu.dimension_semantics<core_parallel>, #tpu.dimension_semantics<subcore_parallel>], iteration_bounds = array<i64: 2, 16>, scalar_prefetch = 0 : i64, scratch_operands = 7 : i64, tpu.core_type = #tpu.core_type<sc_vector_subcore>, window_params = [{transform_indices = #map}, {transform_indices = #map}, {transform_indices = #map}, {transform_indices = #map}, {transform_indices = #map}]} {
    %mul3A = arith.constant 16 : i32
    %mul3A_0 = arith.muli %arg0, %mul3A : i32
    %add3A = arith.addi %mul3A_0, %arg1 : i32
    "tpu.region"() ({
      %run_scoped3A = tpu.sem_alloc : memref<!tpu.dma_semaphore, #tpu.memory_space<semaphore_mem>>
      tpu.enqueue_dma source(%arg5 : memref<128x128xf32, #tpu.memory_space<hbm>>) target(%arg9 : memref<128x128xf32, #tpu.memory_space<vmem>>) target_semaphore(%run_scoped3A : memref<!tpu.dma_semaphore, #tpu.memory_space<semaphore_mem>>)
      tpu.wait_dma2 semaphore(%run_scoped3A : memref<!tpu.dma_semaphore, #tpu.memory_space<semaphore_mem>>) src(%arg5 : memref<128x128xf32, #tpu.memory_space<hbm>>) dst(%arg9 : memref<128x128xf32, #tpu.memory_space<vmem>>)
      tpu.yield
    }) : () -> ()
    %mul3A_1 = arith.constant 640 : i32
    %mul3A_2 = arith.muli %arg1, %mul3A_1 : i32
    %add3A_3 = arith.constant 0 : i32
    %add3A_4 = arith.addi %mul3A_2, %add3A_3 : i32
    "tpu.region"() ({
      %run_scoped3A = tpu.sem_alloc : memref<!tpu.dma_semaphore, #tpu.memory_space<semaphore_mem>>
      %dma_start3A = arith.constant 0 : i32
      %dma_start3A_34 = tpu.memref_slice %arg11[%add3A_4, %dma_start3A] : memref<10240x128xf32, #tpu.memory_space<vmem_shared>> -> memref<128x128xf32, #tpu.memory_space<vmem_shared>>
      %dma_start3A_35 = arith.constant 0 : i32
      %dma_start3A_36 = tpu.memref_slice %arg11[%add3A_4, %dma_start3A_35] : memref<10240x128xf32, #tpu.memory_space<vmem_shared>> -> memref<128x128xf32, #tpu.memory_space<vmem_shared>>
      tpu.enqueue_dma source(%arg9 : memref<128x128xf32, #tpu.memory_space<vmem>>) target(%dma_start3A_36 : memref<128x128xf32, #tpu.memory_space<vmem_shared>>) target_semaphore(%run_scoped3A : memref<!tpu.dma_semaphore, #tpu.memory_space<semaphore_mem>>)
      %dma_wait3A = arith.constant 0 : i32
      %dma_wait3A_37 = tpu.memref_slice %arg11[%add3A_4, %dma_wait3A] : memref<10240x128xf32, #tpu.memory_space<vmem_shared>> -> memref<128x128xf32, #tpu.memory_space<vmem_shared>>
      %dma_wait3A_38 = arith.constant 0 : i32
      %dma_wait3A_39 = tpu.memref_slice %arg11[%add3A_4, %dma_wait3A_38] : memref<10240x128xf32, #tpu.memory_space<vmem_shared>> -> memref<128x128xf32, #tpu.memory_space<vmem_shared>>
      tpu.wait_dma2 semaphore(%run_scoped3A : memref<!tpu.dma_semaphore, #tpu.memory_space<semaphore_mem>>) src(%arg9 : memref<128x128xf32, #tpu.memory_space<vmem>>) dst(%dma_wait3A_39 : memref<128x128xf32, #tpu.memory_space<vmem_shared>>)
      tpu.yield
    }) : () -> ()
    %mul3A_5 = arith.constant 640 : i32
    %mul3A_6 = arith.muli %arg1, %mul3A_5 : i32
    %add3A_7 = arith.constant 128 : i32
    %add3A_8 = arith.addi %mul3A_6, %add3A_7 : i32
    "tpu.region"() ({
      %run_scoped3A = tpu.sem_alloc : memref<!tpu.dma_semaphore, #tpu.memory_space<semaphore_mem>>
      %dma_start3A = arith.constant 0 : i32
      %dma_start3A_34 = tpu.memref_slice %arg11[%add3A_8, %dma_start3A] : memref<10240x128xf32, #tpu.memory_space<vmem_shared>> -> memref<128x128xf32, #tpu.memory_space<vmem_shared>>
      %dma_start3A_35 = arith.constant 0 : i32
      %dma_start3A_36 = tpu.memref_slice %arg11[%add3A_8, %dma_start3A_35] : memref<10240x128xf32, #tpu.memory_space<vmem_shared>> -> memref<128x128xf32, #tpu.memory_space<vmem_shared>>
      tpu.enqueue_dma source(%arg9 : memref<128x128xf32, #tpu.memory_space<vmem>>) target(%dma_start3A_36 : memref<128x128xf32, #tpu.memory_space<vmem_shared>>) target_semaphore(%run_scoped3A : memref<!tpu.dma_semaphore, #tpu.memory_space<semaphore_mem>>)
      %dma_wait3A = arith.constant 0 : i32
      %dma_wait3A_37 = tpu.memref_slice %arg11[%add3A_8, %dma_wait3A] : memref<10240x128xf32, #tpu.memory_space<vmem_shared>> -> memref<128x128xf32, #tpu.memory_space<vmem_shared>>
      %dma_wait3A_38 = arith.constant 0 : i32
      %dma_wait3A_39 = tpu.memref_slice %arg11[%add3A_8, %dma_wait3A_38] : memref<10240x128xf32, #tpu.memory_space<vmem_shared>> -> memref<128x128xf32, #tpu.memory_space<vmem_shared>>
      tpu.wait_dma2 semaphore(%run_scoped3A : memref<!tpu.dma_semaphore, #tpu.memory_space<semaphore_mem>>) src(%arg9 : memref<128x128xf32, #tpu.memory_space<vmem>>) dst(%dma_wait3A_39 : memref<128x128xf32, #tpu.memory_space<vmem_shared>>)
      tpu.yield
    }) : () -> ()
    %mul3A_9 = arith.constant 640 : i32
    %mul3A_10 = arith.muli %arg1, %mul3A_9 : i32
    %add3A_11 = arith.constant 256 : i32
    %add3A_12 = arith.addi %mul3A_10, %add3A_11 : i32
    "tpu.region"() ({
      %run_scoped3A = tpu.sem_alloc : memref<!tpu.dma_semaphore, #tpu.memory_space<semaphore_mem>>
      %dma_start3A = arith.constant 0 : i32
      %dma_start3A_34 = tpu.memref_slice %arg11[%add3A_12, %dma_start3A] : memref<10240x128xf32, #tpu.memory_space<vmem_shared>> -> memref<128x128xf32, #tpu.memory_space<vmem_shared>>
      %dma_start3A_35 = arith.constant 0 : i32
      %dma_start3A_36 = tpu.memref_slice %arg11[%add3A_12, %dma_start3A_35] : memref<10240x128xf32, #tpu.memory_space<vmem_shared>> -> memref<128x128xf32, #tpu.memory_space<vmem_shared>>
      tpu.enqueue_dma source(%arg9 : memref<128x128xf32, #tpu.memory_space<vmem>>) target(%dma_start3A_36 : memref<128x128xf32, #tpu.memory_space<vmem_shared>>) target_semaphore(%run_scoped3A : memref<!tpu.dma_semaphore, #tpu.memory_space<semaphore_mem>>)
      %dma_wait3A = arith.constant 0 : i32
      %dma_wait3A_37 = tpu.memref_slice %arg11[%add3A_12, %dma_wait3A] : memref<10240x128xf32, #tpu.memory_space<vmem_shared>> -> memref<128x128xf32, #tpu.memory_space<vmem_shared>>
      %dma_wait3A_38 = arith.constant 0 : i32
      %dma_wait3A_39 = tpu.memref_slice %arg11[%add3A_12, %dma_wait3A_38] : memref<10240x128xf32, #tpu.memory_space<vmem_shared>> -> memref<128x128xf32, #tpu.memory_space<vmem_shared>>
      tpu.wait_dma2 semaphore(%run_scoped3A : memref<!tpu.dma_semaphore, #tpu.memory_space<semaphore_mem>>) src(%arg9 : memref<128x128xf32, #tpu.memory_space<vmem>>) dst(%dma_wait3A_39 : memref<128x128xf32, #tpu.memory_space<vmem_shared>>)
      tpu.yield
    }) : () -> ()
    %mul3A_13 = arith.constant 640 : i32
    %mul3A_14 = arith.muli %arg1, %mul3A_13 : i32
    %add3A_15 = arith.constant 384 : i32
    %add3A_16 = arith.addi %mul3A_14, %add3A_15 : i32
    "tpu.region"() ({
      %run_scoped3A = tpu.sem_alloc : memref<!tpu.dma_semaphore, #tpu.memory_space<semaphore_mem>>
      %dma_start3A = arith.constant 0 : i32
      %dma_start3A_34 = tpu.memref_slice %arg11[%add3A_16, %dma_start3A] : memref<10240x128xf32, #tpu.memory_space<vmem_shared>> -> memref<128x128xf32, #tpu.memory_space<vmem_shared>>
      %dma_start3A_35 = arith.constant 0 : i32
      %dma_start3A_36 = tpu.memref_slice %arg11[%add3A_16, %dma_start3A_35] : memref<10240x128xf32, #tpu.memory_space<vmem_shared>> -> memref<128x128xf32, #tpu.memory_space<vmem_shared>>
      tpu.enqueue_dma source(%arg9 : memref<128x128xf32, #tpu.memory_space<vmem>>) target(%dma_start3A_36 : memref<128x128xf32, #tpu.memory_space<vmem_shared>>) target_semaphore(%run_scoped3A : memref<!tpu.dma_semaphore, #tpu.memory_space<semaphore_mem>>)
      %dma_wait3A = arith.constant 0 : i32
      %dma_wait3A_37 = tpu.memref_slice %arg11[%add3A_16, %dma_wait3A] : memref<10240x128xf32, #tpu.memory_space<vmem_shared>> -> memref<128x128xf32, #tpu.memory_space<vmem_shared>>
      %dma_wait3A_38 = arith.constant 0 : i32
      %dma_wait3A_39 = tpu.memref_slice %arg11[%add3A_16, %dma_wait3A_38] : memref<10240x128xf32, #tpu.memory_space<vmem_shared>> -> memref<128x128xf32, #tpu.memory_space<vmem_shared>>
      tpu.wait_dma2 semaphore(%run_scoped3A : memref<!tpu.dma_semaphore, #tpu.memory_space<semaphore_mem>>) src(%arg9 : memref<128x128xf32, #tpu.memory_space<vmem>>) dst(%dma_wait3A_39 : memref<128x128xf32, #tpu.memory_space<vmem_shared>>)
      tpu.yield
    }) : () -> ()
    %mul3A_17 = arith.constant 640 : i32
    %mul3A_18 = arith.muli %arg1, %mul3A_17 : i32
    %add3A_19 = arith.constant 512 : i32
    %add3A_20 = arith.addi %mul3A_18, %add3A_19 : i32
    "tpu.region"() ({
      %run_scoped3A = tpu.sem_alloc : memref<!tpu.dma_semaphore, #tpu.memory_space<semaphore_mem>>
      %dma_start3A = arith.constant 0 : i32
      %dma_start3A_34 = tpu.memref_slice %arg11[%add3A_20, %dma_start3A] : memref<10240x128xf32, #tpu.memory_space<vmem_shared>> -> memref<128x128xf32, #tpu.memory_space<vmem_shared>>
      %dma_start3A_35 = arith.constant 0 : i32
      %dma_start3A_36 = tpu.memref_slice %arg11[%add3A_20, %dma_start3A_35] : memref<10240x128xf32, #tpu.memory_space<vmem_shared>> -> memref<128x128xf32, #tpu.memory_space<vmem_shared>>
      tpu.enqueue_dma source(%arg9 : memref<128x128xf32, #tpu.memory_space<vmem>>) target(%dma_start3A_36 : memref<128x128xf32, #tpu.memory_space<vmem_shared>>) target_semaphore(%run_scoped3A : memref<!tpu.dma_semaphore, #tpu.memory_space<semaphore_mem>>)
      %dma_wait3A = arith.constant 0 : i32
      %dma_wait3A_37 = tpu.memref_slice %arg11[%add3A_20, %dma_wait3A] : memref<10240x128xf32, #tpu.memory_space<vmem_shared>> -> memref<128x128xf32, #tpu.memory_space<vmem_shared>>
      %dma_wait3A_38 = arith.constant 0 : i32
      %dma_wait3A_39 = tpu.memref_slice %arg11[%add3A_20, %dma_wait3A_38] : memref<10240x128xf32, #tpu.memory_space<vmem_shared>> -> memref<128x128xf32, #tpu.memory_space<vmem_shared>>
      tpu.wait_dma2 semaphore(%run_scoped3A : memref<!tpu.dma_semaphore, #tpu.memory_space<semaphore_mem>>) src(%arg9 : memref<128x128xf32, #tpu.memory_space<vmem>>) dst(%dma_wait3A_39 : memref<128x128xf32, #tpu.memory_space<vmem_shared>>)
      tpu.yield
    }) : () -> ()
    %barrier3A = arith.constant 0 : index
    tpu.barrier barrier_id(%barrier3A)
    %scan3A = arith.constant 0 : i32
    %scan3A_21 = arith.constant 0 : i32
    %scan3A_22 = arith.constant 5 : i32
    %scan3A_23 = arith.addi %scan3A_21, %scan3A_22 : i32
    %scan3A_24 = arith.constant 1 : i32
    scf.for %scan3A_34 = %scan3A_21 to %scan3A_23 step %scan3A_24  : i32 {
      %mul3A_35 = arith.constant 80 : i32
      %mul3A_36 = arith.muli %add3A, %mul3A_35 : i32
      %mul3A_37 = arith.constant 16 : i32
      %mul3A_38 = arith.muli %scan3A_34, %mul3A_37 : i32
      %add3A_39 = arith.addi %mul3A_36, %mul3A_38 : i32
      "tpu.region"() ({
        %run_scoped3A = tpu.sem_alloc : memref<!tpu.dma_semaphore, #tpu.memory_space<semaphore_mem>>
        %dma_start3A = arith.constant 0 : i32
        %dma_start3A_45 = tpu.memref_slice %arg3[%add3A_39, %dma_start3A] : memref<2560x128xi32, #tpu.memory_space<hbm>> -> memref<16x128xi32, #tpu.memory_space<hbm>>
        %dma_start3A_46 = arith.constant 0 : i32
        %dma_start3A_47 = tpu.memref_slice %arg3[%add3A_39, %dma_start3A_46] : memref<2560x128xi32, #tpu.memory_space<hbm>> -> memref<16x128xi32, #tpu.memory_space<hbm>>
        tpu.enqueue_dma source(%dma_start3A_47 : memref<16x128xi32, #tpu.memory_space<hbm>>) target(%arg7 : memref<16x128xi32, #tpu.memory_space<vmem>>) target_semaphore(%run_scoped3A : memref<!tpu.dma_semaphore, #tpu.memory_space<semaphore_mem>>)
        %dma_wait3A = arith.constant 0 : i32
        %dma_wait3A_48 = tpu.memref_slice %arg3[%add3A_39, %dma_wait3A] : memref<2560x128xi32, #tpu.memory_space<hbm>> -> memref<16x128xi32, #tpu.memory_space<hbm>>
        %dma_wait3A_49 = arith.constant 0 : i32
        %dma_wait3A_50 = tpu.memref_slice %arg3[%add3A_39, %dma_wait3A_49] : memref<2560x128xi32, #tpu.memory_space<hbm>> -> memref<16x128xi32, #tpu.memory_space<hbm>>
        tpu.wait_dma2 semaphore(%run_scoped3A : memref<!tpu.dma_semaphore, #tpu.memory_space<semaphore_mem>>) src(%dma_wait3A_50 : memref<16x128xi32, #tpu.memory_space<hbm>>) dst(%arg7 : memref<16x128xi32, #tpu.memory_space<vmem>>)
        tpu.yield
      }) : () -> ()
      "tpu.region"() ({
        %run_scoped3A = tpu.sem_alloc : memref<!tpu.dma_semaphore, #tpu.memory_space<semaphore_mem>>
        %dma_start3A = arith.constant 0 : i32
        %dma_start3A_45 = tpu.memref_slice %arg4[%add3A_39, %dma_start3A] : memref<2560x128xi32, #tpu.memory_space<hbm>> -> memref<16x128xi32, #tpu.memory_space<hbm>>
        %dma_start3A_46 = arith.constant 0 : i32
        %dma_start3A_47 = tpu.memref_slice %arg4[%add3A_39, %dma_start3A_46] : memref<2560x128xi32, #tpu.memory_space<hbm>> -> memref<16x128xi32, #tpu.memory_space<hbm>>
        tpu.enqueue_dma source(%dma_start3A_47 : memref<16x128xi32, #tpu.memory_space<hbm>>) target(%arg8 : memref<16x128xi32, #tpu.memory_space<vmem>>) target_semaphore(%run_scoped3A : memref<!tpu.dma_semaphore, #tpu.memory_space<semaphore_mem>>)
        %dma_wait3A = arith.constant 0 : i32
        %dma_wait3A_48 = tpu.memref_slice %arg4[%add3A_39, %dma_wait3A] : memref<2560x128xi32, #tpu.memory_space<hbm>> -> memref<16x128xi32, #tpu.memory_space<hbm>>
        %dma_wait3A_49 = arith.constant 0 : i32
        %dma_wait3A_50 = tpu.memref_slice %arg4[%add3A_39, %dma_wait3A_49] : memref<2560x128xi32, #tpu.memory_space<hbm>> -> memref<16x128xi32, #tpu.memory_space<hbm>>
        tpu.wait_dma2 semaphore(%run_scoped3A : memref<!tpu.dma_semaphore, #tpu.memory_space<semaphore_mem>>) src(%dma_wait3A_50 : memref<16x128xi32, #tpu.memory_space<hbm>>) dst(%arg8 : memref<16x128xi32, #tpu.memory_space<vmem>>)
        tpu.yield
      }) : () -> ()
      %scan3A_40 = arith.constant 0 : i32
      %scan3A_41 = arith.constant 16 : i32
      %scan3A_42 = arith.addi %scan3A_40, %scan3A_41 : i32
      %scan3A_43 = arith.constant 1 : i32
      scf.for %scan3A_45 = %scan3A_40 to %scan3A_42 step %scan3A_43  : i32 {
        %dma_start3A = arith.constant 0 : i32
        %dma_start3A_46 = tpu.memref_slice %arg7[%scan3A_45, %dma_start3A] : memref<16x128xi32, #tpu.memory_space<vmem>> -> memref<1x128xi32, #tpu.memory_space<vmem>>
        %dma_start3A_47 = tpu.memref_squeeze %dma_start3A_46 : memref<1x128xi32, #tpu.memory_space<vmem>> -> memref<128xi32, #tpu.memory_space<vmem>>
        %dma_start3A_48 = arith.constant 0 : i32
        %dma_start3A_49 = arith.constant 0 : i32
        %dma_start3A_50 = tpu.memref_slice %arg2[%dma_start3A_48, %dma_start3A_49] : memref<10240x128xf32, #tpu.memory_space<hbm>> -> memref<10240x128xf32, #tpu.memory_space<hbm>>
        tpu.enqueue_indirect_dma source(%dma_start3A_50 : memref<10240x128xf32, #tpu.memory_space<hbm>>) target(%arg10 : memref<128x128xf32, #tpu.memory_space<vmem>>) offsets(%dma_start3A_47 : memref<128xi32, #tpu.memory_space<vmem>>) semaphore(%arg13 : memref<!tpu.dma_semaphore, #tpu.memory_space<semaphore_mem>>)
        %dma_wait3A = arith.constant 0 : i32
        %dma_wait3A_51 = tpu.memref_slice %arg7[%scan3A_45, %dma_wait3A] : memref<16x128xi32, #tpu.memory_space<vmem>> -> memref<1x128xi32, #tpu.memory_space<vmem>>
        %dma_wait3A_52 = tpu.memref_squeeze %dma_wait3A_51 : memref<1x128xi32, #tpu.memory_space<vmem>> -> memref<128xi32, #tpu.memory_space<vmem>>
        %dma_wait3A_53 = arith.constant 0 : i32
        %dma_wait3A_54 = arith.constant 0 : i32
        %dma_wait3A_55 = tpu.memref_slice %arg2[%dma_wait3A_53, %dma_wait3A_54] : memref<10240x128xf32, #tpu.memory_space<hbm>> -> memref<10240x128xf32, #tpu.memory_space<hbm>>
        tpu.wait_indirect_dma semaphore(%arg13 : memref<!tpu.dma_semaphore, #tpu.memory_space<semaphore_mem>>) src(%dma_wait3A_55 : memref<10240x128xf32, #tpu.memory_space<hbm>>) dst(%arg10 : memref<128x128xf32, #tpu.memory_space<vmem>>)
        "tpu.region"() ({
          %run_scoped3A = tpu.sem_alloc : memref<!tpu.dma_semaphore, #tpu.memory_space<semaphore_mem>>
          %dma_start3A_56 = arith.constant 0 : i32
          %dma_start3A_57 = tpu.memref_slice %arg8[%scan3A_45, %dma_start3A_56] : memref<16x128xi32, #tpu.memory_space<vmem>> -> memref<1x128xi32, #tpu.memory_space<vmem>>
          %dma_start3A_58 = tpu.memref_squeeze %dma_start3A_57 : memref<1x128xi32, #tpu.memory_space<vmem>> -> memref<128xi32, #tpu.memory_space<vmem>>
          %dma_start3A_59 = arith.constant 0 : i32
          %dma_start3A_60 = arith.constant 0 : i32
          %dma_start3A_61 = tpu.memref_slice %arg11[%dma_start3A_59, %dma_start3A_60] : memref<10240x128xf32, #tpu.memory_space<vmem_shared>> -> memref<10240x128xf32, #tpu.memory_space<vmem_shared>>
          tpu.enqueue_indirect_dma source(%arg10 : memref<128x128xf32, #tpu.memory_space<vmem>>) target(%dma_start3A_61 : memref<10240x128xf32, #tpu.memory_space<vmem_shared>>) offsets(%dma_start3A_58 : memref<128xi32, #tpu.memory_space<vmem>>) semaphore(%run_scoped3A : memref<!tpu.dma_semaphore, #tpu.memory_space<semaphore_mem>>) {add = true}
          %dma_wait3A_62 = arith.constant 0 : i32
          %dma_wait3A_63 = tpu.memref_slice %arg8[%scan3A_45, %dma_wait3A_62] : memref<16x128xi32, #tpu.memory_space<vmem>> -> memref<1x128xi32, #tpu.memory_space<vmem>>
          %dma_wait3A_64 = tpu.memref_squeeze %dma_wait3A_63 : memref<1x128xi32, #tpu.memory_space<vmem>> -> memref<128xi32, #tpu.memory_space<vmem>>
          %dma_wait3A_65 = arith.constant 0 : i32
          %dma_wait3A_66 = arith.constant 0 : i32
          %dma_wait3A_67 = tpu.memref_slice %arg11[%dma_wait3A_65, %dma_wait3A_66] : memref<10240x128xf32, #tpu.memory_space<vmem_shared>> -> memref<10240x128xf32, #tpu.memory_space<vmem_shared>>
          tpu.wait_indirect_dma semaphore(%run_scoped3A : memref<!tpu.dma_semaphore, #tpu.memory_space<semaphore_mem>>) src(%arg10 : memref<128x128xf32, #tpu.memory_space<vmem>>) dst(%dma_wait3A_67 : memref<10240x128xf32, #tpu.memory_space<vmem_shared>>)
          tpu.yield
        }) : () -> ()
      }
      %scan3A_44 = arith.constant 16 : i32
    }
    %scan3A_25 = arith.constant 5 : i32
    %barrier3A_26 = arith.constant 0 : index
    tpu.barrier barrier_id(%barrier3A_26)
    %mul3A_27 = arith.constant 640 : i32
    %mul3A_28 = arith.muli %arg1, %mul3A_27 : i32
    %mul3A_29 = arith.constant 10240 : i32
    %mul3A_30 = arith.muli %arg0, %mul3A_29 : i32
    %mul3A_31 = arith.constant 640 : i32
    %mul3A_32 = arith.muli %arg1, %mul3A_31 : i32
    %add3A_33 = arith.addi %mul3A_30, %mul3A_32 : i32
    "tpu.region"() ({
      %run_scoped3A = tpu.sem_alloc : memref<!tpu.dma_semaphore, #tpu.memory_space<semaphore_mem>>
      %dma_start3A = arith.constant 0 : i32
      %dma_start3A_34 = tpu.memref_slice %arg6[%add3A_33, %dma_start3A] : memref<20480x128xf32, #tpu.memory_space<hbm>> -> memref<640x128xf32, #tpu.memory_space<hbm>>
      %dma_start3A_35 = arith.constant 0 : i32
      %dma_start3A_36 = tpu.memref_slice %arg11[%mul3A_28, %dma_start3A_35] : memref<10240x128xf32, #tpu.memory_space<vmem_shared>> -> memref<640x128xf32, #tpu.memory_space<vmem_shared>>
      tpu.enqueue_dma source(%dma_start3A_36 : memref<640x128xf32, #tpu.memory_space<vmem_shared>>) target(%dma_start3A_34 : memref<640x128xf32, #tpu.memory_space<hbm>>) target_semaphore(%run_scoped3A : memref<!tpu.dma_semaphore, #tpu.memory_space<semaphore_mem>>)
      %dma_wait3A = arith.constant 0 : i32
      %dma_wait3A_37 = tpu.memref_slice %arg6[%add3A_33, %dma_wait3A] : memref<20480x128xf32, #tpu.memory_space<hbm>> -> memref<640x128xf32, #tpu.memory_space<hbm>>
      %dma_wait3A_38 = arith.constant 0 : i32
      %dma_wait3A_39 = tpu.memref_slice %arg11[%mul3A_28, %dma_wait3A_38] : memref<10240x128xf32, #tpu.memory_space<vmem_shared>> -> memref<640x128xf32, #tpu.memory_space<vmem_shared>>
      tpu.wait_dma2 semaphore(%run_scoped3A : memref<!tpu.dma_semaphore, #tpu.memory_space<semaphore_mem>>) src(%dma_wait3A_39 : memref<640x128xf32, #tpu.memory_space<vmem_shared>>) dst(%dma_wait3A_37 : memref<640x128xf32, #tpu.memory_space<hbm>>)
      tpu.yield
    }) : () -> ()
    return
  }
}

#map = affine_map<(d0, d1) -> (0, 0)>
module attributes {stable_mosaic.version = 14 : i64} {
  func.func @_sc_gather(%arg0: i32, %arg1: i32, %arg2: memref<10240x128xf32, #tpu.memory_space<hbm>>, %arg3: memref<1024x128xi32, #tpu.memory_space<hbm>>, %arg4: memref<131072x128xf32, #tpu.memory_space<hbm>>, %arg5: memref<32x128xi32, #tpu.memory_space<vmem>>, %arg6: memref<128x128xf32, #tpu.memory_space<vmem>>, %arg7: memref<!tpu.dma_semaphore, #tpu.memory_space<semaphore_mem>>) attributes {dimension_semantics = [#tpu.dimension_semantics<core_parallel>, #tpu.dimension_semantics<subcore_parallel>], iteration_bounds = array<i64: 2, 16>, scalar_prefetch = 0 : i64, scratch_operands = 3 : i64, tpu.core_type = #tpu.core_type<sc_vector_subcore>, window_params = [{transform_indices = #map}, {transform_indices = #map}, {transform_indices = #map}]} {
    %mul3A = arith.constant 16 : i32
    %mul3A_0 = arith.muli %arg0, %mul3A : i32
    %add3A = arith.addi %mul3A_0, %arg1 : i32
    %mul3A_1 = arith.constant 32 : i32
    %mul3A_2 = arith.muli %add3A, %mul3A_1 : i32
    "tpu.region"() ({
      %run_scoped3A = tpu.sem_alloc : memref<!tpu.dma_semaphore, #tpu.memory_space<semaphore_mem>>
      %dma_start3A = arith.constant 0 : i32
      %dma_start3A_8 = tpu.memref_slice %arg3[%mul3A_2, %dma_start3A] : memref<1024x128xi32, #tpu.memory_space<hbm>> -> memref<32x128xi32, #tpu.memory_space<hbm>>
      %dma_start3A_9 = arith.constant 0 : i32
      %dma_start3A_10 = tpu.memref_slice %arg3[%mul3A_2, %dma_start3A_9] : memref<1024x128xi32, #tpu.memory_space<hbm>> -> memref<32x128xi32, #tpu.memory_space<hbm>>
      tpu.enqueue_dma source(%dma_start3A_10 : memref<32x128xi32, #tpu.memory_space<hbm>>) target(%arg5 : memref<32x128xi32, #tpu.memory_space<vmem>>) target_semaphore(%run_scoped3A : memref<!tpu.dma_semaphore, #tpu.memory_space<semaphore_mem>>)
      %dma_wait3A = arith.constant 0 : i32
      %dma_wait3A_11 = tpu.memref_slice %arg3[%mul3A_2, %dma_wait3A] : memref<1024x128xi32, #tpu.memory_space<hbm>> -> memref<32x128xi32, #tpu.memory_space<hbm>>
      %dma_wait3A_12 = arith.constant 0 : i32
      %dma_wait3A_13 = tpu.memref_slice %arg3[%mul3A_2, %dma_wait3A_12] : memref<1024x128xi32, #tpu.memory_space<hbm>> -> memref<32x128xi32, #tpu.memory_space<hbm>>
      tpu.wait_dma2 semaphore(%run_scoped3A : memref<!tpu.dma_semaphore, #tpu.memory_space<semaphore_mem>>) src(%dma_wait3A_13 : memref<32x128xi32, #tpu.memory_space<hbm>>) dst(%arg5 : memref<32x128xi32, #tpu.memory_space<vmem>>)
      tpu.yield
    }) : () -> ()
    %scan3A = arith.constant 0 : i32
    %scan3A_3 = arith.constant 0 : i32
    %scan3A_4 = arith.constant 32 : i32
    %scan3A_5 = arith.addi %scan3A_3, %scan3A_4 : i32
    %scan3A_6 = arith.constant 1 : i32
    scf.for %scan3A_8 = %scan3A_3 to %scan3A_5 step %scan3A_6  : i32 {
      %dma_start3A = arith.constant 0 : i32
      %dma_start3A_9 = tpu.memref_slice %arg5[%scan3A_8, %dma_start3A] : memref<32x128xi32, #tpu.memory_space<vmem>> -> memref<1x128xi32, #tpu.memory_space<vmem>>
      %dma_start3A_10 = tpu.memref_squeeze %dma_start3A_9 : memref<1x128xi32, #tpu.memory_space<vmem>> -> memref<128xi32, #tpu.memory_space<vmem>>
      %dma_start3A_11 = arith.constant 0 : i32
      %dma_start3A_12 = arith.constant 0 : i32
      %dma_start3A_13 = tpu.memref_slice %arg2[%dma_start3A_11, %dma_start3A_12] : memref<10240x128xf32, #tpu.memory_space<hbm>> -> memref<10240x128xf32, #tpu.memory_space<hbm>>
      tpu.enqueue_indirect_dma source(%dma_start3A_13 : memref<10240x128xf32, #tpu.memory_space<hbm>>) target(%arg6 : memref<128x128xf32, #tpu.memory_space<vmem>>) offsets(%dma_start3A_10 : memref<128xi32, #tpu.memory_space<vmem>>) semaphore(%arg7 : memref<!tpu.dma_semaphore, #tpu.memory_space<semaphore_mem>>)
      %dma_wait3A = arith.constant 0 : i32
      %dma_wait3A_14 = tpu.memref_slice %arg5[%scan3A_8, %dma_wait3A] : memref<32x128xi32, #tpu.memory_space<vmem>> -> memref<1x128xi32, #tpu.memory_space<vmem>>
      %dma_wait3A_15 = tpu.memref_squeeze %dma_wait3A_14 : memref<1x128xi32, #tpu.memory_space<vmem>> -> memref<128xi32, #tpu.memory_space<vmem>>
      %dma_wait3A_16 = arith.constant 0 : i32
      %dma_wait3A_17 = arith.constant 0 : i32
      %dma_wait3A_18 = tpu.memref_slice %arg2[%dma_wait3A_16, %dma_wait3A_17] : memref<10240x128xf32, #tpu.memory_space<hbm>> -> memref<10240x128xf32, #tpu.memory_space<hbm>>
      tpu.wait_indirect_dma semaphore(%arg7 : memref<!tpu.dma_semaphore, #tpu.memory_space<semaphore_mem>>) src(%dma_wait3A_18 : memref<10240x128xf32, #tpu.memory_space<hbm>>) dst(%arg6 : memref<128x128xf32, #tpu.memory_space<vmem>>)
      %add3A_19 = arith.addi %mul3A_2, %scan3A_8 : i32
      %mul3A_20 = arith.constant 128 : i32
      %mul3A_21 = arith.muli %add3A_19, %mul3A_20 : i32
      "tpu.region"() ({
        %run_scoped3A = tpu.sem_alloc : memref<!tpu.dma_semaphore, #tpu.memory_space<semaphore_mem>>
        %dma_start3A_22 = arith.constant 0 : i32
        %dma_start3A_23 = tpu.memref_slice %arg4[%mul3A_21, %dma_start3A_22] : memref<131072x128xf32, #tpu.memory_space<hbm>> -> memref<128x128xf32, #tpu.memory_space<hbm>>
        %dma_start3A_24 = arith.constant 0 : i32
        %dma_start3A_25 = tpu.memref_slice %arg4[%mul3A_21, %dma_start3A_24] : memref<131072x128xf32, #tpu.memory_space<hbm>> -> memref<128x128xf32, #tpu.memory_space<hbm>>
        tpu.enqueue_dma source(%arg6 : memref<128x128xf32, #tpu.memory_space<vmem>>) target(%dma_start3A_25 : memref<128x128xf32, #tpu.memory_space<hbm>>) target_semaphore(%run_scoped3A : memref<!tpu.dma_semaphore, #tpu.memory_space<semaphore_mem>>)
        %dma_wait3A_26 = arith.constant 0 : i32
        %dma_wait3A_27 = tpu.memref_slice %arg4[%mul3A_21, %dma_wait3A_26] : memref<131072x128xf32, #tpu.memory_space<hbm>> -> memref<128x128xf32, #tpu.memory_space<hbm>>
        %dma_wait3A_28 = arith.constant 0 : i32
        %dma_wait3A_29 = tpu.memref_slice %arg4[%mul3A_21, %dma_wait3A_28] : memref<131072x128xf32, #tpu.memory_space<hbm>> -> memref<128x128xf32, #tpu.memory_space<hbm>>
        tpu.wait_dma2 semaphore(%run_scoped3A : memref<!tpu.dma_semaphore, #tpu.memory_space<semaphore_mem>>) src(%arg6 : memref<128x128xf32, #tpu.memory_space<vmem>>) dst(%dma_wait3A_29 : memref<128x128xf32, #tpu.memory_space<hbm>>)
        tpu.yield
      }) : () -> ()
    }
    %scan3A_7 = arith.constant 32 : i32
    return
  }
}

module attributes {stable_mosaic.version = 14 : i64} {
  func.func @_tc_emb_body(%arg0: memref<10240x128xf32, #tpu.memory_space<vmem>>, %arg1: memref<128x128xf32, #tpu.memory_space<vmem>>, %arg2: memref<1x128xf32, #tpu.memory_space<vmem>>, %arg3: memref<20480x16xf32, #tpu.memory_space<vmem>>, %arg4: memref<128x128xf32, #tpu.memory_space<vmem>>, %arg5: memref<10240x128xf32, #tpu.memory_space<vmem>>, %arg6: memref<10240x1xf32, #tpu.memory_space<vmem>>) attributes {dimension_semantics = [], scalar_prefetch = 0 : i64, scratch_operands = 0 : i64, tpu.core_type = #tpu.core_type<tc>} {
    %get3A = arith.constant 0 : index
    %get3A_0 = arith.constant 0 : index
    %get3A_1 = vector.load %arg0[%get3A, %get3A_0] : memref<10240x128xf32, #tpu.memory_space<vmem>>, vector<10240x128xf32>
    %get3A_2 = arith.constant 0 : index
    %get3A_3 = arith.constant 0 : index
    %get3A_4 = vector.load %arg1[%get3A_2, %get3A_3] : memref<128x128xf32, #tpu.memory_space<vmem>>, vector<128x128xf32>
    %dot_general3A = arith.constant dense<0.000000e+00> : vector<10240x128xf32>
    %dot_general3A_5 = tpu.matmul %get3A_1, %get3A_4, %dot_general3A {dimension_numbers = #tpu.dot_dimension_numbers<[1], [0], [0], [1], [0, 0, 1, 1], [], []>, transpose_lhs_hint = false} : vector<10240x128xf32>, vector<128x128xf32>, vector<10240x128xf32> -> vector<10240x128xf32>
    %get3A_6 = arith.constant 0 : index
    %get3A_7 = arith.constant 0 : index
    %get3A_8 = vector.load %arg2[%get3A_6, %get3A_7] : memref<1x128xf32, #tpu.memory_space<vmem>>, vector<1x128xf32>
    %add3A = vector.broadcast %get3A_8 : vector<1x128xf32> to vector<10240x128xf32>
    %add3A_9 = arith.addf %dot_general3A_5, %add3A : vector<10240x128xf32>
    %get3A_10 = arith.constant 0 : index
    %get3A_11 = arith.constant 0 : index
    %get3A_12 = vector.load %arg3[%get3A_10, %get3A_11] : memref<20480x16xf32, #tpu.memory_space<vmem>>, vector<10240x1xf32>
    %get3A_13 = arith.constant 10240 : index
    %get3A_14 = arith.constant 0 : index
    %get3A_15 = vector.load %arg3[%get3A_13, %get3A_14] : memref<20480x16xf32, #tpu.memory_space<vmem>>, vector<10240x1xf32>
    %add3A_16 = arith.addf %get3A_12, %get3A_15 : vector<10240x1xf32>
    %add3A_17 = arith.constant 1.000000e+00 : f32
    %add3A_18 = vector.broadcast %add3A_17 : f32 to vector<10240x1xf32>
    %add3A_19 = arith.addf %add3A_18, %add3A_16 : vector<10240x1xf32>
    %rsqrt3A = math.rsqrt %add3A_19 : vector<10240x1xf32>
    %swap3A = arith.constant 0 : index
    %swap3A_20 = arith.constant 0 : index
    %swap3A_21 = vector.load %arg6[%swap3A, %swap3A_20] : memref<10240x1xf32, #tpu.memory_space<vmem>>, vector<10240x1xf32>
    tpu.vector_store %arg6[%swap3A, %swap3A_20], %rsqrt3A {strides = array<i32>} : memref<10240x1xf32, #tpu.memory_space<vmem>>, vector<10240x1xf32>,
    %get3A_22 = arith.constant 0 : index
    %get3A_23 = arith.constant 0 : index
    %get3A_24 = vector.load %arg4[%get3A_22, %get3A_23] : memref<128x128xf32, #tpu.memory_space<vmem>>, vector<128x128xf32>
    %dot_general3A_25 = arith.constant dense<0.000000e+00> : vector<10240x128xf32>
    %dot_general3A_26 = tpu.matmul %add3A_9, %get3A_24, %dot_general3A_25 {dimension_numbers = #tpu.dot_dimension_numbers<[1], [0], [0], [1], [0, 0, 1, 1], [], []>, transpose_lhs_hint = false} : vector<10240x128xf32>, vector<128x128xf32>, vector<10240x128xf32> -> vector<10240x128xf32>
    %mul3A = vector.broadcast %rsqrt3A : vector<10240x1xf32> to vector<10240x128xf32>
    %mul3A_27 = arith.mulf %mul3A, %dot_general3A_26 : vector<10240x128xf32>
    %swap3A_28 = arith.constant 0 : index
    %swap3A_29 = arith.constant 0 : index
    %swap3A_30 = vector.load %arg5[%swap3A_28, %swap3A_29] : memref<10240x128xf32, #tpu.memory_space<vmem>>, vector<10240x128xf32>
    tpu.vector_store %arg5[%swap3A_28, %swap3A_29], %mul3A_27 {strides = array<i32>} : memref<10240x128xf32, #tpu.memory_space<vmem>>, vector<10240x128xf32>,
    return
  }
}

module attributes {stable_mosaic.version = 14 : i64} {
  func.func @_tc_layer_body(%arg0: memref<20480x128xf32, #tpu.memory_space<vmem>>, %arg1: memref<10240x128xf32, #tpu.memory_space<vmem>>, %arg2: memref<10240x1xf32, #tpu.memory_space<vmem>>, %arg3: memref<1x128xf32, #tpu.memory_space<vmem>>, %arg4: memref<1x128xf32, #tpu.memory_space<vmem>>, %arg5: memref<1x128xf32, #tpu.memory_space<vmem>>, %arg6: memref<128x128xf32, #tpu.memory_space<vmem>>, %arg7: memref<10240x128xf32, #tpu.memory_space<vmem>>) attributes {dimension_semantics = [], scalar_prefetch = 0 : i64, scratch_operands = 0 : i64, tpu.core_type = #tpu.core_type<tc>} {
    %get3A = arith.constant 0 : index
    %get3A_0 = arith.constant 0 : index
    %get3A_1 = vector.load %arg2[%get3A, %get3A_0] : memref<10240x1xf32, #tpu.memory_space<vmem>>, vector<10240x1xf32>
    %get3A_2 = arith.constant 0 : index
    %get3A_3 = arith.constant 0 : index
    %get3A_4 = vector.load %arg0[%get3A_2, %get3A_3] : memref<20480x128xf32, #tpu.memory_space<vmem>>, vector<10240x128xf32>
    %get3A_5 = arith.constant 10240 : index
    %get3A_6 = arith.constant 0 : index
    %get3A_7 = vector.load %arg0[%get3A_5, %get3A_6] : memref<20480x128xf32, #tpu.memory_space<vmem>>, vector<10240x128xf32>
    %add3A = arith.addf %get3A_4, %get3A_7 : vector<10240x128xf32>
    %get3A_8 = arith.constant 0 : index
    %get3A_9 = arith.constant 0 : index
    %get3A_10 = vector.load %arg1[%get3A_8, %get3A_9] : memref<10240x128xf32, #tpu.memory_space<vmem>>, vector<10240x128xf32>
    %add3A_11 = arith.addf %add3A, %get3A_10 : vector<10240x128xf32>
    %mul3A = vector.broadcast %get3A_1 : vector<10240x1xf32> to vector<10240x128xf32>
    %mul3A_12 = arith.mulf %mul3A, %add3A_11 : vector<10240x128xf32>
    %get3A_13 = arith.constant 0 : index
    %get3A_14 = arith.constant 0 : index
    %get3A_15 = vector.load %arg3[%get3A_13, %get3A_14] : memref<1x128xf32, #tpu.memory_space<vmem>>, vector<1x128xf32>
    %add3A_16 = vector.broadcast %get3A_15 : vector<1x128xf32> to vector<10240x128xf32>
    %add3A_17 = arith.addf %mul3A_12, %add3A_16 : vector<10240x128xf32>
    %slice3A = vector.extract_strided_slice %add3A_17 {offsets = [0, 0], sizes = [10000, 128], strides = [1, 1]} : vector<10240x128xf32> to vector<10000x128xf32>
    %reduce_sum3A = arith.constant dense<0.000000e+00> : vector<128xf32>
    %reduce_sum3A_18 = vector.multi_reduction <add>, %slice3A, %reduce_sum3A [0] : vector<10000x128xf32> to vector<128xf32>
    %broadcast_in_dim3A = vector.shape_cast %reduce_sum3A_18 : vector<128xf32> to vector<1x128xf32>
    %div3A = arith.constant 1.000000e+04 : f32
    %div3A_19 = vector.broadcast %div3A : f32 to vector<1x128xf32>
    %div3A_20 = arith.divf %broadcast_in_dim3A, %div3A_19 : vector<1x128xf32>
    %sub3A = vector.broadcast %div3A_20 : vector<1x128xf32> to vector<10000x128xf32>
    %sub3A_21 = arith.subf %slice3A, %sub3A : vector<10000x128xf32>
    %integer_pow3A = arith.mulf %sub3A_21, %sub3A_21 : vector<10000x128xf32>
    %reduce_sum3A_22 = arith.constant dense<0.000000e+00> : vector<128xf32>
    %reduce_sum3A_23 = vector.multi_reduction <add>, %integer_pow3A, %reduce_sum3A_22 [0] : vector<10000x128xf32> to vector<128xf32>
    %broadcast_in_dim3A_24 = vector.shape_cast %reduce_sum3A_23 : vector<128xf32> to vector<1x128xf32>
    %div3A_25 = arith.constant 1.000000e+04 : f32
    %div3A_26 = vector.broadcast %div3A_25 : f32 to vector<1x128xf32>
    %div3A_27 = arith.divf %broadcast_in_dim3A_24, %div3A_26 : vector<1x128xf32>
    %sub3A_28 = vector.broadcast %div3A_20 : vector<1x128xf32> to vector<10240x128xf32>
    %sub3A_29 = arith.subf %add3A_17, %sub3A_28 : vector<10240x128xf32>
    %add3A_30 = arith.constant 9.99999974E-6 : f32
    %add3A_31 = vector.broadcast %add3A_30 : f32 to vector<1x128xf32>
    %add3A_32 = arith.addf %div3A_27, %add3A_31 : vector<1x128xf32>
    %rsqrt3A = math.rsqrt %add3A_32 : vector<1x128xf32>
    %mul3A_33 = vector.broadcast %rsqrt3A : vector<1x128xf32> to vector<10240x128xf32>
    %mul3A_34 = arith.mulf %sub3A_29, %mul3A_33 : vector<10240x128xf32>
    %get3A_35 = arith.constant 0 : index
    %get3A_36 = arith.constant 0 : index
    %get3A_37 = vector.load %arg4[%get3A_35, %get3A_36] : memref<1x128xf32, #tpu.memory_space<vmem>>, vector<1x128xf32>
    %mul3A_38 = vector.broadcast %get3A_37 : vector<1x128xf32> to vector<10240x128xf32>
    %mul3A_39 = arith.mulf %mul3A_34, %mul3A_38 : vector<10240x128xf32>
    %get3A_40 = arith.constant 0 : index
    %get3A_41 = arith.constant 0 : index
    %get3A_42 = vector.load %arg5[%get3A_40, %get3A_41] : memref<1x128xf32, #tpu.memory_space<vmem>>, vector<1x128xf32>
    %add3A_43 = vector.broadcast %get3A_42 : vector<1x128xf32> to vector<10240x128xf32>
    %add3A_44 = arith.addf %mul3A_39, %add3A_43 : vector<10240x128xf32>
    %max3A = arith.constant 0.000000e+00 : f32
    %max3A_45 = vector.broadcast %max3A : f32 to vector<10240x128xf32>
    %max3A_46 = arith.maximumf %add3A_44, %max3A_45 : vector<10240x128xf32>
    %get3A_47 = arith.constant 0 : index
    %get3A_48 = arith.constant 0 : index
    %get3A_49 = vector.load %arg6[%get3A_47, %get3A_48] : memref<128x128xf32, #tpu.memory_space<vmem>>, vector<128x128xf32>
    %dot_general3A = arith.constant dense<0.000000e+00> : vector<10240x128xf32>
    %dot_general3A_50 = tpu.matmul %max3A_46, %get3A_49, %dot_general3A {dimension_numbers = #tpu.dot_dimension_numbers<[1], [0], [0], [1], [0, 0, 1, 1], [], []>, transpose_lhs_hint = false} : vector<10240x128xf32>, vector<128x128xf32>, vector<10240x128xf32> -> vector<10240x128xf32>
    %mul3A_51 = vector.broadcast %get3A_1 : vector<10240x1xf32> to vector<10240x128xf32>
    %mul3A_52 = arith.mulf %mul3A_51, %dot_general3A_50 : vector<10240x128xf32>
    %swap3A = arith.constant 0 : index
    %swap3A_53 = arith.constant 0 : index
    %swap3A_54 = vector.load %arg7[%swap3A, %swap3A_53] : memref<10240x128xf32, #tpu.memory_space<vmem>>, vector<10240x128xf32>
    tpu.vector_store %arg7[%swap3A, %swap3A_53], %mul3A_52 {strides = array<i32>} : memref<10240x128xf32, #tpu.memory_space<vmem>>, vector<10240x128xf32>,
    return
  }
}

module attributes {stable_mosaic.version = 14 : i64} {
  func.func @_tc_layer_body(%arg0: memref<20480x128xf32, #tpu.memory_space<vmem>>, %arg1: memref<10240x128xf32, #tpu.memory_space<vmem>>, %arg2: memref<10240x1xf32, #tpu.memory_space<vmem>>, %arg3: memref<1x128xf32, #tpu.memory_space<vmem>>, %arg4: memref<1x128xf32, #tpu.memory_space<vmem>>, %arg5: memref<1x128xf32, #tpu.memory_space<vmem>>, %arg6: memref<128x128xf32, #tpu.memory_space<vmem>>, %arg7: memref<10240x128xf32, #tpu.memory_space<vmem>>) attributes {dimension_semantics = [], scalar_prefetch = 0 : i64, scratch_operands = 0 : i64, tpu.core_type = #tpu.core_type<tc>} {
    %get3A = arith.constant 0 : index
    %get3A_0 = arith.constant 0 : index
    %get3A_1 = vector.load %arg2[%get3A, %get3A_0] : memref<10240x1xf32, #tpu.memory_space<vmem>>, vector<10240x1xf32>
    %get3A_2 = arith.constant 0 : index
    %get3A_3 = arith.constant 0 : index
    %get3A_4 = vector.load %arg0[%get3A_2, %get3A_3] : memref<20480x128xf32, #tpu.memory_space<vmem>>, vector<10240x128xf32>
    %get3A_5 = arith.constant 10240 : index
    %get3A_6 = arith.constant 0 : index
    %get3A_7 = vector.load %arg0[%get3A_5, %get3A_6] : memref<20480x128xf32, #tpu.memory_space<vmem>>, vector<10240x128xf32>
    %add3A = arith.addf %get3A_4, %get3A_7 : vector<10240x128xf32>
    %get3A_8 = arith.constant 0 : index
    %get3A_9 = arith.constant 0 : index
    %get3A_10 = vector.load %arg1[%get3A_8, %get3A_9] : memref<10240x128xf32, #tpu.memory_space<vmem>>, vector<10240x128xf32>
    %add3A_11 = arith.addf %add3A, %get3A_10 : vector<10240x128xf32>
    %mul3A = vector.broadcast %get3A_1 : vector<10240x1xf32> to vector<10240x128xf32>
    %mul3A_12 = arith.mulf %mul3A, %add3A_11 : vector<10240x128xf32>
    %get3A_13 = arith.constant 0 : index
    %get3A_14 = arith.constant 0 : index
    %get3A_15 = vector.load %arg3[%get3A_13, %get3A_14] : memref<1x128xf32, #tpu.memory_space<vmem>>, vector<1x128xf32>
    %add3A_16 = vector.broadcast %get3A_15 : vector<1x128xf32> to vector<10240x128xf32>
    %add3A_17 = arith.addf %mul3A_12, %add3A_16 : vector<10240x128xf32>
    %slice3A = vector.extract_strided_slice %add3A_17 {offsets = [0, 0], sizes = [10000, 128], strides = [1, 1]} : vector<10240x128xf32> to vector<10000x128xf32>
    %reduce_sum3A = arith.constant dense<0.000000e+00> : vector<128xf32>
    %reduce_sum3A_18 = vector.multi_reduction <add>, %slice3A, %reduce_sum3A [0] : vector<10000x128xf32> to vector<128xf32>
    %broadcast_in_dim3A = vector.shape_cast %reduce_sum3A_18 : vector<128xf32> to vector<1x128xf32>
    %div3A = arith.constant 1.000000e+04 : f32
    %div3A_19 = vector.broadcast %div3A : f32 to vector<1x128xf32>
    %div3A_20 = arith.divf %broadcast_in_dim3A, %div3A_19 : vector<1x128xf32>
    %sub3A = vector.broadcast %div3A_20 : vector<1x128xf32> to vector<10000x128xf32>
    %sub3A_21 = arith.subf %slice3A, %sub3A : vector<10000x128xf32>
    %integer_pow3A = arith.mulf %sub3A_21, %sub3A_21 : vector<10000x128xf32>
    %reduce_sum3A_22 = arith.constant dense<0.000000e+00> : vector<128xf32>
    %reduce_sum3A_23 = vector.multi_reduction <add>, %integer_pow3A, %reduce_sum3A_22 [0] : vector<10000x128xf32> to vector<128xf32>
    %broadcast_in_dim3A_24 = vector.shape_cast %reduce_sum3A_23 : vector<128xf32> to vector<1x128xf32>
    %div3A_25 = arith.constant 1.000000e+04 : f32
    %div3A_26 = vector.broadcast %div3A_25 : f32 to vector<1x128xf32>
    %div3A_27 = arith.divf %broadcast_in_dim3A_24, %div3A_26 : vector<1x128xf32>
    %sub3A_28 = vector.broadcast %div3A_20 : vector<1x128xf32> to vector<10240x128xf32>
    %sub3A_29 = arith.subf %add3A_17, %sub3A_28 : vector<10240x128xf32>
    %add3A_30 = arith.constant 9.99999974E-6 : f32
    %add3A_31 = vector.broadcast %add3A_30 : f32 to vector<1x128xf32>
    %add3A_32 = arith.addf %div3A_27, %add3A_31 : vector<1x128xf32>
    %rsqrt3A = math.rsqrt %add3A_32 : vector<1x128xf32>
    %mul3A_33 = vector.broadcast %rsqrt3A : vector<1x128xf32> to vector<10240x128xf32>
    %mul3A_34 = arith.mulf %sub3A_29, %mul3A_33 : vector<10240x128xf32>
    %get3A_35 = arith.constant 0 : index
    %get3A_36 = arith.constant 0 : index
    %get3A_37 = vector.load %arg4[%get3A_35, %get3A_36] : memref<1x128xf32, #tpu.memory_space<vmem>>, vector<1x128xf32>
    %mul3A_38 = vector.broadcast %get3A_37 : vector<1x128xf32> to vector<10240x128xf32>
    %mul3A_39 = arith.mulf %mul3A_34, %mul3A_38 : vector<10240x128xf32>
    %get3A_40 = arith.constant 0 : index
    %get3A_41 = arith.constant 0 : index
    %get3A_42 = vector.load %arg5[%get3A_40, %get3A_41] : memref<1x128xf32, #tpu.memory_space<vmem>>, vector<1x128xf32>
    %add3A_43 = vector.broadcast %get3A_42 : vector<1x128xf32> to vector<10240x128xf32>
    %add3A_44 = arith.addf %mul3A_39, %add3A_43 : vector<10240x128xf32>
    %max3A = arith.constant 0.000000e+00 : f32
    %max3A_45 = vector.broadcast %max3A : f32 to vector<10240x128xf32>
    %max3A_46 = arith.maximumf %add3A_44, %max3A_45 : vector<10240x128xf32>
    %swap3A = arith.constant 0 : index
    %swap3A_47 = arith.constant 0 : index
    %swap3A_48 = vector.load %arg7[%swap3A, %swap3A_47] : memref<10240x128xf32, #tpu.memory_space<vmem>>, vector<10240x128xf32>
    tpu.vector_store %arg7[%swap3A, %swap3A_47], %max3A_46 {strides = array<i32>} : memref<10240x128xf32, #tpu.memory_space<vmem>>, vector<10240x128xf32>,
    return
  }
}

module attributes {stable_mosaic.version = 14 : i64} {
  func.func @_tc_mlp_body(%arg0: i32, %arg1: memref<4096x128xf32, #tpu.memory_space<vmem>>, %arg2: memref<4096x128xf32, #tpu.memory_space<vmem>>, %arg3: memref<4096x16xf32, #tpu.memory_space<vmem>>, %arg4: memref<128x128xf32, #tpu.memory_space<vmem>>, %arg5: memref<128x128xf32, #tpu.memory_space<vmem>>, %arg6: memref<16x128xf32, #tpu.memory_space<vmem>>, %arg7: memref<1x128xf32, #tpu.memory_space<vmem>>, %arg8: memref<128x64xf32, #tpu.memory_space<vmem>>, %arg9: memref<1x64xf32, #tpu.memory_space<vmem>>, %arg10: memref<64x1xf32, #tpu.memory_space<vmem>>, %arg11: memref<1x1xf32, #tpu.memory_space<vmem>>, %arg12: memref<4096x1xf32, #tpu.memory_space<vmem>>) attributes {dimension_semantics = [#tpu.dimension_semantics<arbitrary>], iteration_bounds = array<i64: 13>, scalar_prefetch = 0 : i64, scratch_operands = 0 : i64, tpu.core_type = #tpu.core_type<tc>, window_params = [{transform_indices = @transform_0, window_bounds = array<i64: 4096, 128>}, {transform_indices = @transform_1, window_bounds = array<i64: 4096, 128>}, {transform_indices = @transform_2, window_bounds = array<i64: 4096, 16>}, {pipeline_mode = #tpu.pipeline_mode<synchronous>, transform_indices = @transform_3, window_bounds = array<i64: 128, 128>}, {pipeline_mode = #tpu.pipeline_mode<synchronous>, transform_indices = @transform_4, window_bounds = array<i64: 128, 128>}, {pipeline_mode = #tpu.pipeline_mode<synchronous>, transform_indices = @transform_5, window_bounds = array<i64: 16, 128>}, {pipeline_mode = #tpu.pipeline_mode<synchronous>, transform_indices = @transform_6, window_bounds = array<i64: 1, 128>}, {pipeline_mode = #tpu.pipeline_mode<synchronous>, transform_indices = @transform_7, window_bounds = array<i64: 128, 64>}, {pipeline_mode = #tpu.pipeline_mode<synchronous>, transform_indices = @transform_8, window_bounds = array<i64: 1, 64>}, {pipeline_mode = #tpu.pipeline_mode<synchronous>, transform_indices = @transform_9, window_bounds = array<i64: 64, 1>}, {pipeline_mode = #tpu.pipeline_mode<synchronous>, transform_indices = @transform_10, window_bounds = array<i64: 1, 1>}, {transform_indices = @transform_11, window_bounds = array<i64: 4096, 1>}]} {
    %get3A = arith.constant 0 : index
    %get3A_0 = arith.constant 0 : index
    %get3A_1 = vector.load %arg1[%get3A, %get3A_0] : memref<4096x128xf32, #tpu.memory_space<vmem>>, vector<4096x128xf32>
    %get3A_2 = arith.constant 0 : index
    %get3A_3 = arith.constant 0 : index
    %get3A_4 = vector.load %arg4[%get3A_2, %get3A_3] : memref<128x128xf32, #tpu.memory_space<vmem>>, vector<128x128xf32>
    %dot_general3A = arith.constant dense<0.000000e+00> : vector<4096x128xf32>
    %dot_general3A_5 = tpu.matmul %get3A_1, %get3A_4, %dot_general3A {dimension_numbers = #tpu.dot_dimension_numbers<[1], [0], [0], [1], [0, 0, 1, 1], [], []>, transpose_lhs_hint = false} : vector<4096x128xf32>, vector<128x128xf32>, vector<4096x128xf32> -> vector<4096x128xf32>
    %get3A_6 = arith.constant 0 : index
    %get3A_7 = arith.constant 0 : index
    %get3A_8 = vector.load %arg2[%get3A_6, %get3A_7] : memref<4096x128xf32, #tpu.memory_space<vmem>>, vector<4096x128xf32>
    %get3A_9 = arith.constant 0 : index
    %get3A_10 = arith.constant 0 : index
    %get3A_11 = vector.load %arg5[%get3A_9, %get3A_10] : memref<128x128xf32, #tpu.memory_space<vmem>>, vector<128x128xf32>
    %dot_general3A_12 = arith.constant dense<0.000000e+00> : vector<4096x128xf32>
    %dot_general3A_13 = tpu.matmul %get3A_8, %get3A_11, %dot_general3A_12 {dimension_numbers = #tpu.dot_dimension_numbers<[1], [0], [0], [1], [0, 0, 1, 1], [], []>, transpose_lhs_hint = false} : vector<4096x128xf32>, vector<128x128xf32>, vector<4096x128xf32> -> vector<4096x128xf32>
    %add3A = arith.addf %dot_general3A_5, %dot_general3A_13 : vector<4096x128xf32>
    %get3A_14 = arith.constant 0 : index
    %get3A_15 = arith.constant 0 : index
    %get3A_16 = vector.load %arg3[%get3A_14, %get3A_15] : memref<4096x16xf32, #tpu.memory_space<vmem>>, vector<4096x16xf32>
    %get3A_17 = arith.constant 0 : index
    %get3A_18 = arith.constant 0 : index
    %get3A_19 = vector.load %arg6[%get3A_17, %get3A_18] : memref<16x128xf32, #tpu.memory_space<vmem>>, vector<16x128xf32>
    %dot_general3A_20 = arith.constant dense<0.000000e+00> : vector<4096x128xf32>
    %dot_general3A_21 = tpu.matmul %get3A_16, %get3A_19, %dot_general3A_20 {dimension_numbers = #tpu.dot_dimension_numbers<[1], [0], [0], [1], [0, 0, 1, 1], [], []>, transpose_lhs_hint = false} : vector<4096x16xf32>, vector<16x128xf32>, vector<4096x128xf32> -> vector<4096x128xf32>
    %add3A_22 = arith.addf %add3A, %dot_general3A_21 : vector<4096x128xf32>
    %get3A_23 = arith.constant 0 : index
    %get3A_24 = arith.constant 0 : index
    %get3A_25 = vector.load %arg7[%get3A_23, %get3A_24] : memref<1x128xf32, #tpu.memory_space<vmem>>, vector<1x128xf32>
    %add3A_26 = vector.broadcast %get3A_25 : vector<1x128xf32> to vector<4096x128xf32>
    %add3A_27 = arith.addf %add3A_22, %add3A_26 : vector<4096x128xf32>
    %max3A = arith.constant 0.000000e+00 : f32
    %max3A_28 = vector.broadcast %max3A : f32 to vector<4096x128xf32>
    %max3A_29 = arith.maximumf %add3A_27, %max3A_28 : vector<4096x128xf32>
    %get3A_30 = arith.constant 0 : index
    %get3A_31 = arith.constant 0 : index
    %get3A_32 = vector.load %arg8[%get3A_30, %get3A_31] : memref<128x64xf32, #tpu.memory_space<vmem>>, vector<128x64xf32>
    %dot_general3A_33 = arith.constant dense<0.000000e+00> : vector<4096x64xf32>
    %dot_general3A_34 = tpu.matmul %max3A_29, %get3A_32, %dot_general3A_33 {dimension_numbers = #tpu.dot_dimension_numbers<[1], [0], [0], [1], [0, 0, 1, 1], [], []>, transpose_lhs_hint = false} : vector<4096x128xf32>, vector<128x64xf32>, vector<4096x64xf32> -> vector<4096x64xf32>
    %get3A_35 = arith.constant 0 : index
    %get3A_36 = arith.constant 0 : index
    %get3A_37 = vector.load %arg9[%get3A_35, %get3A_36] : memref<1x64xf32, #tpu.memory_space<vmem>>, vector<1x64xf32>
    %add3A_38 = vector.broadcast %get3A_37 : vector<1x64xf32> to vector<4096x64xf32>
    %add3A_39 = arith.addf %dot_general3A_34, %add3A_38 : vector<4096x64xf32>
    %max3A_40 = arith.constant 0.000000e+00 : f32
    %max3A_41 = vector.broadcast %max3A_40 : f32 to vector<4096x64xf32>
    %max3A_42 = arith.maximumf %add3A_39, %max3A_41 : vector<4096x64xf32>
    %get3A_43 = arith.constant 0 : index
    %get3A_44 = arith.constant 0 : index
    %get3A_45 = vector.load %arg10[%get3A_43, %get3A_44] : memref<64x1xf32, #tpu.memory_space<vmem>>, vector<64x1xf32>
    %dot_general3A_46 = arith.constant dense<0.000000e+00> : vector<4096x1xf32>
    %dot_general3A_47 = tpu.matmul %max3A_42, %get3A_45, %dot_general3A_46 {dimension_numbers = #tpu.dot_dimension_numbers<[1], [0], [0], [1], [0, 0, 1, 1], [], []>, transpose_lhs_hint = false} : vector<4096x64xf32>, vector<64x1xf32>, vector<4096x1xf32> -> vector<4096x1xf32>
    %get3A_48 = arith.constant 0 : index
    %get3A_49 = arith.constant 0 : index
    %get3A_50 = vector.load %arg11[%get3A_48, %get3A_49] : memref<1x1xf32, #tpu.memory_space<vmem>>, vector<1x1xf32>
    %add3A_51 = vector.broadcast %get3A_50 : vector<1x1xf32> to vector<4096x1xf32>
    %add3A_52 = arith.addf %dot_general3A_47, %add3A_51 : vector<4096x1xf32>
    %swap3A = arith.constant 0 : index
    %swap3A_53 = arith.constant 0 : index
    %swap3A_54 = vector.load %arg12[%swap3A, %swap3A_53] : memref<4096x1xf32, #tpu.memory_space<vmem>>, vector<4096x1xf32>
    tpu.vector_store %arg12[%swap3A, %swap3A_53], %add3A_52 {strides = array<i32>} : memref<4096x1xf32, #tpu.memory_space<vmem>>, vector<4096x1xf32>,
    return
  }
  func.func @transform_0(%arg0: i32) -> (i32, i32) {
    %c0_i32 = arith.constant 0 : i32
    %c0_i32_0 = arith.constant 0 : i32
    return %arg0, %c0_i32 : i32, i32
  }
  func.func @transform_1(%arg0: i32) -> (i32, i32) {
    %add3A = arith.constant 16 : i32
    %add3A_0 = arith.addi %arg0, %add3A : i32
    %c0_i32 = arith.constant 0 : i32
    %c0_i32_1 = arith.constant 0 : i32
    return %add3A_0, %c0_i32 : i32, i32
  }
  func.func @transform_2(%arg0: i32) -> (i32, i32) {
    %c0_i32 = arith.constant 0 : i32
    %c0_i32_0 = arith.constant 0 : i32
    return %arg0, %c0_i32 : i32, i32
  }
  func.func @transform_3(%arg0: i32) -> (i32, i32) {
    %c0_i32 = arith.constant 0 : i32
    %c0_i32_0 = arith.constant 0 : i32
    %c0_i32_1 = arith.constant 0 : i32
    return %c0_i32, %c0_i32_0 : i32, i32
  }
  func.func @transform_4(%arg0: i32) -> (i32, i32) {
    %c0_i32 = arith.constant 0 : i32
    %c0_i32_0 = arith.constant 0 : i32
    %c0_i32_1 = arith.constant 0 : i32
    return %c0_i32, %c0_i32_0 : i32, i32
  }
  func.func @transform_5(%arg0: i32) -> (i32, i32) {
    %c0_i32 = arith.constant 0 : i32
    %c0_i32_0 = arith.constant 0 : i32
    %c0_i32_1 = arith.constant 0 : i32
    return %c0_i32, %c0_i32_0 : i32, i32
  }
  func.func @transform_6(%arg0: i32) -> (i32, i32) {
    %c0_i32 = arith.constant 0 : i32
    %c0_i32_0 = arith.constant 0 : i32
    %c0_i32_1 = arith.constant 0 : i32
    return %c0_i32, %c0_i32_0 : i32, i32
  }
  func.func @transform_7(%arg0: i32) -> (i32, i32) {
    %c0_i32 = arith.constant 0 : i32
    %c0_i32_0 = arith.constant 0 : i32
    %c0_i32_1 = arith.constant 0 : i32
    return %c0_i32, %c0_i32_0 : i32, i32
  }
  func.func @transform_8(%arg0: i32) -> (i32, i32) {
    %c0_i32 = arith.constant 0 : i32
    %c0_i32_0 = arith.constant 0 : i32
    %c0_i32_1 = arith.constant 0 : i32
    return %c0_i32, %c0_i32_0 : i32, i32
  }
  func.func @transform_9(%arg0: i32) -> (i32, i32) {
    %c0_i32 = arith.constant 0 : i32
    %c0_i32_0 = arith.constant 0 : i32
    %c0_i32_1 = arith.constant 0 : i32
    return %c0_i32, %c0_i32_0 : i32, i32
  }
  func.func @transform_10(%arg0: i32) -> (i32, i32) {
    %c0_i32 = arith.constant 0 : i32
    %c0_i32_0 = arith.constant 0 : i32
    %c0_i32_1 = arith.constant 0 : i32
    return %c0_i32, %c0_i32_0 : i32, i32
  }
  func.func @transform_11(%arg0: i32) -> (i32, i32) {
    %c0_i32 = arith.constant 0 : i32
    %c0_i32_0 = arith.constant 0 : i32
    return %arg0, %c0_i32 : i32, i32
  }
}

</mosaic_0001>

<sc_bundles>
// kernel: kernel.12.cloned.1.call-start
scs
__scs_entry_jumppad:
0x0: {  	(pc) =	sbr.rel $0x88, $3  }
0x1: {  	(tag) =	ssettag $0x0;
	lr =	simm.s32 $0x1  }
0x2: {  	[smem:$0x3F91] =	sst lr;
	_ =	strace $0xD0000000  }
0x3: {  	_ = 	snop  }
0x4: {  	_ = 	snop  }
0x5: {  	_ = 	snop  }
0x6: {  	_ = 	snop  }
0x7: {  	_ = 	snop  }
__scs_overlays_trampoline_lowered:
0x8: {  	[smem:$0x3FA0] =	sst s0  }
0x9: {  	[smem:$0x3FA1] =	sst s1  }
0xa: {  	[smem:$0x3FA2] =	sst s2  }
0xb: {  	[smem:$0x3FA3] =	sst s3  }
0xc: {  	[smem:$0x3FA4] =	sst s4  }
0xd: {  	[smem:$0x3FA5] =	sst s5  }
0xe: {  	[smem:$0x3FA6] =	sst s6  }
0xf: {  	[smem:$0x3FA7] =	sst s7  }
0x10: {  	[smem:$0x3FA8] =	sst s8  }
0x11: {  	[smem:$0x3FA9] =	sst s9;
	s0 =	simm.s32 @!p0 $0x0  }
0x12: {  	s1 =	sld [smem:$0x3F8F];
	s0 =	simm.s32 @p0 $0x1  }
0x13: {  	[smem:$0x3FAA] =	sst s0;
	s0 =	simm.s32 @!p1 $0x0  }
0x14: {  	s2 =	sld [smem:$0x3F8E];
	s0 =	simm.s32 @p1 $0x1  }
0x15: {  	[smem:$0x3FAB] =	sst s0;
	s0 =	simm.s32 @!p2 $0x0  }
0x16: {  	s3 =	sld [smem:$0x3FDB];
	s0 =	simm.s32 @p2 $0x1  }
0x17: {  	s4 =	simm.s32 $0x1BF5;
	[smem:$0x3FAD] =	sst s0  }
0x18: {  	s0 =	sld [smem:$0x3F90];
	_ =	swait.ge [sflag:s4], $0x0  }
0x19: {  	s7 =	sld [smem:$0x3F91]  }
0x1a: {  	s8 =	sadd.s32 $0xFFFFE003, lr  }
0x1b: {  	s9 =	sadd.s32 $0xFFFFFEF7, lr;
	s5 =	simm.s32 $0xFFFFFFFF;
	p2 =	slt.u32 s8, $0xFFFFF086  }
0x1c: {  	p1 =	slt.u32 s9, $0xF7A;
	s5 =	simm.s32 @!p2 $0x0  }
0x1d: {  	s5 =	simm.s32 @p1 $0x1;
	p0 =	seq.s32 s7, s2  }
0x1e: {  	s7 =	smul.u32 @!p0 $0xF7A, s2;
	p2 =	seq.s32 @!p0 s5, $0x0  }
0x1f: {  	s9 =	smul.u32 $0xF7A, s1;
	s8 =	simm.s32 @!p0 $0x1BF5;
	p2 =	por !p2, p0  }
0x20: {  	[sflag:s8] =	ssyncset.s32 @!p0 $0xFFFFF086;
	s6 =	sadd.s32 @!p0 s3, s7;
	s7 =	simm.s32 @!p0 $0x108  }
0x21: {  	s3 =	sadd.s32 s3, s9;
	s6 =	sadd.s32 @!p0 $0x88, s6;
	s7 =	simm.s32 @p2 $0x1082  }
0x22: {  	[simem:s7], [sflag:s8] =	dma.local @!p0 [hbm:s6], $0xF7A  }
0x23: {  	s9 =	sor.u32 $0xD0000000, s2;
	s6 =	simm.s32 $0x108;
	_ =	swait.ge @!p0 [sflag:s8], $0x0  }
0x24: {  	s3 =	sadd.s32 $0x88, s3;
	s6 =	simm.s32 @!p1 $0x1082;
	[sflag:s4] =	ssyncset.s32 $0xFFFFF086  }
0x25: {  	[simem:s6], [sflag:s4] =	dma.local [hbm:s3], $0xF7A  }
0x26: {  	[smem:$0x3F91] =	sst s1;
	(tag) =	ssettag s2;
	_ =	strace s9  }
0x27: {  	s1 =	sld [smem:$0x3FA1]  }
0x28: {  	s2 =	sld [smem:$0x3FA2]  }
0x29: {  	s4 =	sld [smem:$0x3FA4]  }
0x2a: {  	p0 =	seq.s32 s5, $0x0;
	s5 =	sld [smem:$0x3FA5]  }
0x2b: {  	s6 =	sld [smem:$0x3FA6]  }
0x2c: {  	s7 =	sld [smem:$0x3FA7]  }
0x2d: {  	s3 =	simm.s32 $0x108;
	s8 =	sld [smem:$0x3FA8]  }
0x2e: {  	s3 =	simm.s32 @!p0 $0x1082;
	s9 =	sld [smem:$0x3FA9]  }
0x2f: {  	lr =	sadd.s32 s0, s3;
	s0 =	sld [smem:$0x3FA0]  }
0x30: {  	s3 =	sld [smem:$0x3FA3]  }
0x31: {  	[smem:$0x3FAC] =	sst s10  }
0x32: {  	s10 =	sld [smem:$0x3FAA];
	_ =	sdelay $0x3  }
0x33: {  	p0 =	seq.s32 s10, $0x1;
	s10 =	sld [smem:$0x3FAC];
	_ =	sdelay $0x3  }
0x34: {  	[smem:$0x3FAC] =	sst s10  }
0x35: {  	s10 =	sld [smem:$0x3FAB];
	_ =	sdelay $0x3  }
0x36: {  	p1 =	seq.s32 s10, $0x1;
	s10 =	sld [smem:$0x3FAC];
	_ =	sdelay $0x3  }
0x37: {  	[smem:$0x3FAC] =	sst s10  }
0x38: {  	s10 =	sld [smem:$0x3FAD]  }
0x39: {  	_ = 	snop;
	(pc) =	sbr.ind lr, $3  }
0x3a: {  	_ = 	snop  }
0x3b: {  	_ = 	snop  }
0x3c: {  	p2 =	seq.s32 s10, $0x1;
	s10 =	sld [smem:$0x3FAC]  }
0x3d: {  	_ =	shalt  }
0x3e: {  	_ =	shalt  }
0x3f: {  	_ =	shalt  }
0x40: {  	_ =	shalt  }
0x41: {  	_ =	shalt  }
0x42: {  	_ =	shalt  }
0x43: {  	_ =	shalt  }
0x44: {  	_ =	shalt  }
0x45: {  	_ =	shalt  }
0x46: {  	_ =	shalt  }
0x47: {  	_ =	shalt  }
0x48: {  	_ =	shalt  }
0x49: {  	_ =	shalt  }
0x4a: {  	_ =	shalt  }
0x4b: {  	_ =	shalt  }
0x4c: {  	_ =	shalt  }
0x4d: {  	_ =	shalt  }
0x4e: {  	_ =	shalt  }
0x4f: {  	_ =	shalt  }
0x50: {  	_ =	shalt  }
0x51: {  	_ =	shalt  }
0x52: {  	_ =	shalt  }
0x53: {  	_ =	shalt  }
0x54: {  	_ =	shalt  }
0x55: {  	_ =	shalt  }
0x56: {  	_ =	shalt  }
0x57: {  	_ =	shalt  }
0x58: {  	_ =	shalt  }
0x59: {  	_ =	shalt  }
0x5a: {  	_ =	shalt  }
0x5b: {  	_ =	shalt  }
0x5c: {  	_ =	shalt  }
0x5d: {  	_ =	shalt  }
0x5e: {  	_ =	shalt  }
0x5f: {  	_ =	shalt  }
0x60: {  	_ =	shalt  }
0x61: {  	_ =	shalt  }
0x62: {  	_ =	shalt  }
0x63: {  	_ =	shalt  }
0x64: {  	_ =	shalt  }
0x65: {  	_ =	shalt  }
0x66: {  	_ =	shalt  }
0x67: {  	_ =	shalt  }
0x68: {  	_ =	shalt  }
0x69: {  	_ =	shalt  }
0x6a: {  	_ =	shalt  }
0x6b: {  	_ =	shalt  }
0x6c: {  	_ =	shalt  }
0x6d: {  	_ =	shalt  }
0x6e: {  	_ =	shalt  }
0x6f: {  	_ =	shalt  }
0x70: {  	_ =	shalt  }
0x71: {  	_ =	shalt  }
0x72: {  	_ =	shalt  }
0x73: {  	_ =	shalt  }
0x74: {  	_ =	shalt  }
0x75: {  	_ =	shalt  }
0x76: {  	_ =	shalt  }
0x77: {  	_ =	shalt  }
0x78: {  	_ =	shalt  }
0x79: {  	_ =	shalt  }
0x7a: {  	_ =	shalt  }
0x7b: {  	_ =	shalt  }
0x7c: {  	_ =	shalt  }
0x7d: {  	_ =	shalt  }
0x7e: {  	_ =	shalt  }
0x7f: {  	_ =	shalt  }
0x80: {  	_ =	shalt  }
0x81: {  	_ =	shalt  }
0x82: {  	_ =	shalt  }
0x83: {  	_ =	shalt  }
0x84: {  	_ =	shalt  }
0x85: {  	_ =	shalt  }
0x86: {  	_ =	shalt  }
0x87: {  	_ =	shalt  }
.Lfunc_end0:
.L_simem_size_0:
called_computation_lowered:
.L_overlay_start_0:
0x88: {  	s2 =	sld [smem:$0x3FD9]  }
0x89: {  	s3 =	sld [smem:$0x3FFE];
	_ =	sdelay $0x1  }
0x8a: {  	s1 =	srdreg.scid  }
0x8b: {  	s0 =	sand.u32 $0x1, s1  }
0x8c: {  	s17 =	sshll.u32 s0, $0xA;
	s2 =	sadd.s32 s3, s2  }
0x8d: {  	s2 =	sadd.s32 s2, s17  }
0x8e: {  	[smem:$0x3FB8] =	sst s2  }
0x8f: {  	_ = 	snop  }
0x90: {  	s2 =	sld [smem:$0x3FD0];
	(tm) =	ssettm $0x1  }
0x91: {  	s18 =	sld [smem:$0x3FFB];
	_ =	sdelay $0x3  }
0x92: {  	_ =	strace s18  }
0x93: {  	s3 =	sld [smem:$0x3FFC];
	_ =	sdelay $0x3  }
0x94: {  	_ =	strace s3  }
0x95: {  	s3 =	sld [smem:$0x3FFD];
	_ =	sdelay $0x3  }
0x96: {  	_ =	strace s3  }
0x97: {  	_ =	strace $0x8FFFFFFF  }
0x98: {  	s19 =	sld [smem:$0x3FDB];
	_ =	sdelay $0x1  }
0x99: {  	s4 =	simm.s32 $_scs_section_size  }
0x9a: {  	s5 =	simm.s32 $_size__tile_overlayer_lowered;
	s6 =	simm.s32 $_tile_overlayer_lowered  }
0x9b: {  	s22 =	simm.s32 $0x1BFF;
	s21 =	sshll.u32 s6, $0x1;
	s3 =	sadd.s32 s4, s19  }
0x9c: {  	s7 =	simm.s32 $0x0;
	s20 =	sshll.u32 s5, $0x1;
	s5 =	sadd.s32 s21, s3  }
0x9d: {  	[timem:s7], [sflag:s22] =	dma.local [hbm:s5], s20  }
0x9e: {  	_ =	swait.ge [sflag:s22], s20  }
0x9f: {  	s4 =	ssub.s32 $0x0, s20;
	[sflag:s22] =	ssyncset.done $0x0  }
0xa0: {  	[sflag:s22] =	ssyncadd.s32 s4;
	_ =	sdelay $0x1  }
0xa1: {  	s23 =	simm.s32 $0x1B8B  }
0xa2: {  	_ =	swait.ge [sflag:s23], $0x1  }
0xa3: {  	[sflag:s23] =	ssyncset.done $0x0  }
0xa4: {  	s25 =	simm.s32 $0x1B8E;
	s24 =	sld [smem:$0x3FFE];
	[sflag:s23] =	ssyncadd.s32 $0xFFFFFFFF  }
0xa5: {  	s26 =	simm.s32 $execute0_lowered;
	[smem:$0x3FD2] =	sst s25  }
0xa6: {  	s5 =	sshll.u32 s26, $0x1;
	_ =	strace $0x80000046;
	[dreg:$0x1] =	wrdreg $0xFFFFFFFF  }
0xa7: {  	s28 =	simm.s32 $_size_execute0_lowered;
	s3 =	sadd.s32 s3, s5;
	[dreg:$0x0] =	wrdreg $0x0  }
0xa8: {  	s5 =	sshll.u32 s28, $0x1;
	[dreg:$0x2] =	wrdreg s3  }
0xa9: {  	[dreg:$0x3] =	wrdreg s5  }
0xaa: {  	[dreg:$0x4] =	wrdreg $0xC0  }
0xab: {  	_ =	task [dreg:s7], $0x5FFFF  }
0xac: {  	[dreg:$0x1] =	wrdreg $0xFFFFFFFF  }
0xad: {  	[dreg:$0x0] =	wrdreg $0x60  }
0xae: {  	[dreg:$0x2] =	wrdreg s24  }
0xaf: {  	[dreg:$0x3] =	wrdreg s2  }
0xb0: {  	[dreg:$0x4] =	wrdreg $0xA8000  }
0xb1: {  	[dreg:$0x5] =	wrdreg $0x9  }
0xb2: {  	_ =	task.clear_ibuf [dreg:s7], $0x6FFFF;
	_ =	strace $0x90000046  }
0xb3: {  	s29 =	simm.s32 $0x9;
	_ =	strace $0x80000048  }
0xb4: {  	_ =	swait.ge [sflag:s29], $0x1  }
0xb5: {  	[sflag:s29] =	ssyncadd.s32 $0xFFFFFFFF  }
0xb6: {  	_ =	strace $0x90000048  }
0xb7: {  	_ =	sfence  }
0xb8: {  	s30 =	sld [smem:$0x0];
	_ =	sdelay $0x2  }
0xb9: {  	s31 =	sshll.u32 s1, $0xD;
	s1 =	sshrl.u32 s1, $0x2  }
0xba: {  	s3 =	sand.u32 $0x4000, s31;
	s1 =	sadd.s32 s1, s30  }
0xbb: {  	s0 =	sor.u32 s3, s0;
	s1 =	sshll.u32 s1, $0x11  }
0xbc: {  	s0 =	sor.u32 s1, s0  }
0xbd: {  	s0 =	sadd.s32 $0x8F2B, s0  }
0xbe: {  	[sflag:s0] =	ssyncadd.remote.s32 $0x1  }
0xbf: {  	_ =	sfence.sel $0xFFFF  }
0xc0: {  	[dreg:$0x0] =	wrdreg $0xFFFFFFFF;
	(pc) =	sbr.abs _section_cstart, $3  }
0xc1: {  	[dreg:$0x1] =	wrdreg $0xFFFFFFFF  }
0xc2: {  	_ =	task.clear_ibuf [dreg:s7], $0x2FFFF;
	_ =	strace $0x9FFFFFFF  }
0xc3: {  	(tm) =	ssettm $0x7FFFFFFF  }
tec
execute0_lowered:
.L_overlay_start_1:
0x0: {  	(tag) =	ssettag $0x1  }
0x1: {  	s7 =	rddreg [dreg:$0x0]  }
0x2: {  	s2 =	rddreg [dreg:$0x1]  }
0x3: {  	s0 =	srdreg.scid;
	s3 =	rddreg [dreg:$0x2]  }
0x4: {  	s4 =	simm.s32 $0x0;
	s14 =	simm.s32 $0x1;
	s15 =	simm.s32 $0x2800  }
0x5: {  	s16 =	simm.s32 $0x6800;
	s6 =	sand.u32 $0x1, s0;
	s0 =	stileid.u32  }
0x6: {  	s17 =	simm.s32 $0x80;
	s20 =	simm.s32 $0x0;
	s8 =	smul.u32 $0x2800, s0  }
0x7: {  	[smem:$0x7FF] =	sst s4;
	s1 =	sshll.u32 s6, $0x4;
	s9 =	smul.u32 $0x28000, s6  }
0x8: {  	s10 =	smul.u32 $0x50000, s0;
	s6 =	ssub.s32 $0x2, s6;
	s18 =	sshll.u32 s0, $0x6  }
0x9: {  	s1 =	sor.u32 s0, s1;
	s31 =	sshrl.u32 s6, $0x1;
	s18 =	sor.u32 $0x1C01, s18  }
0xa: {  	s5 =	smul.u32 $0x500, s1;
	s1 =	rddreg [dreg:$0x3];
	_ =	strace $0x80000047  }
0xb: {  	s8 =	sadd.s32 s8, s9;
	s10 =	sshrl.u32 s10, $0x2;
	s13 =	ssub.s32 s6, s31  }
0xc: {  	s12 =	sadd.s32 s8, s7;
	s6 =	sadd.s32 s10, s3;
	s13 =	smax.u32 s13, $0x1  }
0xd: {  	s11 =	sadd.s32 s5, s7;
	s5 =	sadd.s32 $0x18200, s7;
	s8 =	sadd.s32 $0x4000, s6  }
0xe: {  	s9 =	sadd.s32 $0x8000, s6;
	s10 =	sadd.s32 $0xC000, s6;
	s12 =	sadd.s32 $0x18A00, s12  }
0xf: {  	s19 =	sshrl.u32 s6, $0x3;
	s7 =	sadd.s32 $0xE200, s11;
	s11 =	sadd.s32 $0x10000, s6  }
.LBB2_1:
0x10: {  	[tilespmem:s4], [sflag:$0x1] =	stream.linear.gather [hbm4b:s7+s4], $0x2800, $0x38;
	[tilespmem:$0xD000] =	vst v63  }
0x11: {  	_ =	swait.ge [sflag:s14], $0x2800  }
0x12: {  	[sflag:s14] =	ssyncset.done $0x0  }
0x13: {  	[sflag:s14] =	ssyncadd.s32 $0xFFFFD800  }
0x14: {  	[tilespmem:s15], [sflag:$0x1] =	stream.linear.gather [hbm4b:s2+s4], $0x4000, $0x38;
	[tilespmem:$0xD000] =	vst v63  }
0x15: {  	_ =	swait.ge [sflag:s14], $0x4000  }
0x16: {  	[sflag:s14] =	ssyncset.done $0x0  }
0x17: {  	[sflag:s14] =	ssyncadd.s32 $0xFFFFC000  }
0x18: {  	[tilespmem:s16], [sflag:$0x1] =	stream.linear.gather [hbm4b:s5+s4], $0x4000, $0x38;
	[tilespmem:$0xD000] =	vst v63  }
0x19: {  	_ =	swait.ge [sflag:s14], $0x4000  }
0x1a: {  	[sflag:s14] =	ssyncset.done $0x0  }
0x1b: {  	[sflag:s14] =	ssyncadd.s32 $0xFFFFC000  }
0x1c: {  	[spmem:s6] =	stream.linear.scatter [tilespmem:s16], [sflag:$0x1], $0x4000, $0x38;
	[tilespmem:$0xD000] =	vst v63  }
0x1d: {  	_ =	swait.ge [sflag:s14], $0x4000  }
0x1e: {  	[sflag:s14] =	ssyncset.done $0x0  }
0x1f: {  	[sflag:s14] =	ssyncadd.s32 $0xFFFFC000  }
0x20: {  	[spmem:s8] =	stream.linear.scatter [tilespmem:s16], [sflag:$0x1], $0x4000, $0x38;
	[tilespmem:$0xD000] =	vst v63  }
0x21: {  	_ =	swait.ge [sflag:s14], $0x4000  }
0x22: {  	[sflag:s14] =	ssyncset.done $0x0  }
0x23: {  	[sflag:s14] =	ssyncadd.s32 $0xFFFFC000  }
0x24: {  	[spmem:s9] =	stream.linear.scatter [tilespmem:s16], [sflag:$0x1], $0x4000, $0x38;
	[tilespmem:$0xD000] =	vst v63  }
0x25: {  	_ =	swait.ge [sflag:s14], $0x4000  }
0x26: {  	[sflag:s14] =	ssyncset.done $0x0  }
0x27: {  	[sflag:s14] =	ssyncadd.s32 $0xFFFFC000  }
0x28: {  	[spmem:s10] =	stream.linear.scatter [tilespmem:s16], [sflag:$0x1], $0x4000, $0x38;
	[tilespmem:$0xD000] =	vst v63  }
0x29: {  	_ =	swait.ge [sflag:s14], $0x4000  }
0x2a: {  	[sflag:s14] =	ssyncset.done $0x0  }
0x2b: {  	[sflag:s14] =	ssyncadd.s32 $0xFFFFC000  }
0x2c: {  	[spmem:s11] =	stream.linear.scatter [tilespmem:s16], [sflag:$0x1], $0x4000, $0x38;
	[tilespmem:$0xD000] =	vst v63  }
0x2d: {  	_ =	swait.ge [sflag:s14], $0x4000  }
0x2e: {  	[sflag:s14] =	ssyncset.done $0x0  }
0x2f: {  	[sflag:s14] =	ssyncadd.s32 $0xFFFFC000  }
0x30: {  	s21 =	simm.s32 $0x0;
	[bflag:$0x0] =	sbarrier.arrive $0xFFFF  }
0x31: {  	[spmem:s3] =	stream.indirect.scatter.add.f32 [tilespmem:s15], [sflag:$0x1], $0x10, s21, s17, $0xb8;
	[tilespmem:$0xD000] =	vst v63  }
0x32: {  	_ =	swait.ge [sflag:s14], $0x800  }
0x33: {  	s21 =	simm.s32 $0x200;
	[sflag:s14] =	ssyncset.done $0x0  }
.LBB2_2:
0x34: {  	s22 =	sshra.s32 s21, $0x2;
	[sflag:s14] =	ssyncadd.s32 $0xFFFFF800;
	p0 =	sne.s32 s21, $0x9E00  }
0x35: {  	[spmem:s3] =	stream.indirect.scatter.add.f32 [tilespmem:s15], [sflag:$0x1], $0x10, s22, s17, $0xb8;
	[tilespmem:$0xD000] =	vst v63  }
.Ltmp0:
0x36: {  	_ = 	snop;
	(pc) =	sbr.rel @p0 .LBB2_2-.Ltmp0, $4  }
0x37: {  	_ = 	snop  }
0x38: {  	s21 =	sadd.s32 $0x200, s21  }
0x39: {  	_ =	swait.ge [sflag:s14], $0x800  }
0x3a: {  	[sflag:s14] =	ssyncset.done $0x0  }
0x3b: {  	s20 =	sadd.s32 $0x1, s20  }
0x3c: {  	[sflag:s14] =	ssyncadd.s32 $0xFFFFF800;
	p0 =	sne.s32 s20, s13  }
.Ltmp1:
0x3d: {  	[bflag:$0x0] =	sbarrier.arrive $0xFFFF;
	(pc) =	sbr.rel @p0 .LBB2_1-.Ltmp1, $4  }
0x3e: {  	[hbm:s12], [sflag:s18] =	dma.local [spmem:s19], $0x2800  }
0x3f: {  	_ =	swait.ge [sflag:s14], $0x2800  }
0x40: {  	[sflag:s14] =	ssyncset.done $0x0  }
0x41: {  	[sflag:s14] =	ssyncadd.s32 $0xFFFFD800  }
0x42: {  	_ =	sfence.sel $0x180000  }
0x43: {  	[bflag:$0x0] =	sbarrier.arrive $0xFFFF  }
0x44: {  	p0 =	sne.s32 s0, $0x0;
	_ =	strace $0x90000047  }
0x45: {  	s0 =	sadd.s32 @!p0 $0x100000, s1;
	[bflag:$0x2] =	sbarrier.arrive $0xFFFF  }
0x46: {  	[sflag:s0] =	ssyncadd.tile.s32 @!p0 $0x1;
	_ =	shalt  }
.Lfunc_end2:
_tile_overlayer_lowered:
.L_overlay_start_2:
0x47: {  	(tag) =	ssettag $0x2  }
0x48: {  	s0 =	rddreg [dreg:$0x0];
	s2 =	stileid.u32  }
0x49: {  	s1 =	rddreg [dreg:$0x1];
	p0 =	sne.s32 s2, $0x0  }
0x4a: {  	s3 =	rddreg [dreg:$0x2];
	[bflag:$0x3] =	sbarrier.arrive $0xFFFF;
	s2 =	simm.s32 @!p0 $0x1C01  }
0x4b: {  	[timem:s3], [sflag:s2] =	dma.local @!p0 [hbm:s0], s1  }
0x4c: {  	s0 =	simm.s32 @!p0 $0x1  }
0x4d: {  	_ =	swait.ge @!p0 [sflag:s0], s1  }
0x4e: {  	s1 =	ssub.s32 @!p0 $0x0, s1;
	[sflag:s0] =	ssyncset.done @!p0 $0x0  }
0x4f: {  	[sflag:s0] =	ssyncadd.s32 @!p0 s1  }
0x50: {  	[bflag:$0x3] =	sbarrier.arrive $0xFFFF  }
0x51: {  	_ =	shalt  }

// kernel: kernel.15.cloned.1.call-start
scs
__scs_entry_jumppad:
0x0: {  	(pc) =	sbr.rel $0x88, $3  }
0x1: {  	(tag) =	ssettag $0x0;
	lr =	simm.s32 $0x1  }
0x2: {  	[smem:$0x3F91] =	sst lr;
	_ =	strace $0xD0000000  }
0x3: {  	_ = 	snop  }
0x4: {  	_ = 	snop  }
0x5: {  	_ = 	snop  }
0x6: {  	_ = 	snop  }
0x7: {  	_ = 	snop  }
__scs_overlays_trampoline_lowered:
0x8: {  	[smem:$0x3FA0] =	sst s0  }
0x9: {  	[smem:$0x3FA1] =	sst s1  }
0xa: {  	[smem:$0x3FA2] =	sst s2  }
0xb: {  	[smem:$0x3FA3] =	sst s3  }
0xc: {  	[smem:$0x3FA4] =	sst s4  }
0xd: {  	[smem:$0x3FA5] =	sst s5  }
0xe: {  	[smem:$0x3FA6] =	sst s6  }
0xf: {  	[smem:$0x3FA7] =	sst s7  }
0x10: {  	[smem:$0x3FA8] =	sst s8  }
0x11: {  	[smem:$0x3FA9] =	sst s9;
	s0 =	simm.s32 @!p0 $0x0  }
0x12: {  	s1 =	sld [smem:$0x3F8F];
	s0 =	simm.s32 @p0 $0x1  }
0x13: {  	[smem:$0x3FAA] =	sst s0;
	s0 =	simm.s32 @!p1 $0x0  }
0x14: {  	s2 =	sld [smem:$0x3F8E];
	s0 =	simm.s32 @p1 $0x1  }
0x15: {  	[smem:$0x3FAB] =	sst s0;
	s0 =	simm.s32 @!p2 $0x0  }
0x16: {  	s3 =	sld [smem:$0x3FDB];
	s0 =	simm.s32 @p2 $0x1  }
0x17: {  	s4 =	simm.s32 $0x1BF5;
	[smem:$0x3FAD] =	sst s0  }
0x18: {  	s0 =	sld [smem:$0x3F90];
	_ =	swait.ge [sflag:s4], $0x0  }
0x19: {  	s7 =	sld [smem:$0x3F91]  }
0x1a: {  	s8 =	sadd.s32 $0xFFFFE003, lr  }
0x1b: {  	s9 =	sadd.s32 $0xFFFFFEF7, lr;
	s5 =	simm.s32 $0xFFFFFFFF;
	p2 =	slt.u32 s8, $0xFFFFF086  }
0x1c: {  	p1 =	slt.u32 s9, $0xF7A;
	s5 =	simm.s32 @!p2 $0x0  }
0x1d: {  	s5 =	simm.s32 @p1 $0x1;
	p0 =	seq.s32 s7, s2  }
0x1e: {  	s7 =	smul.u32 @!p0 $0xF7A, s2;
	p2 =	seq.s32 @!p0 s5, $0x0  }
0x1f: {  	s9 =	smul.u32 $0xF7A, s1;
	s8 =	simm.s32 @!p0 $0x1BF5;
	p2 =	por !p2, p0  }
0x20: {  	[sflag:s8] =	ssyncset.s32 @!p0 $0xFFFFF086;
	s6 =	sadd.s32 @!p0 s3, s7;
	s7 =	simm.s32 @!p0 $0x108  }
0x21: {  	s3 =	sadd.s32 s3, s9;
	s6 =	sadd.s32 @!p0 $0x88, s6;
	s7 =	simm.s32 @p2 $0x1082  }
0x22: {  	[simem:s7], [sflag:s8] =	dma.local @!p0 [hbm:s6], $0xF7A  }
0x23: {  	s9 =	sor.u32 $0xD0000000, s2;
	s6 =	simm.s32 $0x108;
	_ =	swait.ge @!p0 [sflag:s8], $0x0  }
0x24: {  	s3 =	sadd.s32 $0x88, s3;
	s6 =	simm.s32 @!p1 $0x1082;
	[sflag:s4] =	ssyncset.s32 $0xFFFFF086  }
0x25: {  	[simem:s6], [sflag:s4] =	dma.local [hbm:s3], $0xF7A  }
0x26: {  	[smem:$0x3F91] =	sst s1;
	(tag) =	ssettag s2;
	_ =	strace s9  }
0x27: {  	s1 =	sld [smem:$0x3FA1]  }
0x28: {  	s2 =	sld [smem:$0x3FA2]  }
0x29: {  	s4 =	sld [smem:$0x3FA4]  }
0x2a: {  	p0 =	seq.s32 s5, $0x0;
	s5 =	sld [smem:$0x3FA5]  }
0x2b: {  	s6 =	sld [smem:$0x3FA6]  }
0x2c: {  	s7 =	sld [smem:$0x3FA7]  }
0x2d: {  	s3 =	simm.s32 $0x108;
	s8 =	sld [smem:$0x3FA8]  }
0x2e: {  	s3 =	simm.s32 @!p0 $0x1082;
	s9 =	sld [smem:$0x3FA9]  }
0x2f: {  	lr =	sadd.s32 s0, s3;
	s0 =	sld [smem:$0x3FA0]  }
0x30: {  	s3 =	sld [smem:$0x3FA3]  }
0x31: {  	[smem:$0x3FAC] =	sst s10  }
0x32: {  	s10 =	sld [smem:$0x3FAA];
	_ =	sdelay $0x3  }
0x33: {  	p0 =	seq.s32 s10, $0x1;
	s10 =	sld [smem:$0x3FAC];
	_ =	sdelay $0x3  }
0x34: {  	[smem:$0x3FAC] =	sst s10  }
0x35: {  	s10 =	sld [smem:$0x3FAB];
	_ =	sdelay $0x3  }
0x36: {  	p1 =	seq.s32 s10, $0x1;
	s10 =	sld [smem:$0x3FAC];
	_ =	sdelay $0x3  }
0x37: {  	[smem:$0x3FAC] =	sst s10  }
0x38: {  	s10 =	sld [smem:$0x3FAD]  }
0x39: {  	_ = 	snop;
	(pc) =	sbr.ind lr, $3  }
0x3a: {  	_ = 	snop  }
0x3b: {  	_ = 	snop  }
0x3c: {  	p2 =	seq.s32 s10, $0x1;
	s10 =	sld [smem:$0x3FAC]  }
0x3d: {  	_ =	shalt  }
0x3e: {  	_ =	shalt  }
0x3f: {  	_ =	shalt  }
0x40: {  	_ =	shalt  }
0x41: {  	_ =	shalt  }
0x42: {  	_ =	shalt  }
0x43: {  	_ =	shalt  }
0x44: {  	_ =	shalt  }
0x45: {  	_ =	shalt  }
0x46: {  	_ =	shalt  }
0x47: {  	_ =	shalt  }
0x48: {  	_ =	shalt  }
0x49: {  	_ =	shalt  }
0x4a: {  	_ =	shalt  }
0x4b: {  	_ =	shalt  }
0x4c: {  	_ =	shalt  }
0x4d: {  	_ =	shalt  }
0x4e: {  	_ =	shalt  }
0x4f: {  	_ =	shalt  }
0x50: {  	_ =	shalt  }
0x51: {  	_ =	shalt  }
0x52: {  	_ =	shalt  }
0x53: {  	_ =	shalt  }
0x54: {  	_ =	shalt  }
0x55: {  	_ =	shalt  }
0x56: {  	_ =	shalt  }
0x57: {  	_ =	shalt  }
0x58: {  	_ =	shalt  }
0x59: {  	_ =	shalt  }
0x5a: {  	_ =	shalt  }
0x5b: {  	_ =	shalt  }
0x5c: {  	_ =	shalt  }
0x5d: {  	_ =	shalt  }
0x5e: {  	_ =	shalt  }
0x5f: {  	_ =	shalt  }
0x60: {  	_ =	shalt  }
0x61: {  	_ =	shalt  }
0x62: {  	_ =	shalt  }
0x63: {  	_ =	shalt  }
0x64: {  	_ =	shalt  }
0x65: {  	_ =	shalt  }
0x66: {  	_ =	shalt  }
0x67: {  	_ =	shalt  }
0x68: {  	_ =	shalt  }
0x69: {  	_ =	shalt  }
0x6a: {  	_ =	shalt  }
0x6b: {  	_ =	shalt  }
0x6c: {  	_ =	shalt  }
0x6d: {  	_ =	shalt  }
0x6e: {  	_ =	shalt  }
0x6f: {  	_ =	shalt  }
0x70: {  	_ =	shalt  }
0x71: {  	_ =	shalt  }
0x72: {  	_ =	shalt  }
0x73: {  	_ =	shalt  }
0x74: {  	_ =	shalt  }
0x75: {  	_ =	shalt  }
0x76: {  	_ =	shalt  }
0x77: {  	_ =	shalt  }
0x78: {  	_ =	shalt  }
0x79: {  	_ =	shalt  }
0x7a: {  	_ =	shalt  }
0x7b: {  	_ =	shalt  }
0x7c: {  	_ =	shalt  }
0x7d: {  	_ =	shalt  }
0x7e: {  	_ =	shalt  }
0x7f: {  	_ =	shalt  }
0x80: {  	_ =	shalt  }
0x81: {  	_ =	shalt  }
0x82: {  	_ =	shalt  }
0x83: {  	_ =	shalt  }
0x84: {  	_ =	shalt  }
0x85: {  	_ =	shalt  }
0x86: {  	_ =	shalt  }
0x87: {  	_ =	shalt  }
.Lfunc_end0:
.L_simem_size_0:
called_computation.1_lowered:
.L_overlay_start_0:
0x88: {  	s2 =	sld [smem:$0x3FD9]  }
0x89: {  	s3 =	sld [smem:$0x3FFE];
	_ =	sdelay $0x1  }
0x8a: {  	s1 =	srdreg.scid  }
0x8b: {  	s0 =	sand.u32 $0x1, s1  }
0x8c: {  	s17 =	sshll.u32 s0, $0xA;
	s2 =	sadd.s32 s3, s2  }
0x8d: {  	s2 =	sadd.s32 s2, s17  }
0x8e: {  	[smem:$0x3FB8] =	sst s2  }
0x8f: {  	_ = 	snop  }
0x90: {  	s2 =	sld [smem:$0x3FD0];
	(tm) =	ssettm $0x1  }
0x91: {  	s18 =	sld [smem:$0x3FFB];
	_ =	sdelay $0x3  }
0x92: {  	_ =	strace s18  }
0x93: {  	s3 =	sld [smem:$0x3FFC];
	_ =	sdelay $0x3  }
0x94: {  	_ =	strace s3  }
0x95: {  	s3 =	sld [smem:$0x3FFD];
	_ =	sdelay $0x3  }
0x96: {  	_ =	strace s3  }
0x97: {  	_ =	strace $0x8FFFFFFF  }
0x98: {  	s19 =	sld [smem:$0x3FDB];
	_ =	sdelay $0x1  }
0x99: {  	s4 =	simm.s32 $_scs_section_size  }
0x9a: {  	s5 =	simm.s32 $_size__tile_overlayer_lowered;
	s6 =	simm.s32 $_tile_overlayer_lowered  }
0x9b: {  	s22 =	simm.s32 $0x1BFF;
	s21 =	sshll.u32 s6, $0x1;
	s3 =	sadd.s32 s4, s19  }
0x9c: {  	s7 =	simm.s32 $0x0;
	s20 =	sshll.u32 s5, $0x1;
	s5 =	sadd.s32 s21, s3  }
0x9d: {  	[timem:s7], [sflag:s22] =	dma.local [hbm:s5], s20  }
0x9e: {  	_ =	swait.ge [sflag:s22], s20  }
0x9f: {  	s4 =	ssub.s32 $0x0, s20;
	[sflag:s22] =	ssyncset.done $0x0  }
0xa0: {  	[sflag:s22] =	ssyncadd.s32 s4;
	_ =	sdelay $0x1  }
0xa1: {  	s23 =	simm.s32 $0x1B8B  }
0xa2: {  	_ =	swait.ge [sflag:s23], $0x1  }
0xa3: {  	[sflag:s23] =	ssyncset.done $0x0  }
0xa4: {  	s25 =	simm.s32 $0x1B8E;
	s24 =	sld [smem:$0x3FFE];
	[sflag:s23] =	ssyncadd.s32 $0xFFFFFFFF  }
0xa5: {  	s26 =	simm.s32 $execute0_lowered;
	[smem:$0x3FD2] =	sst s25  }
0xa6: {  	s5 =	sshll.u32 s26, $0x1;
	_ =	strace $0x80000049;
	[dreg:$0x1] =	wrdreg $0xFFFFFFFF  }
0xa7: {  	s28 =	simm.s32 $_size_execute0_lowered;
	s3 =	sadd.s32 s3, s5;
	[dreg:$0x0] =	wrdreg $0x0  }
0xa8: {  	s5 =	sshll.u32 s28, $0x1;
	[dreg:$0x2] =	wrdreg s3  }
0xa9: {  	[dreg:$0x3] =	wrdreg s5  }
0xaa: {  	[dreg:$0x4] =	wrdreg $0xC0  }
0xab: {  	_ =	task [dreg:s7], $0x5FFFF  }
0xac: {  	[dreg:$0x1] =	wrdreg $0xFFFFFFFF  }
0xad: {  	[dreg:$0x0] =	wrdreg $0x60  }
0xae: {  	[dreg:$0x2] =	wrdreg s24  }
0xaf: {  	[dreg:$0x3] =	wrdreg s2  }
0xb0: {  	[dreg:$0x4] =	wrdreg $0x90000  }
0xb1: {  	[dreg:$0x5] =	wrdreg $0x9  }
0xb2: {  	_ =	task.clear_ibuf [dreg:s7], $0x6FFFF;
	_ =	strace $0x90000049  }
0xb3: {  	s29 =	simm.s32 $0x9;
	_ =	strace $0x8000004B  }
0xb4: {  	_ =	swait.ge [sflag:s29], $0x1  }
0xb5: {  	[sflag:s29] =	ssyncadd.s32 $0xFFFFFFFF  }
0xb6: {  	_ =	strace $0x9000004B  }
0xb7: {  	_ =	sfence  }
0xb8: {  	s30 =	sld [smem:$0x0];
	_ =	sdelay $0x2  }
0xb9: {  	s31 =	sshll.u32 s1, $0xD;
	s1 =	sshrl.u32 s1, $0x2  }
0xba: {  	s3 =	sand.u32 $0x4000, s31;
	s1 =	sadd.s32 s1, s30  }
0xbb: {  	s0 =	sor.u32 s3, s0;
	s1 =	sshll.u32 s1, $0x11  }
0xbc: {  	s0 =	sor.u32 s1, s0  }
0xbd: {  	s0 =	sadd.s32 $0x8F2B, s0  }
0xbe: {  	[sflag:s0] =	ssyncadd.remote.s32 $0x1  }
0xbf: {  	_ =	sfence.sel $0xFFFF  }
0xc0: {  	[dreg:$0x0] =	wrdreg $0xFFFFFFFF;
	(pc) =	sbr.abs _section_cstart, $3  }
0xc1: {  	[dreg:$0x1] =	wrdreg $0xFFFFFFFF  }
0xc2: {  	_ =	task.clear_ibuf [dreg:s7], $0x2FFFF;
	_ =	strace $0x9FFFFFFF  }
0xc3: {  	(tm) =	ssettm $0x7FFFFFFF  }
tec
execute0_lowered:
.L_overlay_start_1:
0x0: {  	(tag) =	ssettag $0x1  }
0x1: {  	s8 =	rddreg [dreg:$0x0]  }
0x2: {  	s1 =	rddreg [dreg:$0x1]  }
0x3: {  	s3 =	rddreg [dreg:$0x2]  }
0x4: {  	s0 =	rddreg [dreg:$0x3];
	s4 =	simm.s32 $0x0;
	s5 =	srdreg.scid  }
0x5: {  	s2 =	stileid.u32;
	s16 =	simm.s32 $0x1000;
	s17 =	simm.s32 $0x2  }
0x6: {  	s18 =	simm.s32 $0x800;
	s19 =	simm.s32 $0x80;
	s20 =	simm.s32 $0x5000  }
0x7: {  	s21 =	simm.s32 $0x1;
	s24 =	simm.s32 $0x0;
	[smem:$0x7FF] =	sst s4  }
0x8: {  	s9 =	sand.u32 $0x1, s5;
	s10 =	smul.u32 $0x2800, s2;
	s5 =	sadd.s32 $0x18200, s8  }
0x9: {  	s6 =	sadd.s32 $0x4200, s8;
	s12 =	smul.u32 $0x50000, s2;
	s7 =	sadd.s32 $0xE200, s8  }
0xa: {  	s22 =	sshll.u32 s2, $0x6;
	_ =	strace $0x8000004A;
	s11 =	smul.u32 $0x28000, s9  }
0xb: {  	s29 =	ssub.s32 $0x2, s9;
	s9 =	sshll.u32 s9, $0x4;
	s22 =	sor.u32 $0x1C02, s22  }
0xc: {  	s30 =	sshrl.u32 s29, $0x1;
	s31 =	sshrl.u32 s12, $0x2;
	s13 =	sor.u32 s2, s9  }
0xd: {  	s10 =	sadd.s32 s10, s11;
	s15 =	ssub.s32 s29, s30;
	s13 =	smul.u32 $0x2800, s13  }
0xe: {  	s14 =	sadd.s32 s10, s8;
	s8 =	sadd.s32 s31, s3;
	s15 =	smax.u32 s15, $0x1  }
0xf: {  	s9 =	sadd.s32 $0x4000, s8;
	s10 =	sadd.s32 $0x8000, s8;
	s11 =	sadd.s32 $0xC000, s8  }
0x10: {  	s12 =	sadd.s32 $0x10000, s8;
	s14 =	sadd.s32 $0x40200, s14;
	s23 =	sshrl.u32 s8, $0x3  }
.LBB2_1:
0x11: {  	[tilespmem:s16], [sflag:$0x2] =	stream.linear.gather [hbm4b:s1+s4], $0x4000, $0x38;
	[tilespmem:$0x1D000] =	vst v63  }
0x12: {  	_ =	swait.ge [sflag:s17], $0x4000  }
0x13: {  	[sflag:s17] =	ssyncset.done $0x0  }
0x14: {  	[sflag:s17] =	ssyncadd.s32 $0xFFFFC000  }
0x15: {  	[spmem:s8] =	stream.linear.scatter [tilespmem:s16], [sflag:$0x2], $0x4000, $0x38;
	[tilespmem:$0x1D000] =	vst v63  }
0x16: {  	_ =	swait.ge [sflag:s17], $0x4000  }
0x17: {  	[sflag:s17] =	ssyncset.done $0x0  }
0x18: {  	[sflag:s17] =	ssyncadd.s32 $0xFFFFC000  }
0x19: {  	[spmem:s9] =	stream.linear.scatter [tilespmem:s16], [sflag:$0x2], $0x4000, $0x38;
	[tilespmem:$0x1D000] =	vst v63  }
0x1a: {  	_ =	swait.ge [sflag:s17], $0x4000  }
0x1b: {  	[sflag:s17] =	ssyncset.done $0x0  }
0x1c: {  	[sflag:s17] =	ssyncadd.s32 $0xFFFFC000  }
0x1d: {  	[spmem:s10] =	stream.linear.scatter [tilespmem:s16], [sflag:$0x2], $0x4000, $0x38;
	[tilespmem:$0x1D000] =	vst v63  }
0x1e: {  	_ =	swait.ge [sflag:s17], $0x4000  }
0x1f: {  	[sflag:s17] =	ssyncset.done $0x0  }
0x20: {  	[sflag:s17] =	ssyncadd.s32 $0xFFFFC000  }
0x21: {  	[spmem:s11] =	stream.linear.scatter [tilespmem:s16], [sflag:$0x2], $0x4000, $0x38;
	[tilespmem:$0x1D000] =	vst v63  }
0x22: {  	_ =	swait.ge [sflag:s17], $0x4000  }
0x23: {  	[sflag:s17] =	ssyncset.done $0x0  }
0x24: {  	[sflag:s17] =	ssyncadd.s32 $0xFFFFC000  }
0x25: {  	[spmem:s12] =	stream.linear.scatter [tilespmem:s16], [sflag:$0x2], $0x4000, $0x38;
	[tilespmem:$0x1D000] =	vst v63  }
0x26: {  	_ =	swait.ge [sflag:s17], $0x4000  }
0x27: {  	[sflag:s17] =	ssyncset.done $0x0  }
0x28: {  	[sflag:s17] =	ssyncadd.s32 $0xFFFFC000  }
0x29: {  	s25 =	simm.s32 $0x0;
	[bflag:$0x0] =	sbarrier.arrive $0xFFFF  }
.LBB2_2:
0x2a: {  	s26 =	sshll.u32 s25, $0xB  }
0x2b: {  	s26 =	sadd.s32 s13, s26  }
0x2c: {  	s26 =	sshrl.u32 s26, $0x3  }
0x2d: {  	s29 =	simm.s32 $0x0;
	s28 =	sadd.s32 s6, s26  }
0x2e: {  	[tilespmem:s29], [sflag:$0x2] =	stream.linear.gather [hbm4b:s28+s29], $0x800, $0x38;
	[tilespmem:$0x1D000] =	vst v63  }
0x2f: {  	_ =	swait.ge [sflag:s17], $0x800  }
0x30: {  	[sflag:s17] =	ssyncset.done $0x0  }
0x31: {  	s26 =	sadd.s32 s7, s26;
	[sflag:s17] =	ssyncadd.s32 $0xFFFFF800  }
0x32: {  	[tilespmem:s18], [sflag:$0x2] =	stream.linear.gather [hbm4b:s26+s29], $0x800, $0x38;
	[tilespmem:$0x1D000] =	vst v63  }
0x33: {  	_ =	swait.ge [sflag:s17], $0x800  }
0x34: {  	[sflag:s17] =	ssyncset.done $0x0  }
0x35: {  	s30 =	simm.s32 $0x0;
	[sflag:s17] =	ssyncadd.s32 $0xFFFFF800  }
0x36: {  	[tilespmem:s20], [sflag:$0x1] =	stream.indirect.gather [hbm4b:s5+s19], $0x80, s30, s19, $0xb8;
	[tilespmem:$0x1D000] =	vst v63  }
0x37: {  	_ =	swait.ge [sflag:s21], $0x4000  }
0x38: {  	[sflag:s21] =	ssyncset.done $0x0  }
0x39: {  	s31 =	simm.s32 $0x800;
	[sflag:s21] =	ssyncadd.s32 $0xFFFFC000  }
0x3a: {  	[spmem:s3] =	stream.indirect.scatter.add.f32 [tilespmem:s20], [sflag:$0x2], $0x80, s31, s19, $0xb8;
	[tilespmem:$0x1D000] =	vst v63  }
0x3b: {  	_ =	swait.ge [sflag:s17], $0x4000  }
0x3c: {  	s28 =	simm.s32 $0x400;
	s26 =	simm.s32 $0x200;
	[sflag:s17] =	ssyncset.done $0x0  }
.LBB2_3:
0x3d: {  	s29 =	sshra.s32 s26, $0x2  }
0x3e: {  	[sflag:s17] =	ssyncadd.s32 $0xFFFFC000;
	s26 =	smov.u32 s28;
	s30 =	sadd.s32 $0x200, s28  }
0x3f: {  	[tilespmem:s20], [sflag:$0x1] =	stream.indirect.gather [hbm4b:s5+s19], $0x80, s29, s19, $0xb8;
	[tilespmem:$0x1D000] =	vst v63  }
0x40: {  	p0 =	sne.s32 s28, $0x1E00;
	_ =	swait.ge [sflag:s21], $0x4000  }
.Ltmp0:
0x41: {  	[sflag:s21] =	ssyncset.done $0x0;
	(pc) =	sbr.rel @p0 .LBB2_3-.Ltmp0, $4  }
0x42: {  	s28 =	sadd.s32 $0x800, s29;
	[sflag:s21] =	ssyncadd.s32 $0xFFFFC000  }
0x43: {  	[spmem:s3] =	stream.indirect.scatter.add.f32 [tilespmem:s20], [sflag:$0x2], $0x80, s28, s19, $0xb8;
	[tilespmem:$0x1D000] =	vst v63  }
0x44: {  	_ =	swait.ge [sflag:s17], $0x4000  }
0x45: {  	s28 =	smov.u32 s30;
	[sflag:s17] =	ssyncset.done $0x0  }
0x46: {  	s26 =	sshra.s32 s26, $0x2;
	[sflag:s17] =	ssyncadd.s32 $0xFFFFC000  }
0x47: {  	[tilespmem:s20], [sflag:$0x1] =	stream.indirect.gather [hbm4b:s5+s19], $0x80, s26, s19, $0xb8;
	[tilespmem:$0x1D000] =	vst v63  }
0x48: {  	s25 =	sadd.s32 $0x1, s25;
	_ =	swait.ge [sflag:s21], $0x4000  }
0x49: {  	p0 =	sne.s32 s25, $0x5;
	[sflag:s21] =	ssyncset.done $0x0  }
.Ltmp1:
0x4a: {  	s26 =	sadd.s32 $0x800, s26;
	[sflag:s21] =	ssyncadd.s32 $0xFFFFC000;
	(pc) =	sbr.rel @p0 .LBB2_2-.Ltmp1, $4  }
0x4b: {  	[spmem:s3] =	stream.indirect.scatter.add.f32 [tilespmem:s20], [sflag:$0x2], $0x80, s26, s19, $0xb8;
	[tilespmem:$0x1D000] =	vst v63  }
0x4c: {  	_ =	swait.ge [sflag:s17], $0x4000  }
0x4d: {  	[sflag:s17] =	ssyncset.done $0x0  }
0x4e: {  	[sflag:s17] =	ssyncadd.s32 $0xFFFFC000  }
0x4f: {  	s24 =	sadd.s32 $0x1, s24  }
0x50: {  	p0 =	sne.s32 s24, s15  }
.Ltmp2:
0x51: {  	[bflag:$0x0] =	sbarrier.arrive $0xFFFF;
	(pc) =	sbr.rel @p0 .LBB2_1-.Ltmp2, $4  }
0x52: {  	[hbm:s14], [sflag:s22] =	dma.local [spmem:s23], $0x2800  }
0x53: {  	_ =	swait.ge [sflag:s17], $0x2800  }
0x54: {  	[sflag:s17] =	ssyncset.done $0x0  }
0x55: {  	[sflag:s17] =	ssyncadd.s32 $0xFFFFD800  }
0x56: {  	_ =	sfence.sel $0x180000  }
0x57: {  	[bflag:$0x0] =	sbarrier.arrive $0xFFFF  }
0x58: {  	p0 =	sne.s32 s2, $0x0;
	_ =	strace $0x9000004A  }
0x59: {  	s0 =	sadd.s32 @!p0 $0x100000, s0;
	[bflag:$0x2] =	sbarrier.arrive $0xFFFF  }
0x5a: {  	[sflag:s0] =	ssyncadd.tile.s32 @!p0 $0x1;
	_ =	shalt  }
.Lfunc_end2:
_tile_overlayer_lowered:
.L_overlay_start_2:
0x5b: {  	(tag) =	ssettag $0x2  }
0x5c: {  	s0 =	rddreg [dreg:$0x0];
	s2 =	stileid.u32  }
0x5d: {  	s1 =	rddreg [dreg:$0x1];
	p0 =	sne.s32 s2, $0x0  }
0x5e: {  	s3 =	rddreg [dreg:$0x2];
	[bflag:$0x3] =	sbarrier.arrive $0xFFFF;
	s2 =	simm.s32 @!p0 $0x1C02  }
0x5f: {  	[timem:s3], [sflag:s2] =	dma.local @!p0 [hbm:s0], s1  }
0x60: {  	s0 =	simm.s32 @!p0 $0x2  }
0x61: {  	_ =	swait.ge @!p0 [sflag:s0], s1  }
0x62: {  	s1 =	ssub.s32 @!p0 $0x0, s1;
	[sflag:s0] =	ssyncset.done @!p0 $0x0  }
0x63: {  	[sflag:s0] =	ssyncadd.s32 @!p0 s1  }
0x64: {  	[bflag:$0x3] =	sbarrier.arrive $0xFFFF  }
0x65: {  	_ =	shalt  }

// kernel: kernel.18.cloned.1.call-start
scs
__scs_entry_jumppad:
0x0: {  	(pc) =	sbr.rel $0x88, $3  }
0x1: {  	(tag) =	ssettag $0x0;
	lr =	simm.s32 $0x1  }
0x2: {  	[smem:$0x3F91] =	sst lr;
	_ =	strace $0xD0000000  }
0x3: {  	_ = 	snop  }
0x4: {  	_ = 	snop  }
0x5: {  	_ = 	snop  }
0x6: {  	_ = 	snop  }
0x7: {  	_ = 	snop  }
__scs_overlays_trampoline_lowered:
0x8: {  	[smem:$0x3FA0] =	sst s0  }
0x9: {  	[smem:$0x3FA1] =	sst s1  }
0xa: {  	[smem:$0x3FA2] =	sst s2  }
0xb: {  	[smem:$0x3FA3] =	sst s3  }
0xc: {  	[smem:$0x3FA4] =	sst s4  }
0xd: {  	[smem:$0x3FA5] =	sst s5  }
0xe: {  	[smem:$0x3FA6] =	sst s6  }
0xf: {  	[smem:$0x3FA7] =	sst s7  }
0x10: {  	[smem:$0x3FA8] =	sst s8  }
0x11: {  	[smem:$0x3FA9] =	sst s9;
	s0 =	simm.s32 @!p0 $0x0  }
0x12: {  	s1 =	sld [smem:$0x3F8F];
	s0 =	simm.s32 @p0 $0x1  }
0x13: {  	[smem:$0x3FAA] =	sst s0;
	s0 =	simm.s32 @!p1 $0x0  }
0x14: {  	s2 =	sld [smem:$0x3F8E];
	s0 =	simm.s32 @p1 $0x1  }
0x15: {  	[smem:$0x3FAB] =	sst s0;
	s0 =	simm.s32 @!p2 $0x0  }
0x16: {  	s3 =	sld [smem:$0x3FDB];
	s0 =	simm.s32 @p2 $0x1  }
0x17: {  	s4 =	simm.s32 $0x1BF5;
	[smem:$0x3FAD] =	sst s0  }
0x18: {  	s0 =	sld [smem:$0x3F90];
	_ =	swait.ge [sflag:s4], $0x0  }
0x19: {  	s7 =	sld [smem:$0x3F91]  }
0x1a: {  	s8 =	sadd.s32 $0xFFFFE003, lr  }
0x1b: {  	s9 =	sadd.s32 $0xFFFFFEF7, lr;
	s5 =	simm.s32 $0xFFFFFFFF;
	p2 =	slt.u32 s8, $0xFFFFF086  }
0x1c: {  	p1 =	slt.u32 s9, $0xF7A;
	s5 =	simm.s32 @!p2 $0x0  }
0x1d: {  	s5 =	simm.s32 @p1 $0x1;
	p0 =	seq.s32 s7, s2  }
0x1e: {  	s7 =	smul.u32 @!p0 $0xF7A, s2;
	p2 =	seq.s32 @!p0 s5, $0x0  }
0x1f: {  	s9 =	smul.u32 $0xF7A, s1;
	s8 =	simm.s32 @!p0 $0x1BF5;
	p2 =	por !p2, p0  }
0x20: {  	[sflag:s8] =	ssyncset.s32 @!p0 $0xFFFFF086;
	s6 =	sadd.s32 @!p0 s3, s7;
	s7 =	simm.s32 @!p0 $0x108  }
0x21: {  	s3 =	sadd.s32 s3, s9;
	s6 =	sadd.s32 @!p0 $0x88, s6;
	s7 =	simm.s32 @p2 $0x1082  }
0x22: {  	[simem:s7], [sflag:s8] =	dma.local @!p0 [hbm:s6], $0xF7A  }
0x23: {  	s9 =	sor.u32 $0xD0000000, s2;
	s6 =	simm.s32 $0x108;
	_ =	swait.ge @!p0 [sflag:s8], $0x0  }
0x24: {  	s3 =	sadd.s32 $0x88, s3;
	s6 =	simm.s32 @!p1 $0x1082;
	[sflag:s4] =	ssyncset.s32 $0xFFFFF086  }
0x25: {  	[simem:s6], [sflag:s4] =	dma.local [hbm:s3], $0xF7A  }
0x26: {  	[smem:$0x3F91] =	sst s1;
	(tag) =	ssettag s2;
	_ =	strace s9  }
0x27: {  	s1 =	sld [smem:$0x3FA1]  }
0x28: {  	s2 =	sld [smem:$0x3FA2]  }
0x29: {  	s4 =	sld [smem:$0x3FA4]  }
0x2a: {  	p0 =	seq.s32 s5, $0x0;
	s5 =	sld [smem:$0x3FA5]  }
0x2b: {  	s6 =	sld [smem:$0x3FA6]  }
0x2c: {  	s7 =	sld [smem:$0x3FA7]  }
0x2d: {  	s3 =	simm.s32 $0x108;
	s8 =	sld [smem:$0x3FA8]  }
0x2e: {  	s3 =	simm.s32 @!p0 $0x1082;
	s9 =	sld [smem:$0x3FA9]  }
0x2f: {  	lr =	sadd.s32 s0, s3;
	s0 =	sld [smem:$0x3FA0]  }
0x30: {  	s3 =	sld [smem:$0x3FA3]  }
0x31: {  	[smem:$0x3FAC] =	sst s10  }
0x32: {  	s10 =	sld [smem:$0x3FAA];
	_ =	sdelay $0x3  }
0x33: {  	p0 =	seq.s32 s10, $0x1;
	s10 =	sld [smem:$0x3FAC];
	_ =	sdelay $0x3  }
0x34: {  	[smem:$0x3FAC] =	sst s10  }
0x35: {  	s10 =	sld [smem:$0x3FAB];
	_ =	sdelay $0x3  }
0x36: {  	p1 =	seq.s32 s10, $0x1;
	s10 =	sld [smem:$0x3FAC];
	_ =	sdelay $0x3  }
0x37: {  	[smem:$0x3FAC] =	sst s10  }
0x38: {  	s10 =	sld [smem:$0x3FAD]  }
0x39: {  	_ = 	snop;
	(pc) =	sbr.ind lr, $3  }
0x3a: {  	_ = 	snop  }
0x3b: {  	_ = 	snop  }
0x3c: {  	p2 =	seq.s32 s10, $0x1;
	s10 =	sld [smem:$0x3FAC]  }
0x3d: {  	_ =	shalt  }
0x3e: {  	_ =	shalt  }
0x3f: {  	_ =	shalt  }
0x40: {  	_ =	shalt  }
0x41: {  	_ =	shalt  }
0x42: {  	_ =	shalt  }
0x43: {  	_ =	shalt  }
0x44: {  	_ =	shalt  }
0x45: {  	_ =	shalt  }
0x46: {  	_ =	shalt  }
0x47: {  	_ =	shalt  }
0x48: {  	_ =	shalt  }
0x49: {  	_ =	shalt  }
0x4a: {  	_ =	shalt  }
0x4b: {  	_ =	shalt  }
0x4c: {  	_ =	shalt  }
0x4d: {  	_ =	shalt  }
0x4e: {  	_ =	shalt  }
0x4f: {  	_ =	shalt  }
0x50: {  	_ =	shalt  }
0x51: {  	_ =	shalt  }
0x52: {  	_ =	shalt  }
0x53: {  	_ =	shalt  }
0x54: {  	_ =	shalt  }
0x55: {  	_ =	shalt  }
0x56: {  	_ =	shalt  }
0x57: {  	_ =	shalt  }
0x58: {  	_ =	shalt  }
0x59: {  	_ =	shalt  }
0x5a: {  	_ =	shalt  }
0x5b: {  	_ =	shalt  }
0x5c: {  	_ =	shalt  }
0x5d: {  	_ =	shalt  }
0x5e: {  	_ =	shalt  }
0x5f: {  	_ =	shalt  }
0x60: {  	_ =	shalt  }
0x61: {  	_ =	shalt  }
0x62: {  	_ =	shalt  }
0x63: {  	_ =	shalt  }
0x64: {  	_ =	shalt  }
0x65: {  	_ =	shalt  }
0x66: {  	_ =	shalt  }
0x67: {  	_ =	shalt  }
0x68: {  	_ =	shalt  }
0x69: {  	_ =	shalt  }
0x6a: {  	_ =	shalt  }
0x6b: {  	_ =	shalt  }
0x6c: {  	_ =	shalt  }
0x6d: {  	_ =	shalt  }
0x6e: {  	_ =	shalt  }
0x6f: {  	_ =	shalt  }
0x70: {  	_ =	shalt  }
0x71: {  	_ =	shalt  }
0x72: {  	_ =	shalt  }
0x73: {  	_ =	shalt  }
0x74: {  	_ =	shalt  }
0x75: {  	_ =	shalt  }
0x76: {  	_ =	shalt  }
0x77: {  	_ =	shalt  }
0x78: {  	_ =	shalt  }
0x79: {  	_ =	shalt  }
0x7a: {  	_ =	shalt  }
0x7b: {  	_ =	shalt  }
0x7c: {  	_ =	shalt  }
0x7d: {  	_ =	shalt  }
0x7e: {  	_ =	shalt  }
0x7f: {  	_ =	shalt  }
0x80: {  	_ =	shalt  }
0x81: {  	_ =	shalt  }
0x82: {  	_ =	shalt  }
0x83: {  	_ =	shalt  }
0x84: {  	_ =	shalt  }
0x85: {  	_ =	shalt  }
0x86: {  	_ =	shalt  }
0x87: {  	_ =	shalt  }
.Lfunc_end0:
.L_simem_size_0:
called_computation.2_lowered:
.L_overlay_start_0:
0x88: {  	s2 =	sld [smem:$0x3FD9]  }
0x89: {  	s3 =	sld [smem:$0x3FFE];
	_ =	sdelay $0x1  }
0x8a: {  	s1 =	srdreg.scid  }
0x8b: {  	s0 =	sand.u32 $0x1, s1  }
0x8c: {  	s17 =	sshll.u32 s0, $0xA;
	s2 =	sadd.s32 s3, s2  }
0x8d: {  	s2 =	sadd.s32 s2, s17  }
0x8e: {  	[smem:$0x3FB8] =	sst s2  }
0x8f: {  	_ = 	snop  }
0x90: {  	s2 =	sld [smem:$0x3FD0];
	(tm) =	ssettm $0x1  }
0x91: {  	s18 =	sld [smem:$0x3FFB];
	_ =	sdelay $0x3  }
0x92: {  	_ =	strace s18  }
0x93: {  	s3 =	sld [smem:$0x3FFC];
	_ =	sdelay $0x3  }
0x94: {  	_ =	strace s3  }
0x95: {  	s3 =	sld [smem:$0x3FFD];
	_ =	sdelay $0x3  }
0x96: {  	_ =	strace s3  }
0x97: {  	_ =	strace $0x8FFFFFFF  }
0x98: {  	s19 =	sld [smem:$0x3FDB];
	_ =	sdelay $0x1  }
0x99: {  	s4 =	simm.s32 $_scs_section_size  }
0x9a: {  	s5 =	simm.s32 $_size__tile_overlayer_lowered;
	s6 =	simm.s32 $_tile_overlayer_lowered  }
0x9b: {  	s22 =	simm.s32 $0x1BFF;
	s21 =	sshll.u32 s6, $0x1;
	s3 =	sadd.s32 s4, s19  }
0x9c: {  	s7 =	simm.s32 $0x0;
	s20 =	sshll.u32 s5, $0x1;
	s5 =	sadd.s32 s21, s3  }
0x9d: {  	[timem:s7], [sflag:s22] =	dma.local [hbm:s5], s20  }
0x9e: {  	_ =	swait.ge [sflag:s22], s20  }
0x9f: {  	s4 =	ssub.s32 $0x0, s20;
	[sflag:s22] =	ssyncset.done $0x0  }
0xa0: {  	[sflag:s22] =	ssyncadd.s32 s4;
	_ =	sdelay $0x1  }
0xa1: {  	s23 =	simm.s32 $0x1B8B  }
0xa2: {  	_ =	swait.ge [sflag:s23], $0x1  }
0xa3: {  	[sflag:s23] =	ssyncset.done $0x0  }
0xa4: {  	s25 =	simm.s32 $0x1B8E;
	s24 =	sld [smem:$0x3FFE];
	[sflag:s23] =	ssyncadd.s32 $0xFFFFFFFF  }
0xa5: {  	s26 =	simm.s32 $execute0_lowered;
	[smem:$0x3FD2] =	sst s25  }
0xa6: {  	s5 =	sshll.u32 s26, $0x1;
	_ =	strace $0x8000004C;
	[dreg:$0x1] =	wrdreg $0xFFFFFFFF  }
0xa7: {  	s28 =	simm.s32 $_size_execute0_lowered;
	s3 =	sadd.s32 s3, s5;
	[dreg:$0x0] =	wrdreg $0x0  }
0xa8: {  	s5 =	sshll.u32 s28, $0x1;
	[dreg:$0x2] =	wrdreg s3  }
0xa9: {  	[dreg:$0x3] =	wrdreg s5  }
0xaa: {  	[dreg:$0x4] =	wrdreg $0xC0  }
0xab: {  	_ =	task [dreg:s7], $0x5FFFF  }
0xac: {  	[dreg:$0x1] =	wrdreg $0xFFFFFFFF  }
0xad: {  	[dreg:$0x0] =	wrdreg $0x60  }
0xae: {  	[dreg:$0x2] =	wrdreg s24  }
0xaf: {  	[dreg:$0x3] =	wrdreg s2  }
0xb0: {  	[dreg:$0x4] =	wrdreg $0x90000  }
0xb1: {  	[dreg:$0x5] =	wrdreg $0x9  }
0xb2: {  	_ =	task.clear_ibuf [dreg:s7], $0x6FFFF;
	_ =	strace $0x9000004C  }
0xb3: {  	s29 =	simm.s32 $0x9;
	_ =	strace $0x8000004E  }
0xb4: {  	_ =	swait.ge [sflag:s29], $0x1  }
0xb5: {  	[sflag:s29] =	ssyncadd.s32 $0xFFFFFFFF  }
0xb6: {  	_ =	strace $0x9000004E  }
0xb7: {  	_ =	sfence  }
0xb8: {  	s30 =	sld [smem:$0x0];
	_ =	sdelay $0x2  }
0xb9: {  	s31 =	sshll.u32 s1, $0xD;
	s1 =	sshrl.u32 s1, $0x2  }
0xba: {  	s3 =	sand.u32 $0x4000, s31;
	s1 =	sadd.s32 s1, s30  }
0xbb: {  	s0 =	sor.u32 s3, s0;
	s1 =	sshll.u32 s1, $0x11  }
0xbc: {  	s0 =	sor.u32 s1, s0  }
0xbd: {  	s0 =	sadd.s32 $0x8F2B, s0  }
0xbe: {  	[sflag:s0] =	ssyncadd.remote.s32 $0x1  }
0xbf: {  	_ =	sfence.sel $0xFFFF  }
0xc0: {  	[dreg:$0x0] =	wrdreg $0xFFFFFFFF;
	(pc) =	sbr.abs _section_cstart, $3  }
0xc1: {  	[dreg:$0x1] =	wrdreg $0xFFFFFFFF  }
0xc2: {  	_ =	task.clear_ibuf [dreg:s7], $0x2FFFF;
	_ =	strace $0x9FFFFFFF  }
0xc3: {  	(tm) =	ssettm $0x7FFFFFFF  }
tec
execute0_lowered:
.L_overlay_start_1:
0x0: {  	(tag) =	ssettag $0x1  }
0x1: {  	s8 =	rddreg [dreg:$0x0]  }
0x2: {  	s1 =	rddreg [dreg:$0x1]  }
0x3: {  	s3 =	rddreg [dreg:$0x2]  }
0x4: {  	s0 =	rddreg [dreg:$0x3];
	s4 =	simm.s32 $0x0;
	s5 =	srdreg.scid  }
0x5: {  	s2 =	stileid.u32;
	s16 =	simm.s32 $0x1000;
	s17 =	simm.s32 $0x2  }
0x6: {  	s18 =	simm.s32 $0x800;
	s19 =	simm.s32 $0x80;
	s20 =	simm.s32 $0x5000  }
0x7: {  	s21 =	simm.s32 $0x1;
	s24 =	simm.s32 $0x0;
	[smem:$0x7FF] =	sst s4  }
0x8: {  	s9 =	sand.u32 $0x1, s5;
	s10 =	smul.u32 $0x2800, s2;
	s5 =	sadd.s32 $0x18200, s8  }
0x9: {  	s6 =	sadd.s32 $0x4200, s8;
	s12 =	smul.u32 $0x50000, s2;
	s7 =	sadd.s32 $0xE200, s8  }
0xa: {  	s22 =	sshll.u32 s2, $0x6;
	_ =	strace $0x8000004D;
	s11 =	smul.u32 $0x28000, s9  }
0xb: {  	s29 =	ssub.s32 $0x2, s9;
	s9 =	sshll.u32 s9, $0x4;
	s22 =	sor.u32 $0x1C02, s22  }
0xc: {  	s30 =	sshrl.u32 s29, $0x1;
	s31 =	sshrl.u32 s12, $0x2;
	s13 =	sor.u32 s2, s9  }
0xd: {  	s10 =	sadd.s32 s10, s11;
	s15 =	ssub.s32 s29, s30;
	s13 =	smul.u32 $0x2800, s13  }
0xe: {  	s14 =	sadd.s32 s10, s8;
	s8 =	sadd.s32 s31, s3;
	s15 =	smax.u32 s15, $0x1  }
0xf: {  	s9 =	sadd.s32 $0x4000, s8;
	s10 =	sadd.s32 $0x8000, s8;
	s11 =	sadd.s32 $0xC000, s8  }
0x10: {  	s12 =	sadd.s32 $0x10000, s8;
	s14 =	sadd.s32 $0x40200, s14;
	s23 =	sshrl.u32 s8, $0x3  }
.LBB2_1:
0x11: {  	[tilespmem:s16], [sflag:$0x2] =	stream.linear.gather [hbm4b:s1+s4], $0x4000, $0x38;
	[tilespmem:$0x1D000] =	vst v63  }
0x12: {  	_ =	swait.ge [sflag:s17], $0x4000  }
0x13: {  	[sflag:s17] =	ssyncset.done $0x0  }
0x14: {  	[sflag:s17] =	ssyncadd.s32 $0xFFFFC000  }
0x15: {  	[spmem:s8] =	stream.linear.scatter [tilespmem:s16], [sflag:$0x2], $0x4000, $0x38;
	[tilespmem:$0x1D000] =	vst v63  }
0x16: {  	_ =	swait.ge [sflag:s17], $0x4000  }
0x17: {  	[sflag:s17] =	ssyncset.done $0x0  }
0x18: {  	[sflag:s17] =	ssyncadd.s32 $0xFFFFC000  }
0x19: {  	[spmem:s9] =	stream.linear.scatter [tilespmem:s16], [sflag:$0x2], $0x4000, $0x38;
	[tilespmem:$0x1D000] =	vst v63  }
0x1a: {  	_ =	swait.ge [sflag:s17], $0x4000  }
0x1b: {  	[sflag:s17] =	ssyncset.done $0x0  }
0x1c: {  	[sflag:s17] =	ssyncadd.s32 $0xFFFFC000  }
0x1d: {  	[spmem:s10] =	stream.linear.scatter [tilespmem:s16], [sflag:$0x2], $0x4000, $0x38;
	[tilespmem:$0x1D000] =	vst v63  }
0x1e: {  	_ =	swait.ge [sflag:s17], $0x4000  }
0x1f: {  	[sflag:s17] =	ssyncset.done $0x0  }
0x20: {  	[sflag:s17] =	ssyncadd.s32 $0xFFFFC000  }
0x21: {  	[spmem:s11] =	stream.linear.scatter [tilespmem:s16], [sflag:$0x2], $0x4000, $0x38;
	[tilespmem:$0x1D000] =	vst v63  }
0x22: {  	_ =	swait.ge [sflag:s17], $0x4000  }
0x23: {  	[sflag:s17] =	ssyncset.done $0x0  }
0x24: {  	[sflag:s17] =	ssyncadd.s32 $0xFFFFC000  }
0x25: {  	[spmem:s12] =	stream.linear.scatter [tilespmem:s16], [sflag:$0x2], $0x4000, $0x38;
	[tilespmem:$0x1D000] =	vst v63  }
0x26: {  	_ =	swait.ge [sflag:s17], $0x4000  }
0x27: {  	[sflag:s17] =	ssyncset.done $0x0  }
0x28: {  	[sflag:s17] =	ssyncadd.s32 $0xFFFFC000  }
0x29: {  	s25 =	simm.s32 $0x0;
	[bflag:$0x0] =	sbarrier.arrive $0xFFFF  }
.LBB2_2:
0x2a: {  	s26 =	sshll.u32 s25, $0xB  }
0x2b: {  	s26 =	sadd.s32 s13, s26  }
0x2c: {  	s26 =	sshrl.u32 s26, $0x3  }
0x2d: {  	s29 =	simm.s32 $0x0;
	s28 =	sadd.s32 s6, s26  }
0x2e: {  	[tilespmem:s29], [sflag:$0x2] =	stream.linear.gather [hbm4b:s28+s29], $0x800, $0x38;
	[tilespmem:$0x1D000] =	vst v63  }
0x2f: {  	_ =	swait.ge [sflag:s17], $0x800  }
0x30: {  	[sflag:s17] =	ssyncset.done $0x0  }
0x31: {  	s26 =	sadd.s32 s7, s26;
	[sflag:s17] =	ssyncadd.s32 $0xFFFFF800  }
0x32: {  	[tilespmem:s18], [sflag:$0x2] =	stream.linear.gather [hbm4b:s26+s29], $0x800, $0x38;
	[tilespmem:$0x1D000] =	vst v63  }
0x33: {  	_ =	swait.ge [sflag:s17], $0x800  }
0x34: {  	[sflag:s17] =	ssyncset.done $0x0  }
0x35: {  	s30 =	simm.s32 $0x0;
	[sflag:s17] =	ssyncadd.s32 $0xFFFFF800  }
0x36: {  	[tilespmem:s20], [sflag:$0x1] =	stream.indirect.gather [hbm4b:s5+s19], $0x80, s30, s19, $0xb8;
	[tilespmem:$0x1D000] =	vst v63  }
0x37: {  	_ =	swait.ge [sflag:s21], $0x4000  }
0x38: {  	[sflag:s21] =	ssyncset.done $0x0  }
0x39: {  	s31 =	simm.s32 $0x800;
	[sflag:s21] =	ssyncadd.s32 $0xFFFFC000  }
0x3a: {  	[spmem:s3] =	stream.indirect.scatter.add.f32 [tilespmem:s20], [sflag:$0x2], $0x80, s31, s19, $0xb8;
	[tilespmem:$0x1D000] =	vst v63  }
0x3b: {  	_ =	swait.ge [sflag:s17], $0x4000  }
0x3c: {  	s28 =	simm.s32 $0x400;
	s26 =	simm.s32 $0x200;
	[sflag:s17] =	ssyncset.done $0x0  }
.LBB2_3:
0x3d: {  	s29 =	sshra.s32 s26, $0x2  }
0x3e: {  	[sflag:s17] =	ssyncadd.s32 $0xFFFFC000;
	s26 =	smov.u32 s28;
	s30 =	sadd.s32 $0x200, s28  }
0x3f: {  	[tilespmem:s20], [sflag:$0x1] =	stream.indirect.gather [hbm4b:s5+s19], $0x80, s29, s19, $0xb8;
	[tilespmem:$0x1D000] =	vst v63  }
0x40: {  	p0 =	sne.s32 s28, $0x1E00;
	_ =	swait.ge [sflag:s21], $0x4000  }
.Ltmp0:
0x41: {  	[sflag:s21] =	ssyncset.done $0x0;
	(pc) =	sbr.rel @p0 .LBB2_3-.Ltmp0, $4  }
0x42: {  	s28 =	sadd.s32 $0x800, s29;
	[sflag:s21] =	ssyncadd.s32 $0xFFFFC000  }
0x43: {  	[spmem:s3] =	stream.indirect.scatter.add.f32 [tilespmem:s20], [sflag:$0x2], $0x80, s28, s19, $0xb8;
	[tilespmem:$0x1D000] =	vst v63  }
0x44: {  	_ =	swait.ge [sflag:s17], $0x4000  }
0x45: {  	s28 =	smov.u32 s30;
	[sflag:s17] =	ssyncset.done $0x0  }
0x46: {  	s26 =	sshra.s32 s26, $0x2;
	[sflag:s17] =	ssyncadd.s32 $0xFFFFC000  }
0x47: {  	[tilespmem:s20], [sflag:$0x1] =	stream.indirect.gather [hbm4b:s5+s19], $0x80, s26, s19, $0xb8;
	[tilespmem:$0x1D000] =	vst v63  }
0x48: {  	s25 =	sadd.s32 $0x1, s25;
	_ =	swait.ge [sflag:s21], $0x4000  }
0x49: {  	p0 =	sne.s32 s25, $0x5;
	[sflag:s21] =	ssyncset.done $0x0  }
.Ltmp1:
0x4a: {  	s26 =	sadd.s32 $0x800, s26;
	[sflag:s21] =	ssyncadd.s32 $0xFFFFC000;
	(pc) =	sbr.rel @p0 .LBB2_2-.Ltmp1, $4  }
0x4b: {  	[spmem:s3] =	stream.indirect.scatter.add.f32 [tilespmem:s20], [sflag:$0x2], $0x80, s26, s19, $0xb8;
	[tilespmem:$0x1D000] =	vst v63  }
0x4c: {  	_ =	swait.ge [sflag:s17], $0x4000  }
0x4d: {  	[sflag:s17] =	ssyncset.done $0x0  }
0x4e: {  	[sflag:s17] =	ssyncadd.s32 $0xFFFFC000  }
0x4f: {  	s24 =	sadd.s32 $0x1, s24  }
0x50: {  	p0 =	sne.s32 s24, s15  }
.Ltmp2:
0x51: {  	[bflag:$0x0] =	sbarrier.arrive $0xFFFF;
	(pc) =	sbr.rel @p0 .LBB2_1-.Ltmp2, $4  }
0x52: {  	[hbm:s14], [sflag:s22] =	dma.local [spmem:s23], $0x2800  }
0x53: {  	_ =	swait.ge [sflag:s17], $0x2800  }
0x54: {  	[sflag:s17] =	ssyncset.done $0x0  }
0x55: {  	[sflag:s17] =	ssyncadd.s32 $0xFFFFD800  }
0x56: {  	_ =	sfence.sel $0x180000  }
0x57: {  	[bflag:$0x0] =	sbarrier.arrive $0xFFFF  }
0x58: {  	p0 =	sne.s32 s2, $0x0;
	_ =	strace $0x9000004D  }
0x59: {  	s0 =	sadd.s32 @!p0 $0x100000, s0;
	[bflag:$0x2] =	sbarrier.arrive $0xFFFF  }
0x5a: {  	[sflag:s0] =	ssyncadd.tile.s32 @!p0 $0x1;
	_ =	shalt  }
.Lfunc_end2:
_tile_overlayer_lowered:
.L_overlay_start_2:
0x5b: {  	(tag) =	ssettag $0x2  }
0x5c: {  	s0 =	rddreg [dreg:$0x0];
	s2 =	stileid.u32  }
0x5d: {  	s1 =	rddreg [dreg:$0x1];
	p0 =	sne.s32 s2, $0x0  }
0x5e: {  	s3 =	rddreg [dreg:$0x2];
	[bflag:$0x3] =	sbarrier.arrive $0xFFFF;
	s2 =	simm.s32 @!p0 $0x1C02  }
0x5f: {  	[timem:s3], [sflag:s2] =	dma.local @!p0 [hbm:s0], s1  }
0x60: {  	s0 =	simm.s32 @!p0 $0x2  }
0x61: {  	_ =	swait.ge @!p0 [sflag:s0], s1  }
0x62: {  	s1 =	ssub.s32 @!p0 $0x0, s1;
	[sflag:s0] =	ssyncset.done @!p0 $0x0  }
0x63: {  	[sflag:s0] =	ssyncadd.s32 @!p0 s1  }
0x64: {  	[bflag:$0x3] =	sbarrier.arrive $0xFFFF  }
0x65: {  	_ =	shalt  }

// kernel: kernel.21.cloned.1.call-start
scs
__scs_entry_jumppad:
0x0: {  	(pc) =	sbr.rel $0x88, $3  }
0x1: {  	(tag) =	ssettag $0x0;
	lr =	simm.s32 $0x1  }
0x2: {  	[smem:$0x3F91] =	sst lr;
	_ =	strace $0xD0000000  }
0x3: {  	_ = 	snop  }
0x4: {  	_ = 	snop  }
0x5: {  	_ = 	snop  }
0x6: {  	_ = 	snop  }
0x7: {  	_ = 	snop  }
__scs_overlays_trampoline_lowered:
0x8: {  	[smem:$0x3FA0] =	sst s0  }
0x9: {  	[smem:$0x3FA1] =	sst s1  }
0xa: {  	[smem:$0x3FA2] =	sst s2  }
0xb: {  	[smem:$0x3FA3] =	sst s3  }
0xc: {  	[smem:$0x3FA4] =	sst s4  }
0xd: {  	[smem:$0x3FA5] =	sst s5  }
0xe: {  	[smem:$0x3FA6] =	sst s6  }
0xf: {  	[smem:$0x3FA7] =	sst s7  }
0x10: {  	[smem:$0x3FA8] =	sst s8  }
0x11: {  	[smem:$0x3FA9] =	sst s9;
	s0 =	simm.s32 @!p0 $0x0  }
0x12: {  	s1 =	sld [smem:$0x3F8F];
	s0 =	simm.s32 @p0 $0x1  }
0x13: {  	[smem:$0x3FAA] =	sst s0;
	s0 =	simm.s32 @!p1 $0x0  }
0x14: {  	s2 =	sld [smem:$0x3F8E];
	s0 =	simm.s32 @p1 $0x1  }
0x15: {  	[smem:$0x3FAB] =	sst s0;
	s0 =	simm.s32 @!p2 $0x0  }
0x16: {  	s3 =	sld [smem:$0x3FDB];
	s0 =	simm.s32 @p2 $0x1  }
0x17: {  	s4 =	simm.s32 $0x1BF5;
	[smem:$0x3FAD] =	sst s0  }
0x18: {  	s0 =	sld [smem:$0x3F90];
	_ =	swait.ge [sflag:s4], $0x0  }
0x19: {  	s7 =	sld [smem:$0x3F91]  }
0x1a: {  	s8 =	sadd.s32 $0xFFFFE003, lr  }
0x1b: {  	s9 =	sadd.s32 $0xFFFFFEF7, lr;
	s5 =	simm.s32 $0xFFFFFFFF;
	p2 =	slt.u32 s8, $0xFFFFF086  }
0x1c: {  	p1 =	slt.u32 s9, $0xF7A;
	s5 =	simm.s32 @!p2 $0x0  }
0x1d: {  	s5 =	simm.s32 @p1 $0x1;
	p0 =	seq.s32 s7, s2  }
0x1e: {  	s7 =	smul.u32 @!p0 $0xF7A, s2;
	p2 =	seq.s32 @!p0 s5, $0x0  }
0x1f: {  	s9 =	smul.u32 $0xF7A, s1;
	s8 =	simm.s32 @!p0 $0x1BF5;
	p2 =	por !p2, p0  }
0x20: {  	[sflag:s8] =	ssyncset.s32 @!p0 $0xFFFFF086;
	s6 =	sadd.s32 @!p0 s3, s7;
	s7 =	simm.s32 @!p0 $0x108  }
0x21: {  	s3 =	sadd.s32 s3, s9;
	s6 =	sadd.s32 @!p0 $0x88, s6;
	s7 =	simm.s32 @p2 $0x1082  }
0x22: {  	[simem:s7], [sflag:s8] =	dma.local @!p0 [hbm:s6], $0xF7A  }
0x23: {  	s9 =	sor.u32 $0xD0000000, s2;
	s6 =	simm.s32 $0x108;
	_ =	swait.ge @!p0 [sflag:s8], $0x0  }
0x24: {  	s3 =	sadd.s32 $0x88, s3;
	s6 =	simm.s32 @!p1 $0x1082;
	[sflag:s4] =	ssyncset.s32 $0xFFFFF086  }
0x25: {  	[simem:s6], [sflag:s4] =	dma.local [hbm:s3], $0xF7A  }
0x26: {  	[smem:$0x3F91] =	sst s1;
	(tag) =	ssettag s2;
	_ =	strace s9  }
0x27: {  	s1 =	sld [smem:$0x3FA1]  }
0x28: {  	s2 =	sld [smem:$0x3FA2]  }
0x29: {  	s4 =	sld [smem:$0x3FA4]  }
0x2a: {  	p0 =	seq.s32 s5, $0x0;
	s5 =	sld [smem:$0x3FA5]  }
0x2b: {  	s6 =	sld [smem:$0x3FA6]  }
0x2c: {  	s7 =	sld [smem:$0x3FA7]  }
0x2d: {  	s3 =	simm.s32 $0x108;
	s8 =	sld [smem:$0x3FA8]  }
0x2e: {  	s3 =	simm.s32 @!p0 $0x1082;
	s9 =	sld [smem:$0x3FA9]  }
0x2f: {  	lr =	sadd.s32 s0, s3;
	s0 =	sld [smem:$0x3FA0]  }
0x30: {  	s3 =	sld [smem:$0x3FA3]  }
0x31: {  	[smem:$0x3FAC] =	sst s10  }
0x32: {  	s10 =	sld [smem:$0x3FAA];
	_ =	sdelay $0x3  }
0x33: {  	p0 =	seq.s32 s10, $0x1;
	s10 =	sld [smem:$0x3FAC];
	_ =	sdelay $0x3  }
0x34: {  	[smem:$0x3FAC] =	sst s10  }
0x35: {  	s10 =	sld [smem:$0x3FAB];
	_ =	sdelay $0x3  }
0x36: {  	p1 =	seq.s32 s10, $0x1;
	s10 =	sld [smem:$0x3FAC];
	_ =	sdelay $0x3  }
0x37: {  	[smem:$0x3FAC] =	sst s10  }
0x38: {  	s10 =	sld [smem:$0x3FAD]  }
0x39: {  	_ = 	snop;
	(pc) =	sbr.ind lr, $3  }
0x3a: {  	_ = 	snop  }
0x3b: {  	_ = 	snop  }
0x3c: {  	p2 =	seq.s32 s10, $0x1;
	s10 =	sld [smem:$0x3FAC]  }
0x3d: {  	_ =	shalt  }
0x3e: {  	_ =	shalt  }
0x3f: {  	_ =	shalt  }
0x40: {  	_ =	shalt  }
0x41: {  	_ =	shalt  }
0x42: {  	_ =	shalt  }
0x43: {  	_ =	shalt  }
0x44: {  	_ =	shalt  }
0x45: {  	_ =	shalt  }
0x46: {  	_ =	shalt  }
0x47: {  	_ =	shalt  }
0x48: {  	_ =	shalt  }
0x49: {  	_ =	shalt  }
0x4a: {  	_ =	shalt  }
0x4b: {  	_ =	shalt  }
0x4c: {  	_ =	shalt  }
0x4d: {  	_ =	shalt  }
0x4e: {  	_ =	shalt  }
0x4f: {  	_ =	shalt  }
0x50: {  	_ =	shalt  }
0x51: {  	_ =	shalt  }
0x52: {  	_ =	shalt  }
0x53: {  	_ =	shalt  }
0x54: {  	_ =	shalt  }
0x55: {  	_ =	shalt  }
0x56: {  	_ =	shalt  }
0x57: {  	_ =	shalt  }
0x58: {  	_ =	shalt  }
0x59: {  	_ =	shalt  }
0x5a: {  	_ =	shalt  }
0x5b: {  	_ =	shalt  }
0x5c: {  	_ =	shalt  }
0x5d: {  	_ =	shalt  }
0x5e: {  	_ =	shalt  }
0x5f: {  	_ =	shalt  }
0x60: {  	_ =	shalt  }
0x61: {  	_ =	shalt  }
0x62: {  	_ =	shalt  }
0x63: {  	_ =	shalt  }
0x64: {  	_ =	shalt  }
0x65: {  	_ =	shalt  }
0x66: {  	_ =	shalt  }
0x67: {  	_ =	shalt  }
0x68: {  	_ =	shalt  }
0x69: {  	_ =	shalt  }
0x6a: {  	_ =	shalt  }
0x6b: {  	_ =	shalt  }
0x6c: {  	_ =	shalt  }
0x6d: {  	_ =	shalt  }
0x6e: {  	_ =	shalt  }
0x6f: {  	_ =	shalt  }
0x70: {  	_ =	shalt  }
0x71: {  	_ =	shalt  }
0x72: {  	_ =	shalt  }
0x73: {  	_ =	shalt  }
0x74: {  	_ =	shalt  }
0x75: {  	_ =	shalt  }
0x76: {  	_ =	shalt  }
0x77: {  	_ =	shalt  }
0x78: {  	_ =	shalt  }
0x79: {  	_ =	shalt  }
0x7a: {  	_ =	shalt  }
0x7b: {  	_ =	shalt  }
0x7c: {  	_ =	shalt  }
0x7d: {  	_ =	shalt  }
0x7e: {  	_ =	shalt  }
0x7f: {  	_ =	shalt  }
0x80: {  	_ =	shalt  }
0x81: {  	_ =	shalt  }
0x82: {  	_ =	shalt  }
0x83: {  	_ =	shalt  }
0x84: {  	_ =	shalt  }
0x85: {  	_ =	shalt  }
0x86: {  	_ =	shalt  }
0x87: {  	_ =	shalt  }
.Lfunc_end0:
.L_simem_size_0:
called_computation.3_lowered:
.L_overlay_start_0:
0x88: {  	s2 =	sld [smem:$0x3FD9]  }
0x89: {  	s3 =	sld [smem:$0x3FFE];
	_ =	sdelay $0x1  }
0x8a: {  	s1 =	srdreg.scid  }
0x8b: {  	s0 =	sand.u32 $0x1, s1  }
0x8c: {  	s17 =	sshll.u32 s0, $0xA;
	s2 =	sadd.s32 s3, s2  }
0x8d: {  	s2 =	sadd.s32 s2, s17  }
0x8e: {  	[smem:$0x3FB8] =	sst s2  }
0x8f: {  	_ = 	snop  }
0x90: {  	s2 =	sld [smem:$0x3FD0];
	(tm) =	ssettm $0x1  }
0x91: {  	s18 =	sld [smem:$0x3FFB];
	_ =	sdelay $0x3  }
0x92: {  	_ =	strace s18  }
0x93: {  	s3 =	sld [smem:$0x3FFC];
	_ =	sdelay $0x3  }
0x94: {  	_ =	strace s3  }
0x95: {  	s3 =	sld [smem:$0x3FFD];
	_ =	sdelay $0x3  }
0x96: {  	_ =	strace s3  }
0x97: {  	_ =	strace $0x8FFFFFFF  }
0x98: {  	s19 =	sld [smem:$0x3FDB];
	_ =	sdelay $0x1  }
0x99: {  	s4 =	simm.s32 $_scs_section_size  }
0x9a: {  	s5 =	simm.s32 $_size__tile_overlayer_lowered;
	s6 =	simm.s32 $_tile_overlayer_lowered  }
0x9b: {  	s22 =	simm.s32 $0x1BFF;
	s21 =	sshll.u32 s6, $0x1;
	s3 =	sadd.s32 s4, s19  }
0x9c: {  	s7 =	simm.s32 $0x0;
	s20 =	sshll.u32 s5, $0x1;
	s5 =	sadd.s32 s21, s3  }
0x9d: {  	[timem:s7], [sflag:s22] =	dma.local [hbm:s5], s20  }
0x9e: {  	_ =	swait.ge [sflag:s22], s20  }
0x9f: {  	s4 =	ssub.s32 $0x0, s20;
	[sflag:s22] =	ssyncset.done $0x0  }
0xa0: {  	[sflag:s22] =	ssyncadd.s32 s4;
	_ =	sdelay $0x1  }
0xa1: {  	s23 =	simm.s32 $0x1B8B  }
0xa2: {  	_ =	swait.ge [sflag:s23], $0x1  }
0xa3: {  	[sflag:s23] =	ssyncset.done $0x0  }
0xa4: {  	s25 =	simm.s32 $0x1B8E;
	s24 =	sld [smem:$0x3FFE];
	[sflag:s23] =	ssyncadd.s32 $0xFFFFFFFF  }
0xa5: {  	s26 =	simm.s32 $execute0_lowered;
	[smem:$0x3FD2] =	sst s25  }
0xa6: {  	s5 =	sshll.u32 s26, $0x1;
	_ =	strace $0x8000004F;
	[dreg:$0x1] =	wrdreg $0xFFFFFFFF  }
0xa7: {  	s28 =	simm.s32 $_size_execute0_lowered;
	s3 =	sadd.s32 s3, s5;
	[dreg:$0x0] =	wrdreg $0x0  }
0xa8: {  	s5 =	sshll.u32 s28, $0x1;
	[dreg:$0x2] =	wrdreg s3  }
0xa9: {  	[dreg:$0x3] =	wrdreg s5  }
0xaa: {  	[dreg:$0x4] =	wrdreg $0xC0  }
0xab: {  	_ =	task [dreg:s7], $0x5FFFF  }
0xac: {  	[dreg:$0x1] =	wrdreg $0xFFFFFFFF  }
0xad: {  	[dreg:$0x0] =	wrdreg $0x60  }
0xae: {  	[dreg:$0x2] =	wrdreg s24  }
0xaf: {  	[dreg:$0x3] =	wrdreg s2  }
0xb0: {  	[dreg:$0x4] =	wrdreg $0x90000  }
0xb1: {  	[dreg:$0x5] =	wrdreg $0x9  }
0xb2: {  	_ =	task.clear_ibuf [dreg:s7], $0x6FFFF;
	_ =	strace $0x9000004F  }
0xb3: {  	s29 =	simm.s32 $0x9;
	_ =	strace $0x80000051  }
0xb4: {  	_ =	swait.ge [sflag:s29], $0x1  }
0xb5: {  	[sflag:s29] =	ssyncadd.s32 $0xFFFFFFFF  }
0xb6: {  	_ =	strace $0x90000051  }
0xb7: {  	_ =	sfence  }
0xb8: {  	s30 =	sld [smem:$0x0];
	_ =	sdelay $0x2  }
0xb9: {  	s31 =	sshll.u32 s1, $0xD;
	s1 =	sshrl.u32 s1, $0x2  }
0xba: {  	s3 =	sand.u32 $0x4000, s31;
	s1 =	sadd.s32 s1, s30  }
0xbb: {  	s0 =	sor.u32 s3, s0;
	s1 =	sshll.u32 s1, $0x11  }
0xbc: {  	s0 =	sor.u32 s1, s0  }
0xbd: {  	s0 =	sadd.s32 $0x8F2B, s0  }
0xbe: {  	[sflag:s0] =	ssyncadd.remote.s32 $0x1  }
0xbf: {  	_ =	sfence.sel $0xFFFF  }
0xc0: {  	[dreg:$0x0] =	wrdreg $0xFFFFFFFF;
	(pc) =	sbr.abs _section_cstart, $3  }
0xc1: {  	[dreg:$0x1] =	wrdreg $0xFFFFFFFF  }
0xc2: {  	_ =	task.clear_ibuf [dreg:s7], $0x2FFFF;
	_ =	strace $0x9FFFFFFF  }
0xc3: {  	(tm) =	ssettm $0x7FFFFFFF  }
tec
execute0_lowered:
.L_overlay_start_1:
0x0: {  	(tag) =	ssettag $0x1  }
0x1: {  	s8 =	rddreg [dreg:$0x0]  }
0x2: {  	s1 =	rddreg [dreg:$0x1]  }
0x3: {  	s3 =	rddreg [dreg:$0x2]  }
0x4: {  	s0 =	rddreg [dreg:$0x3];
	s4 =	simm.s32 $0x0;
	s5 =	srdreg.scid  }
0x5: {  	s2 =	stileid.u32;
	s16 =	simm.s32 $0x1000;
	s17 =	simm.s32 $0x2  }
0x6: {  	s18 =	simm.s32 $0x800;
	s19 =	simm.s32 $0x80;
	s20 =	simm.s32 $0x5000  }
0x7: {  	s21 =	simm.s32 $0x1;
	s24 =	simm.s32 $0x0;
	[smem:$0x7FF] =	sst s4  }
0x8: {  	s9 =	sand.u32 $0x1, s5;
	s10 =	smul.u32 $0x2800, s2;
	s5 =	sadd.s32 $0x18200, s8  }
0x9: {  	s6 =	sadd.s32 $0x4200, s8;
	s12 =	smul.u32 $0x50000, s2;
	s7 =	sadd.s32 $0xE200, s8  }
0xa: {  	s22 =	sshll.u32 s2, $0x6;
	_ =	strace $0x80000050;
	s11 =	smul.u32 $0x28000, s9  }
0xb: {  	s29 =	ssub.s32 $0x2, s9;
	s9 =	sshll.u32 s9, $0x4;
	s22 =	sor.u32 $0x1C02, s22  }
0xc: {  	s30 =	sshrl.u32 s29, $0x1;
	s31 =	sshrl.u32 s12, $0x2;
	s13 =	sor.u32 s2, s9  }
0xd: {  	s10 =	sadd.s32 s10, s11;
	s15 =	ssub.s32 s29, s30;
	s13 =	smul.u32 $0x2800, s13  }
0xe: {  	s14 =	sadd.s32 s10, s8;
	s8 =	sadd.s32 s31, s3;
	s15 =	smax.u32 s15, $0x1  }
0xf: {  	s9 =	sadd.s32 $0x4000, s8;
	s10 =	sadd.s32 $0x8000, s8;
	s11 =	sadd.s32 $0xC000, s8  }
0x10: {  	s12 =	sadd.s32 $0x10000, s8;
	s14 =	sadd.s32 $0x40200, s14;
	s23 =	sshrl.u32 s8, $0x3  }
.LBB2_1:
0x11: {  	[tilespmem:s16], [sflag:$0x2] =	stream.linear.gather [hbm4b:s1+s4], $0x4000, $0x38;
	[tilespmem:$0x1D000] =	vst v63  }
0x12: {  	_ =	swait.ge [sflag:s17], $0x4000  }
0x13: {  	[sflag:s17] =	ssyncset.done $0x0  }
0x14: {  	[sflag:s17] =	ssyncadd.s32 $0xFFFFC000  }
0x15: {  	[spmem:s8] =	stream.linear.scatter [tilespmem:s16], [sflag:$0x2], $0x4000, $0x38;
	[tilespmem:$0x1D000] =	vst v63  }
0x16: {  	_ =	swait.ge [sflag:s17], $0x4000  }
0x17: {  	[sflag:s17] =	ssyncset.done $0x0  }
0x18: {  	[sflag:s17] =	ssyncadd.s32 $0xFFFFC000  }
0x19: {  	[spmem:s9] =	stream.linear.scatter [tilespmem:s16], [sflag:$0x2], $0x4000, $0x38;
	[tilespmem:$0x1D000] =	vst v63  }
0x1a: {  	_ =	swait.ge [sflag:s17], $0x4000  }
0x1b: {  	[sflag:s17] =	ssyncset.done $0x0  }
0x1c: {  	[sflag:s17] =	ssyncadd.s32 $0xFFFFC000  }
0x1d: {  	[spmem:s10] =	stream.linear.scatter [tilespmem:s16], [sflag:$0x2], $0x4000, $0x38;
	[tilespmem:$0x1D000] =	vst v63  }
0x1e: {  	_ =	swait.ge [sflag:s17], $0x4000  }
0x1f: {  	[sflag:s17] =	ssyncset.done $0x0  }
0x20: {  	[sflag:s17] =	ssyncadd.s32 $0xFFFFC000  }
0x21: {  	[spmem:s11] =	stream.linear.scatter [tilespmem:s16], [sflag:$0x2], $0x4000, $0x38;
	[tilespmem:$0x1D000] =	vst v63  }
0x22: {  	_ =	swait.ge [sflag:s17], $0x4000  }
0x23: {  	[sflag:s17] =	ssyncset.done $0x0  }
0x24: {  	[sflag:s17] =	ssyncadd.s32 $0xFFFFC000  }
0x25: {  	[spmem:s12] =	stream.linear.scatter [tilespmem:s16], [sflag:$0x2], $0x4000, $0x38;
	[tilespmem:$0x1D000] =	vst v63  }
0x26: {  	_ =	swait.ge [sflag:s17], $0x4000  }
0x27: {  	[sflag:s17] =	ssyncset.done $0x0  }
0x28: {  	[sflag:s17] =	ssyncadd.s32 $0xFFFFC000  }
0x29: {  	s25 =	simm.s32 $0x0;
	[bflag:$0x0] =	sbarrier.arrive $0xFFFF  }
.LBB2_2:
0x2a: {  	s26 =	sshll.u32 s25, $0xB  }
0x2b: {  	s26 =	sadd.s32 s13, s26  }
0x2c: {  	s26 =	sshrl.u32 s26, $0x3  }
0x2d: {  	s29 =	simm.s32 $0x0;
	s28 =	sadd.s32 s6, s26  }
0x2e: {  	[tilespmem:s29], [sflag:$0x2] =	stream.linear.gather [hbm4b:s28+s29], $0x800, $0x38;
	[tilespmem:$0x1D000] =	vst v63  }
0x2f: {  	_ =	swait.ge [sflag:s17], $0x800  }
0x30: {  	[sflag:s17] =	ssyncset.done $0x0  }
0x31: {  	s26 =	sadd.s32 s7, s26;
	[sflag:s17] =	ssyncadd.s32 $0xFFFFF800  }
0x32: {  	[tilespmem:s18], [sflag:$0x2] =	stream.linear.gather [hbm4b:s26+s29], $0x800, $0x38;
	[tilespmem:$0x1D000] =	vst v63  }
0x33: {  	_ =	swait.ge [sflag:s17], $0x800  }
0x34: {  	[sflag:s17] =	ssyncset.done $0x0  }
0x35: {  	s30 =	simm.s32 $0x0;
	[sflag:s17] =	ssyncadd.s32 $0xFFFFF800  }
0x36: {  	[tilespmem:s20], [sflag:$0x1] =	stream.indirect.gather [hbm4b:s5+s19], $0x80, s30, s19, $0xb8;
	[tilespmem:$0x1D000] =	vst v63  }
0x37: {  	_ =	swait.ge [sflag:s21], $0x4000  }
0x38: {  	[sflag:s21] =	ssyncset.done $0x0  }
0x39: {  	s31 =	simm.s32 $0x800;
	[sflag:s21] =	ssyncadd.s32 $0xFFFFC000  }
0x3a: {  	[spmem:s3] =	stream.indirect.scatter.add.f32 [tilespmem:s20], [sflag:$0x2], $0x80, s31, s19, $0xb8;
	[tilespmem:$0x1D000] =	vst v63  }
0x3b: {  	_ =	swait.ge [sflag:s17], $0x4000  }
0x3c: {  	s28 =	simm.s32 $0x400;
	s26 =	simm.s32 $0x200;
	[sflag:s17] =	ssyncset.done $0x0  }
.LBB2_3:
0x3d: {  	s29 =	sshra.s32 s26, $0x2  }
0x3e: {  	[sflag:s17] =	ssyncadd.s32 $0xFFFFC000;
	s26 =	smov.u32 s28;
	s30 =	sadd.s32 $0x200, s28  }
0x3f: {  	[tilespmem:s20], [sflag:$0x1] =	stream.indirect.gather [hbm4b:s5+s19], $0x80, s29, s19, $0xb8;
	[tilespmem:$0x1D000] =	vst v63  }
0x40: {  	p0 =	sne.s32 s28, $0x1E00;
	_ =	swait.ge [sflag:s21], $0x4000  }
.Ltmp0:
0x41: {  	[sflag:s21] =	ssyncset.done $0x0;
	(pc) =	sbr.rel @p0 .LBB2_3-.Ltmp0, $4  }
0x42: {  	s28 =	sadd.s32 $0x800, s29;
	[sflag:s21] =	ssyncadd.s32 $0xFFFFC000  }
0x43: {  	[spmem:s3] =	stream.indirect.scatter.add.f32 [tilespmem:s20], [sflag:$0x2], $0x80, s28, s19, $0xb8;
	[tilespmem:$0x1D000] =	vst v63  }
0x44: {  	_ =	swait.ge [sflag:s17], $0x4000  }
0x45: {  	s28 =	smov.u32 s30;
	[sflag:s17] =	ssyncset.done $0x0  }
0x46: {  	s26 =	sshra.s32 s26, $0x2;
	[sflag:s17] =	ssyncadd.s32 $0xFFFFC000  }
0x47: {  	[tilespmem:s20], [sflag:$0x1] =	stream.indirect.gather [hbm4b:s5+s19], $0x80, s26, s19, $0xb8;
	[tilespmem:$0x1D000] =	vst v63  }
0x48: {  	s25 =	sadd.s32 $0x1, s25;
	_ =	swait.ge [sflag:s21], $0x4000  }
0x49: {  	p0 =	sne.s32 s25, $0x5;
	[sflag:s21] =	ssyncset.done $0x0  }
.Ltmp1:
0x4a: {  	s26 =	sadd.s32 $0x800, s26;
	[sflag:s21] =	ssyncadd.s32 $0xFFFFC000;
	(pc) =	sbr.rel @p0 .LBB2_2-.Ltmp1, $4  }
0x4b: {  	[spmem:s3] =	stream.indirect.scatter.add.f32 [tilespmem:s20], [sflag:$0x2], $0x80, s26, s19, $0xb8;
	[tilespmem:$0x1D000] =	vst v63  }
0x4c: {  	_ =	swait.ge [sflag:s17], $0x4000  }
0x4d: {  	[sflag:s17] =	ssyncset.done $0x0  }
0x4e: {  	[sflag:s17] =	ssyncadd.s32 $0xFFFFC000  }
0x4f: {  	s24 =	sadd.s32 $0x1, s24  }
0x50: {  	p0 =	sne.s32 s24, s15  }
.Ltmp2:
0x51: {  	[bflag:$0x0] =	sbarrier.arrive $0xFFFF;
	(pc) =	sbr.rel @p0 .LBB2_1-.Ltmp2, $4  }
0x52: {  	[hbm:s14], [sflag:s22] =	dma.local [spmem:s23], $0x2800  }
0x53: {  	_ =	swait.ge [sflag:s17], $0x2800  }
0x54: {  	[sflag:s17] =	ssyncset.done $0x0  }
0x55: {  	[sflag:s17] =	ssyncadd.s32 $0xFFFFD800  }
0x56: {  	_ =	sfence.sel $0x180000  }
0x57: {  	[bflag:$0x0] =	sbarrier.arrive $0xFFFF  }
0x58: {  	p0 =	sne.s32 s2, $0x0;
	_ =	strace $0x90000050  }
0x59: {  	s0 =	sadd.s32 @!p0 $0x100000, s0;
	[bflag:$0x2] =	sbarrier.arrive $0xFFFF  }
0x5a: {  	[sflag:s0] =	ssyncadd.tile.s32 @!p0 $0x1;
	_ =	shalt  }
.Lfunc_end2:
_tile_overlayer_lowered:
.L_overlay_start_2:
0x5b: {  	(tag) =	ssettag $0x2  }
0x5c: {  	s0 =	rddreg [dreg:$0x0];
	s2 =	stileid.u32  }
0x5d: {  	s1 =	rddreg [dreg:$0x1];
	p0 =	sne.s32 s2, $0x0  }
0x5e: {  	s3 =	rddreg [dreg:$0x2];
	[bflag:$0x3] =	sbarrier.arrive $0xFFFF;
	s2 =	simm.s32 @!p0 $0x1C02  }
0x5f: {  	[timem:s3], [sflag:s2] =	dma.local @!p0 [hbm:s0], s1  }
0x60: {  	s0 =	simm.s32 @!p0 $0x2  }
0x61: {  	_ =	swait.ge @!p0 [sflag:s0], s1  }
0x62: {  	s1 =	ssub.s32 @!p0 $0x0, s1;
	[sflag:s0] =	ssyncset.done @!p0 $0x0  }
0x63: {  	[sflag:s0] =	ssyncadd.s32 @!p0 s1  }
0x64: {  	[bflag:$0x3] =	sbarrier.arrive $0xFFFF  }
0x65: {  	_ =	shalt  }

// kernel: kernel.24.cloned.1.call-start
scs
__scs_entry_jumppad:
0x0: {  	(pc) =	sbr.rel $0x88, $3  }
0x1: {  	(tag) =	ssettag $0x0;
	lr =	simm.s32 $0x1  }
0x2: {  	[smem:$0x3F91] =	sst lr;
	_ =	strace $0xD0000000  }
0x3: {  	_ = 	snop  }
0x4: {  	_ = 	snop  }
0x5: {  	_ = 	snop  }
0x6: {  	_ = 	snop  }
0x7: {  	_ = 	snop  }
__scs_overlays_trampoline_lowered:
0x8: {  	[smem:$0x3FA0] =	sst s0  }
0x9: {  	[smem:$0x3FA1] =	sst s1  }
0xa: {  	[smem:$0x3FA2] =	sst s2  }
0xb: {  	[smem:$0x3FA3] =	sst s3  }
0xc: {  	[smem:$0x3FA4] =	sst s4  }
0xd: {  	[smem:$0x3FA5] =	sst s5  }
0xe: {  	[smem:$0x3FA6] =	sst s6  }
0xf: {  	[smem:$0x3FA7] =	sst s7  }
0x10: {  	[smem:$0x3FA8] =	sst s8  }
0x11: {  	[smem:$0x3FA9] =	sst s9;
	s0 =	simm.s32 @!p0 $0x0  }
0x12: {  	s1 =	sld [smem:$0x3F8F];
	s0 =	simm.s32 @p0 $0x1  }
0x13: {  	[smem:$0x3FAA] =	sst s0;
	s0 =	simm.s32 @!p1 $0x0  }
0x14: {  	s2 =	sld [smem:$0x3F8E];
	s0 =	simm.s32 @p1 $0x1  }
0x15: {  	[smem:$0x3FAB] =	sst s0;
	s0 =	simm.s32 @!p2 $0x0  }
0x16: {  	s3 =	sld [smem:$0x3FDB];
	s0 =	simm.s32 @p2 $0x1  }
0x17: {  	s4 =	simm.s32 $0x1BF5;
	[smem:$0x3FAD] =	sst s0  }
0x18: {  	s0 =	sld [smem:$0x3F90];
	_ =	swait.ge [sflag:s4], $0x0  }
0x19: {  	s7 =	sld [smem:$0x3F91]  }
0x1a: {  	s8 =	sadd.s32 $0xFFFFE003, lr  }
0x1b: {  	s9 =	sadd.s32 $0xFFFFFEF7, lr;
	s5 =	simm.s32 $0xFFFFFFFF;
	p2 =	slt.u32 s8, $0xFFFFF086  }
0x1c: {  	p1 =	slt.u32 s9, $0xF7A;
	s5 =	simm.s32 @!p2 $0x0  }
0x1d: {  	s5 =	simm.s32 @p1 $0x1;
	p0 =	seq.s32 s7, s2  }
0x1e: {  	s7 =	smul.u32 @!p0 $0xF7A, s2;
	p2 =	seq.s32 @!p0 s5, $0x0  }
0x1f: {  	s9 =	smul.u32 $0xF7A, s1;
	s8 =	simm.s32 @!p0 $0x1BF5;
	p2 =	por !p2, p0  }
0x20: {  	[sflag:s8] =	ssyncset.s32 @!p0 $0xFFFFF086;
	s6 =	sadd.s32 @!p0 s3, s7;
	s7 =	simm.s32 @!p0 $0x108  }
0x21: {  	s3 =	sadd.s32 s3, s9;
	s6 =	sadd.s32 @!p0 $0x88, s6;
	s7 =	simm.s32 @p2 $0x1082  }
0x22: {  	[simem:s7], [sflag:s8] =	dma.local @!p0 [hbm:s6], $0xF7A  }
0x23: {  	s9 =	sor.u32 $0xD0000000, s2;
	s6 =	simm.s32 $0x108;
	_ =	swait.ge @!p0 [sflag:s8], $0x0  }
0x24: {  	s3 =	sadd.s32 $0x88, s3;
	s6 =	simm.s32 @!p1 $0x1082;
	[sflag:s4] =	ssyncset.s32 $0xFFFFF086  }
0x25: {  	[simem:s6], [sflag:s4] =	dma.local [hbm:s3], $0xF7A  }
0x26: {  	[smem:$0x3F91] =	sst s1;
	(tag) =	ssettag s2;
	_ =	strace s9  }
0x27: {  	s1 =	sld [smem:$0x3FA1]  }
0x28: {  	s2 =	sld [smem:$0x3FA2]  }
0x29: {  	s4 =	sld [smem:$0x3FA4]  }
0x2a: {  	p0 =	seq.s32 s5, $0x0;
	s5 =	sld [smem:$0x3FA5]  }
0x2b: {  	s6 =	sld [smem:$0x3FA6]  }
0x2c: {  	s7 =	sld [smem:$0x3FA7]  }
0x2d: {  	s3 =	simm.s32 $0x108;
	s8 =	sld [smem:$0x3FA8]  }
0x2e: {  	s3 =	simm.s32 @!p0 $0x1082;
	s9 =	sld [smem:$0x3FA9]  }
0x2f: {  	lr =	sadd.s32 s0, s3;
	s0 =	sld [smem:$0x3FA0]  }
0x30: {  	s3 =	sld [smem:$0x3FA3]  }
0x31: {  	[smem:$0x3FAC] =	sst s10  }
0x32: {  	s10 =	sld [smem:$0x3FAA];
	_ =	sdelay $0x3  }
0x33: {  	p0 =	seq.s32 s10, $0x1;
	s10 =	sld [smem:$0x3FAC];
	_ =	sdelay $0x3  }
0x34: {  	[smem:$0x3FAC] =	sst s10  }
0x35: {  	s10 =	sld [smem:$0x3FAB];
	_ =	sdelay $0x3  }
0x36: {  	p1 =	seq.s32 s10, $0x1;
	s10 =	sld [smem:$0x3FAC];
	_ =	sdelay $0x3  }
0x37: {  	[smem:$0x3FAC] =	sst s10  }
0x38: {  	s10 =	sld [smem:$0x3FAD]  }
0x39: {  	_ = 	snop;
	(pc) =	sbr.ind lr, $3  }
0x3a: {  	_ = 	snop  }
0x3b: {  	_ = 	snop  }
0x3c: {  	p2 =	seq.s32 s10, $0x1;
	s10 =	sld [smem:$0x3FAC]  }
0x3d: {  	_ =	shalt  }
0x3e: {  	_ =	shalt  }
0x3f: {  	_ =	shalt  }
0x40: {  	_ =	shalt  }
0x41: {  	_ =	shalt  }
0x42: {  	_ =	shalt  }
0x43: {  	_ =	shalt  }
0x44: {  	_ =	shalt  }
0x45: {  	_ =	shalt  }
0x46: {  	_ =	shalt  }
0x47: {  	_ =	shalt  }
0x48: {  	_ =	shalt  }
0x49: {  	_ =	shalt  }
0x4a: {  	_ =	shalt  }
0x4b: {  	_ =	shalt  }
0x4c: {  	_ =	shalt  }
0x4d: {  	_ =	shalt  }
0x4e: {  	_ =	shalt  }
0x4f: {  	_ =	shalt  }
0x50: {  	_ =	shalt  }
0x51: {  	_ =	shalt  }
0x52: {  	_ =	shalt  }
0x53: {  	_ =	shalt  }
0x54: {  	_ =	shalt  }
0x55: {  	_ =	shalt  }
0x56: {  	_ =	shalt  }
0x57: {  	_ =	shalt  }
0x58: {  	_ =	shalt  }
0x59: {  	_ =	shalt  }
0x5a: {  	_ =	shalt  }
0x5b: {  	_ =	shalt  }
0x5c: {  	_ =	shalt  }
0x5d: {  	_ =	shalt  }
0x5e: {  	_ =	shalt  }
0x5f: {  	_ =	shalt  }
0x60: {  	_ =	shalt  }
0x61: {  	_ =	shalt  }
0x62: {  	_ =	shalt  }
0x63: {  	_ =	shalt  }
0x64: {  	_ =	shalt  }
0x65: {  	_ =	shalt  }
0x66: {  	_ =	shalt  }
0x67: {  	_ =	shalt  }
0x68: {  	_ =	shalt  }
0x69: {  	_ =	shalt  }
0x6a: {  	_ =	shalt  }
0x6b: {  	_ =	shalt  }
0x6c: {  	_ =	shalt  }
0x6d: {  	_ =	shalt  }
0x6e: {  	_ =	shalt  }
0x6f: {  	_ =	shalt  }
0x70: {  	_ =	shalt  }
0x71: {  	_ =	shalt  }
0x72: {  	_ =	shalt  }
0x73: {  	_ =	shalt  }
0x74: {  	_ =	shalt  }
0x75: {  	_ =	shalt  }
0x76: {  	_ =	shalt  }
0x77: {  	_ =	shalt  }
0x78: {  	_ =	shalt  }
0x79: {  	_ =	shalt  }
0x7a: {  	_ =	shalt  }
0x7b: {  	_ =	shalt  }
0x7c: {  	_ =	shalt  }
0x7d: {  	_ =	shalt  }
0x7e: {  	_ =	shalt  }
0x7f: {  	_ =	shalt  }
0x80: {  	_ =	shalt  }
0x81: {  	_ =	shalt  }
0x82: {  	_ =	shalt  }
0x83: {  	_ =	shalt  }
0x84: {  	_ =	shalt  }
0x85: {  	_ =	shalt  }
0x86: {  	_ =	shalt  }
0x87: {  	_ =	shalt  }
.Lfunc_end0:
.L_simem_size_0:
called_computation.4_lowered:
.L_overlay_start_0:
0x88: {  	s2 =	sld [smem:$0x3FD9]  }
0x89: {  	s3 =	sld [smem:$0x3FFE];
	_ =	sdelay $0x1  }
0x8a: {  	s1 =	srdreg.scid  }
0x8b: {  	s0 =	sand.u32 $0x1, s1  }
0x8c: {  	s16 =	sshll.u32 s0, $0xA;
	s2 =	sadd.s32 s3, s2  }
0x8d: {  	s2 =	sadd.s32 s2, s16  }
0x8e: {  	[smem:$0x3FB8] =	sst s2  }
0x8f: {  	_ = 	snop  }
0x90: {  	(tm) =	ssettm $0x1  }
0x91: {  	s17 =	sld [smem:$0x3FFB];
	_ =	sdelay $0x3  }
0x92: {  	_ =	strace s17  }
0x93: {  	s2 =	sld [smem:$0x3FFC];
	_ =	sdelay $0x3  }
0x94: {  	_ =	strace s2  }
0x95: {  	s2 =	sld [smem:$0x3FFD];
	_ =	sdelay $0x3  }
0x96: {  	_ =	strace s2  }
0x97: {  	_ =	strace $0x8FFFFFFF  }
0x98: {  	s18 =	sld [smem:$0x3FDB];
	_ =	sdelay $0x1  }
0x99: {  	s19 =	simm.s32 $_scs_section_size  }
0x9a: {  	s4 =	simm.s32 $_size__tile_overlayer_lowered;
	s5 =	simm.s32 $_tile_overlayer_lowered  }
0x9b: {  	s22 =	simm.s32 $0x1BFF;
	s21 =	sshll.u32 s5, $0x1;
	s2 =	sadd.s32 s19, s18  }
0x9c: {  	s6 =	simm.s32 $0x0;
	s20 =	sshll.u32 s4, $0x1;
	s4 =	sadd.s32 s21, s2  }
0x9d: {  	[timem:s6], [sflag:s22] =	dma.local [hbm:s4], s20  }
0x9e: {  	_ =	swait.ge [sflag:s22], s20  }
0x9f: {  	s3 =	ssub.s32 $0x0, s20;
	[sflag:s22] =	ssyncset.done $0x0  }
0xa0: {  	[sflag:s22] =	ssyncadd.s32 s3;
	_ =	sdelay $0x1  }
0xa1: {  	s23 =	simm.s32 $0x1B8B  }
0xa2: {  	_ =	swait.ge [sflag:s23], $0x1  }
0xa3: {  	[sflag:s23] =	ssyncset.done $0x0  }
0xa4: {  	s25 =	simm.s32 $0x1B8E;
	s24 =	sld [smem:$0x3FFE];
	[sflag:s23] =	ssyncadd.s32 $0xFFFFFFFF  }
0xa5: {  	s26 =	simm.s32 $execute0_lowered;
	[smem:$0x3FD2] =	sst s25  }
0xa6: {  	s4 =	sshll.u32 s26, $0x1;
	_ =	strace $0x80000052;
	[dreg:$0x1] =	wrdreg $0xFFFFFFFF  }
0xa7: {  	s28 =	simm.s32 $_size_execute0_lowered;
	s2 =	sadd.s32 s2, s4;
	[dreg:$0x0] =	wrdreg $0x0  }
0xa8: {  	s4 =	sshll.u32 s28, $0x1;
	[dreg:$0x2] =	wrdreg s2  }
0xa9: {  	[dreg:$0x3] =	wrdreg s4  }
0xaa: {  	[dreg:$0x4] =	wrdreg $0xC0  }
0xab: {  	_ =	task [dreg:s6], $0x5FFFF  }
0xac: {  	[dreg:$0x1] =	wrdreg $0xFFFFFFFF  }
0xad: {  	[dreg:$0x0] =	wrdreg $0x60  }
0xae: {  	[dreg:$0x2] =	wrdreg s24  }
0xaf: {  	[dreg:$0x3] =	wrdreg $0x9  }
0xb0: {  	_ =	task.clear_ibuf [dreg:s6], $0x4FFFF;
	_ =	strace $0x90000052  }
0xb1: {  	s29 =	simm.s32 $0x9;
	_ =	strace $0x80000054  }
0xb2: {  	_ =	swait.ge [sflag:s29], $0x1  }
0xb3: {  	[sflag:s29] =	ssyncadd.s32 $0xFFFFFFFF  }
0xb4: {  	_ =	strace $0x90000054  }
0xb5: {  	_ =	sfence  }
0xb6: {  	s30 =	sld [smem:$0x0];
	_ =	sdelay $0x2  }
0xb7: {  	s31 =	sshll.u32 s1, $0xD;
	s1 =	sshrl.u32 s1, $0x2  }
0xb8: {  	s3 =	sand.u32 $0x4000, s31;
	s1 =	sadd.s32 s1, s30  }
0xb9: {  	s0 =	sor.u32 s3, s0;
	s1 =	sshll.u32 s1, $0x11  }
0xba: {  	s0 =	sor.u32 s1, s0  }
0xbb: {  	s0 =	sadd.s32 $0x8F2B, s0  }
0xbc: {  	[sflag:s0] =	ssyncadd.remote.s32 $0x1  }
0xbd: {  	_ =	sfence.sel $0xFFFF  }
0xbe: {  	[dreg:$0x0] =	wrdreg $0xFFFFFFFF;
	(pc) =	sbr.abs _section_cstart, $3  }
0xbf: {  	[dreg:$0x1] =	wrdreg $0xFFFFFFFF  }
0xc0: {  	_ =	task.clear_ibuf [dreg:s6], $0x2FFFF;
	_ =	strace $0x9FFFFFFF  }
0xc1: {  	(tm) =	ssettm $0x7FFFFFFF  }
tec
execute0_lowered:
.L_overlay_start_1:
0x0: {  	(tag) =	ssettag $0x1  }
0x1: {  	s4 =	rddreg [dreg:$0x0]  }
0x2: {  	s0 =	rddreg [dreg:$0x1];
	s2 =	simm.s32 $0x0;
	s3 =	srdreg.scid  }
0x3: {  	s1 =	stileid.u32;
	s10 =	simm.s32 $0x1;
	s11 =	simm.s32 $0x0  }
0x4: {  	[smem:$0x7FF] =	sst s2;
	s5 =	sand.u32 $0x1, s3;
	s6 =	sshll.u32 s1, $0x9  }
0x5: {  	s3 =	sadd.s32 $0x4200, s4;
	s30 =	sshll.u32 s1, $0x10;
	_ =	strace $0x80000053  }
0x6: {  	s7 =	sshll.u32 s5, $0xD;
	s28 =	ssub.s32 $0x2, s5;
	s5 =	sshll.u32 s5, $0x14  }
0x7: {  	s6 =	sor.u32 s6, s7;
	s8 =	sshrl.u32 s28, $0x1;
	s9 =	sadd.s32 s5, s4  }
0x8: {  	s7 =	simm.s32 $0x2;
	s6 =	sadd.s32 s6, s4;
	s29 =	ssub.s32 s28, s8  }
0x9: {  	s31 =	sadd.s32 s30, s9;
	s8 =	simm.s32 $0x80;
	s9 =	simm.s32 $0x1000  }
0xa: {  	s4 =	sadd.s32 $0x90200, s6;
	s5 =	smax.u32 s29, $0x1;
	s6 =	sadd.s32 $0x94200, s31  }
.LBB2_1:
0xb: {  	[tilespmem:s2], [sflag:$0x2] =	stream.linear.gather [hbm4b:s4+s2], $0x1000, $0x38;
	[tilespmem:$0x5000] =	vst v63  }
0xc: {  	_ =	swait.ge [sflag:s7], $0x1000  }
0xd: {  	[sflag:s7] =	ssyncset.done $0x0  }
0xe: {  	s12 =	simm.s32 $0x0;
	[sflag:s7] =	ssyncadd.s32 $0xFFFFF000  }
0xf: {  	[tilespmem:s9], [sflag:$0x1] =	stream.indirect.gather [hbm4b:s3+s8], $0x80, s12, s8, $0xb8;
	[tilespmem:$0x5000] =	vst v63  }
0x10: {  	_ =	swait.ge [sflag:s10], $0x4000  }
0x11: {  	[sflag:s10] =	ssyncset.done $0x0  }
0x12: {  	[sflag:s10] =	ssyncadd.s32 $0xFFFFC000  }
0x13: {  	[hbm4b:s6+s2] =	stream.linear.scatter [tilespmem:s9], [sflag:$0x2], $0x4000, $0x38;
	[tilespmem:$0x5000] =	vst v63  }
0x14: {  	s13 =	simm.s32 $0x200;
	_ =	swait.ge [sflag:s7], $0x4000  }
0x15: {  	s14 =	simm.s32 $0x400;
	s12 =	sadd.s32 $0x800, s6;
	[sflag:s7] =	ssyncset.done $0x0  }
.LBB2_2:
0x16: {  	s15 =	sshra.s32 s13, $0x2  }
0x17: {  	[sflag:s7] =	ssyncadd.s32 $0xFFFFC000;
	s13 =	smov.u32 s14;
	s16 =	sadd.s32 $0x200, s14  }
0x18: {  	[tilespmem:s9], [sflag:$0x1] =	stream.indirect.gather [hbm4b:s3+s8], $0x80, s15, s8, $0xb8;
	[tilespmem:$0x5000] =	vst v63  }
0x19: {  	p0 =	sne.s32 s14, $0x3E00;
	_ =	swait.ge [sflag:s10], $0x4000  }
.Ltmp0:
0x1a: {  	[sflag:s10] =	ssyncset.done $0x0;
	(pc) =	sbr.rel @p0 .LBB2_2-.Ltmp0, $4  }
0x1b: {  	[sflag:s10] =	ssyncadd.s32 $0xFFFFC000  }
0x1c: {  	[hbm4b:s12+s2] =	stream.linear.scatter [tilespmem:s9], [sflag:$0x2], $0x4000, $0x38;
	[tilespmem:$0x5000] =	vst v63  }
0x1d: {  	_ =	swait.ge [sflag:s7], $0x4000  }
0x1e: {  	s14 =	smov.u32 s16;
	s12 =	sadd.s32 $0x800, s12;
	[sflag:s7] =	ssyncset.done $0x0  }
0x1f: {  	s13 =	sshra.s32 s13, $0x2;
	[sflag:s7] =	ssyncadd.s32 $0xFFFFC000  }
0x20: {  	[tilespmem:s9], [sflag:$0x1] =	stream.indirect.gather [hbm4b:s3+s8], $0x80, s13, s8, $0xb8;
	[tilespmem:$0x5000] =	vst v63  }
0x21: {  	s11 =	sadd.s32 $0x1, s11;
	_ =	swait.ge [sflag:s10], $0x4000  }
0x22: {  	p0 =	sne.s32 s11, s5;
	[sflag:s10] =	ssyncset.done $0x0  }
.Ltmp1:
0x23: {  	[sflag:s10] =	ssyncadd.s32 $0xFFFFC000;
	(pc) =	sbr.rel @p0 .LBB2_1-.Ltmp1, $4  }
0x24: {  	[hbm4b:s12+s2] =	stream.linear.scatter [tilespmem:s9], [sflag:$0x2], $0x4000, $0x38;
	[tilespmem:$0x5000] =	vst v63  }
0x25: {  	_ =	swait.ge [sflag:s7], $0x4000  }
0x26: {  	[sflag:s7] =	ssyncset.done $0x0  }
0x27: {  	[sflag:s7] =	ssyncadd.s32 $0xFFFFC000  }
0x28: {  	_ =	sfence.sel $0x180000  }
0x29: {  	[bflag:$0x0] =	sbarrier.arrive $0xFFFF  }
0x2a: {  	p0 =	sne.s32 s1, $0x0;
	_ =	strace $0x90000053  }
0x2b: {  	s0 =	sadd.s32 @!p0 $0x100000, s0;
	[bflag:$0x2] =	sbarrier.arrive $0xFFFF  }
0x2c: {  	[sflag:s0] =	ssyncadd.tile.s32 @!p0 $0x1;
	_ =	shalt  }
.Lfunc_end2:
_tile_overlayer_lowered:
.L_overlay_start_2:
0x2d: {  	(tag) =	ssettag $0x2  }
0x2e: {  	s0 =	rddreg [dreg:$0x0];
	s2 =	stileid.u32  }
0x2f: {  	s1 =	rddreg [dreg:$0x1];
	p0 =	sne.s32 s2, $0x0  }
0x30: {  	s3 =	rddreg [dreg:$0x2];
	[bflag:$0x3] =	sbarrier.arrive $0xFFFF;
	s2 =	simm.s32 @!p0 $0x1C02  }
0x31: {  	[timem:s3], [sflag:s2] =	dma.local @!p0 [hbm:s0], s1  }
0x32: {  	s0 =	simm.s32 @!p0 $0x2  }
0x33: {  	_ =	swait.ge @!p0 [sflag:s0], s1  }
0x34: {  	s1 =	ssub.s32 @!p0 $0x0, s1;
	[sflag:s0] =	ssyncset.done @!p0 $0x0  }
0x35: {  	[sflag:s0] =	ssyncadd.s32 @!p0 s1  }
0x36: {  	[bflag:$0x3] =	sbarrier.arrive $0xFFFF  }
0x37: {  	_ =	shalt  }

</sc_bundles>
